<compile_context>
chip_gen: v7x
topology: tpu7x:2x2x1
jax: 0.10.2.dev20260603
libtpu: 0.0.44.dev20260713+nightly
codegen_flags: <defaults>
</compile_context>

<pallas_src>
import functools

import jax
import jax.numpy as jnp
from jax import lax
from jax.experimental import pallas as pl
from jax.experimental.pallas import tpu as pltpu
from jax.experimental.pallas import tpu_sc as plsc

F32 = jnp.float32
I32 = jnp.int32
LANE = 16
B = 64
NW = 32


def _k1_body(x_ref, wt_ref, a1_ref, a2_ref, h_ref, s1_ref, s2_ref):
    h = jnp.dot(x_ref[...], wt_ref[...], preferred_element_type=F32)
    h_ref[...] = h
    s1_ref[...] = jnp.dot(h, a1_ref[...], preferred_element_type=F32)
    s2_ref[...] = jnp.dot(h, a2_ref[...], preferred_element_type=F32)


def _k3_body(op_ref, dp_ref, r_ref, x_ref, g_ref, b_ref, o_ref):
    den = dp_ref[0] + dp_ref[1] + 1e-16
    den_e = jnp.dot(den, r_ref[...], preferred_element_type=F32)
    o = (op_ref[0] + op_ref[1]) / den_e
    mu = jnp.mean(o, axis=-1, keepdims=True)
    d = o - mu
    var = jnp.mean(d * d, axis=-1, keepdims=True)
    y = d * lax.rsqrt(var + 1e-5) * g_ref[...] + b_ref[...]
    y = jnp.where(y > 0.0, y, jnp.exp(jnp.minimum(y, 0.0)) - 1.0)
    o_ref[...] = y + x_ref[...]


def kernel(x, edge_index, W, att, ln_gamma, ln_beta):
    N, C = x.shape
    H = att.shape[1]
    D = att.shape[2] // 2
    HD = H * D
    E = edge_index.shape[1]

    CH = 4 * (-(-E // (4 * B * NW)))
    EP = B * NW * CH
    NP = -(-(N + 1) // 2048) * 2048
    ZR = NP // 16

    ei = edge_index.astype(I32)
    src = ei[0]
    dst = ei[1]
    dst3 = jnp.concatenate([dst, jnp.full((EP - E,), N, I32)]).reshape(NW, CH, B)
    src3 = jnp.concatenate([src, jnp.zeros((EP - E,), I32)]).reshape(NW, CH, B)
    e4 = jnp.stack([dst3, src3], axis=2).reshape(NW * CH, 2, B)
    xP = jnp.concatenate([x, jnp.zeros((NP - N, C), F32)])

    attd = att[0, :, :D]
    atts = att[0, :, D:]
    eye = jnp.eye(H, dtype=F32)
    Ad = (eye[:, None, :] * attd[:, :, None]).reshape(HD, H)
    As = (eye[:, None, :] * atts[:, :, None]).reshape(HD, H)
    A1 = jnp.concatenate([Ad, As], axis=1)
    A2 = jnp.concatenate([As, Ad], axis=1)
    R = (eye[:, None, :] * jnp.ones((H, D, H), F32)).reshape(HD, H).T
    R = jnp.concatenate([R, jnp.zeros((LANE - H, HD), F32)], axis=0)

    hP, s1, s2 = pl.pallas_call(
        _k1_body,
        out_shape=(
            jax.ShapeDtypeStruct((NP, HD), F32),
            jax.ShapeDtypeStruct((NP, LANE), F32),
            jax.ShapeDtypeStruct((NP, LANE), F32),
        ),
    )(xP, W.T, A1, A2)

    mesh = plsc.VectorSubcoreMesh(core_axis_name="c", subcore_axis_name="s")
    sc_params = pltpu.CompilerParams(use_tc_tiling_on_sc=False)

    def _wait(dummy_src, buf, sem):
        pltpu.make_async_copy(dummy_src, buf, sem).wait()

    @functools.partial(
        pl.kernel,
        mesh=mesh,
        out_type=(
            jax.ShapeDtypeStruct((2, NP, LANE), F32),
            jax.ShapeDtypeStruct((2, NP, HD), F32),
        ),
        scratch_types=[
            pltpu.VMEM((4, 2, B), I32),
            pltpu.VMEM((B, LANE), F32),
            pltpu.VMEM((B, LANE), F32),
            pltpu.VMEM((B, LANE), F32),
            pltpu.VMEM((B, LANE), F32),
            pltpu.VMEM((B, HD), F32),
            pltpu.VMEM((B, HD), F32),
            pltpu.VMEM_SHARED((NP, LANE), F32),
            pltpu.VMEM_SHARED((NP, HD), F32),
        ] + [pltpu.SemaphoreType.DMA] * 6,
        compiler_params=sc_params,
    )
    def k2(s1_hbm, s2_hbm, h_hbm, e4_hbm, dp_out, op_out,
           idq, g1a, g1b, g2a, g2b, hva, hvb, dsh, osh,
           sema, semb, isem0, isem1, isem2, isem3):
        cid = lax.axis_index("c")
        sid = lax.axis_index("s")
        wid = cid * 16 + sid
        g1 = (g1a, g1b)
        g2 = (g2a, g2b)
        hv = (hva, hvb)
        sem = (sema, semb)
        isem = (isem0, isem1, isem2, isem3)

        @pl.loop(0, B)
        def _(i):
            for cc in range(HD // LANE):
                hva[i, pl.ds(cc * LANE, LANE)] = jnp.zeros((LANE,), F32)
            g1a[i, :] = jnp.zeros((LANE,), F32)
        for k in range(ZR // B):
            pltpu.sync_copy(hva, osh.at[pl.ds(sid * ZR + k * B, B)])
            pltpu.sync_copy(g1a, dsh.at[pl.ds(sid * ZR + k * B, B)])
        ZREM = ZR - (ZR // B) * B
        if ZREM:
            rows = pl.ds(sid * ZR + (ZR // B) * B, ZREM)
            pltpu.sync_copy(hva.at[pl.ds(0, ZREM)], osh.at[rows])
            pltpu.sync_copy(g1a.at[pl.ds(0, ZREM)], dsh.at[rows])
        plsc.subcore_barrier()

        def idxload(j, s):
            @pl.when(j < CH)
            def _():
                pltpu.async_copy(e4_hbm.at[wid * CH + j], idq.at[s], isem[s])

        def gathers(j, p, s, wait_idx=True):
            @pl.when(j < CH)
            def _():
                if wait_idx:
                    _wait(e4_hbm.at[0], idq.at[s], isem[s])
                pltpu.async_copy(s1_hbm.at[idq.at[s, 0]], g1[p], sem[p])
                pltpu.async_copy(s2_hbm.at[idq.at[s, 1]], g2[p], sem[p])
                pltpu.async_copy(h_hbm.at[idq.at[s, 1]], hv[p], sem[p])

        def compute(j, p, s):
            _wait(s1_hbm.at[pl.ds(0, B)], g1[p], sem[p])
            _wait(s2_hbm.at[pl.ds(0, B)], g2[p], sem[p])
            _wait(h_hbm.at[pl.ds(0, B)], hv[p], sem[p])

            @pl.loop(0, B)
            def _(i):
                v = g1[p][i, :] + g2[p][i, :]
                v = jnp.where(v >= 0.0, v, 0.2 * v)
                v = jnp.exp(v)
                g1[p][i, :] = v
                for hd in range(H):
                    sl = pl.ds(hd * LANE, LANE)
                    hv[p][i, sl] = hv[p][i, sl] * v[hd]

            pltpu.sync_copy(g1[p], dsh.at[idq.at[s, 0]], add=True)
            pltpu.sync_copy(hv[p], osh.at[idq.at[s, 0]], add=True)

        pltpu.sync_copy(e4_hbm.at[wid * CH], idq.at[0])
        pltpu.sync_copy(e4_hbm.at[wid * CH + 1], idq.at[1])
        gathers(0, 0, 0, wait_idx=False)
        gathers(1, 1, 1, wait_idx=False)
        idxload(2, 2)
        idxload(3, 3)

        @pl.loop(0, CH, step=4)
        def _(j):
            compute(j, 0, 0)
            idxload(j + 4, 0)
            gathers(j + 2, 0, 2)
            compute(j + 1, 1, 1)
            idxload(j + 5, 1)
            gathers(j + 3, 1, 3)
            compute(j + 2, 0, 2)
            idxload(j + 6, 2)
            gathers(j + 4, 0, 0)
            compute(j + 3, 1, 3)
            idxload(j + 7, 3)
            gathers(j + 5, 1, 1)

        plsc.subcore_barrier()
        for k in range(ZR // 128):
            rows = pl.ds(sid * ZR + k * 128, 128)
            pltpu.sync_copy(dsh.at[rows], dp_out.at[cid, rows])
            pltpu.sync_copy(osh.at[rows], op_out.at[cid, rows])

    dpart, opart = k2(s1, s2, hP, e4)

    out = pl.pallas_call(
        _k3_body,
        out_shape=jax.ShapeDtypeStruct((NP, HD), F32),
    )(opart, dpart, R, xP, ln_gamma, ln_beta)

    return out[:N]

# --- scband reference (transcript-rebuilt; emitter-appended) ---
"""Pipeline reference for scband-multi-head-gatlayer-69071664054641 (READ-ONLY COPY).

The authoritative reference and input builder live on the scoring server;
editing this copy changes nothing except your own understanding.
"""

import jax, jax.numpy as jnp
import numpy as np

N_NODES = 10000
N_EDGES = 320000
IN_CH = 128
HEADS = 8
HEAD_DIM = 16


def setup_inputs(seed: int = 0) -> dict:
    key = jax.random.key(seed)
    k1, k2, k3, k4 = jax.random.split(key, 4)
    x = jax.random.normal(k1, (N_NODES, IN_CH), dtype=jnp.float32)
    edge_index = jax.random.randint(k2, (2, N_EDGES), 0, N_NODES, dtype=jnp.int64)
    # GATConv linear: weight [heads*head_dim, in_channels], xavier uniform
    fan_in, fan_out = IN_CH, HEADS * HEAD_DIM
    lim = float(np.sqrt(6.0 / (fan_in + fan_out)))
    W = jax.random.uniform(k3, (HEADS * HEAD_DIM, IN_CH), dtype=jnp.float32, minval=-lim, maxval=lim)
    lim_a = float(np.sqrt(6.0 / (1 * HEADS + 2 * HEAD_DIM)))
    att = jax.random.uniform(k4, (1, HEADS, 2 * HEAD_DIM), dtype=jnp.float32, minval=-lim_a, maxval=lim_a)
    ln_gamma = jnp.ones((HEADS * HEAD_DIM,), dtype=jnp.float32)
    ln_beta = jnp.zeros((HEADS * HEAD_DIM,), dtype=jnp.float32)
    return {"x": x, "edge_index": edge_index, "W": W, "att": att, "ln_gamma": ln_gamma, "ln_beta": ln_beta}


def reference(x, edge_index, W, att, ln_gamma, ln_beta):
    N = x.shape[0]
    # GATConv: lin + reshape to [N, H, D]
    h = (x @ W.T).reshape(N, HEADS, HEAD_DIM)
    src = edge_index[0]
    dst = edge_index[1]
    x_i = jnp.take(h, dst, axis=0)  # dst features [E, H, D]
    x_j = jnp.take(h, src, axis=0)  # src features [E, H, D]
    cat = jnp.concatenate([x_i, x_j], axis=-1)  # [E, H, 2D]
    alpha = jnp.sum(cat * att, axis=-1)  # [E, H]
    alpha = jax.nn.leaky_relu(alpha, negative_slope=0.2)
    # segment softmax over destination nodes (PyG softmax)
    amax = jax.ops.segment_max(alpha, dst, num_segments=N)
    amax = jnp.where(jnp.isfinite(amax), amax, 0.0)
    ex = jnp.exp(alpha - amax[dst])
    denom = jax.ops.segment_sum(ex, dst, num_segments=N)
    a = ex / (denom[dst] + 1e-16)
    # message + aggregate (sum into dst)
    msg = x_j * a[..., None]  # [E, H, D]
    out = jax.ops.segment_sum(msg, dst, num_segments=N)  # [N, H, D]
    out = out.reshape(N, HEADS * HEAD_DIM)
    # LayerNorm
    mu = jnp.mean(out, axis=-1, keepdims=True)
    var = jnp.var(out, axis=-1, keepdims=True)
    out = (out - mu) / jnp.sqrt(var + 1e-5) * ln_gamma + ln_beta
    # ELU, dropout (eval -> identity), residual (Identity proj since dims match)
    out = jax.nn.elu(out)
    out = out + x
    return out


if False:  # reference __main__ guard neutralized (emitter)
    inp = setup_inputs()
    o = reference(**inp)
    print(o.shape, o.dtype)

if __name__ == "__main__":
    import jax
    _d = setup_inputs()
    print(jax.jit(kernel)(*tuple(_d.values())))

</pallas_src>

<mosaic_0001>
#map = affine_map<(d0, d1) -> (0, 0)>
#map1 = affine_map<(d0, d1) -> (0, 0, 0)>
module attributes {stable_mosaic.version = 14 : i64} {
  func.func @k2(%arg0: i32, %arg1: i32, %arg2: memref<10240x16xf32, #tpu.memory_space<hbm>>, %arg3: memref<10240x16xf32, #tpu.memory_space<hbm>>, %arg4: memref<10240x128xf32, #tpu.memory_space<hbm>>, %arg5: memref<5120x2x64xi32, #tpu.memory_space<hbm>>, %arg6: memref<2x10240x16xf32, #tpu.memory_space<hbm>>, %arg7: memref<2x10240x128xf32, #tpu.memory_space<hbm>>, %arg8: memref<4x2x64xi32, #tpu.memory_space<vmem>>, %arg9: memref<64x16xf32, #tpu.memory_space<vmem>>, %arg10: memref<64x16xf32, #tpu.memory_space<vmem>>, %arg11: memref<64x16xf32, #tpu.memory_space<vmem>>, %arg12: memref<64x16xf32, #tpu.memory_space<vmem>>, %arg13: memref<64x128xf32, #tpu.memory_space<vmem>>, %arg14: memref<64x128xf32, #tpu.memory_space<vmem>>, %arg15: memref<10240x16xf32, #tpu.memory_space<vmem_shared>>, %arg16: memref<10240x128xf32, #tpu.memory_space<vmem_shared>>, %arg17: memref<!tpu.dma_semaphore, #tpu.memory_space<semaphore_mem>>, %arg18: memref<!tpu.dma_semaphore, #tpu.memory_space<semaphore_mem>>, %arg19: memref<!tpu.dma_semaphore, #tpu.memory_space<semaphore_mem>>, %arg20: memref<!tpu.dma_semaphore, #tpu.memory_space<semaphore_mem>>, %arg21: memref<!tpu.dma_semaphore, #tpu.memory_space<semaphore_mem>>, %arg22: memref<!tpu.dma_semaphore, #tpu.memory_space<semaphore_mem>>) attributes {dimension_semantics = [#tpu.dimension_semantics<core_parallel>, #tpu.dimension_semantics<subcore_parallel>], iteration_bounds = array<i64: 2, 16>, scalar_prefetch = 0 : i64, scratch_operands = 15 : i64, tpu.core_type = #tpu.core_type<sc_vector_subcore>, window_params = [{transform_indices = #map}, {transform_indices = #map}, {transform_indices = #map}, {transform_indices = #map1}, {transform_indices = #map1}, {transform_indices = #map1}]} {
    %mul3A = arith.constant 16 : i32
    %mul3A_0 = arith.muli %arg0, %mul3A : i32
    %add3A = arith.addi %mul3A_0, %arg1 : i32
    %scan3A = arith.constant 0 : i32
    %scan3A_1 = arith.constant 64 : i32
    %scan3A_2 = arith.addi %scan3A, %scan3A_1 : i32
    %scan3A_3 = arith.constant 1 : i32
    scf.for %scan3A_207 = %scan3A to %scan3A_2 step %scan3A_3  : i32 {
      %mul3A_208 = arith.constant 1 : i32
      %mul3A_209 = arith.muli %scan3A_207, %mul3A_208 : i32
      %add3A_210 = arith.constant 0 : i32
      %add3A_211 = arith.addi %add3A_210, %mul3A_209 : i32
      %broadcast_in_dim3A = arith.constant 0.000000e+00 : f32
      %broadcast_in_dim3A_212 = vector.broadcast %broadcast_in_dim3A : f32 to vector<16xf32>
      %swap3A = arith.index_cast %add3A_211 : i32 to index
      %swap3A_213 = arith.constant 0 : index
      %swap3A_214 = tpu.vector_load %arg13[%swap3A, %swap3A_213] {strides = array<i32>} : memref<64x128xf32, #tpu.memory_space<vmem>>, vector<1x16xf32>,
      %swap3A_215 = vector.shape_cast %swap3A_214 : vector<1x16xf32> to vector<16xf32>
      %swap3A_216 = vector.shape_cast %broadcast_in_dim3A_212 : vector<16xf32> to vector<1x16xf32>
      tpu.vector_store %arg13[%swap3A, %swap3A_213], %swap3A_216 {strides = array<i32>} : memref<64x128xf32, #tpu.memory_space<vmem>>, vector<1x16xf32>,
      %broadcast_in_dim3A_217 = arith.constant 0.000000e+00 : f32
      %broadcast_in_dim3A_218 = vector.broadcast %broadcast_in_dim3A_217 : f32 to vector<16xf32>
      %swap3A_219 = arith.index_cast %add3A_211 : i32 to index
      %swap3A_220 = arith.constant 16 : index
      %swap3A_221 = tpu.vector_load %arg13[%swap3A_219, %swap3A_220] {strides = array<i32>} : memref<64x128xf32, #tpu.memory_space<vmem>>, vector<1x16xf32>,
      %swap3A_222 = vector.shape_cast %swap3A_221 : vector<1x16xf32> to vector<16xf32>
      %swap3A_223 = vector.shape_cast %broadcast_in_dim3A_218 : vector<16xf32> to vector<1x16xf32>
      tpu.vector_store %arg13[%swap3A_219, %swap3A_220], %swap3A_223 {strides = array<i32>} : memref<64x128xf32, #tpu.memory_space<vmem>>, vector<1x16xf32>,
      %broadcast_in_dim3A_224 = arith.constant 0.000000e+00 : f32
      %broadcast_in_dim3A_225 = vector.broadcast %broadcast_in_dim3A_224 : f32 to vector<16xf32>
      %swap3A_226 = arith.index_cast %add3A_211 : i32 to index
      %swap3A_227 = arith.constant 32 : index
      %swap3A_228 = tpu.vector_load %arg13[%swap3A_226, %swap3A_227] {strides = array<i32>} : memref<64x128xf32, #tpu.memory_space<vmem>>, vector<1x16xf32>,
      %swap3A_229 = vector.shape_cast %swap3A_228 : vector<1x16xf32> to vector<16xf32>
      %swap3A_230 = vector.shape_cast %broadcast_in_dim3A_225 : vector<16xf32> to vector<1x16xf32>
      tpu.vector_store %arg13[%swap3A_226, %swap3A_227], %swap3A_230 {strides = array<i32>} : memref<64x128xf32, #tpu.memory_space<vmem>>, vector<1x16xf32>,
      %broadcast_in_dim3A_231 = arith.constant 0.000000e+00 : f32
      %broadcast_in_dim3A_232 = vector.broadcast %broadcast_in_dim3A_231 : f32 to vector<16xf32>
      %swap3A_233 = arith.index_cast %add3A_211 : i32 to index
      %swap3A_234 = arith.constant 48 : index
      %swap3A_235 = tpu.vector_load %arg13[%swap3A_233, %swap3A_234] {strides = array<i32>} : memref<64x128xf32, #tpu.memory_space<vmem>>, vector<1x16xf32>,
      %swap3A_236 = vector.shape_cast %swap3A_235 : vector<1x16xf32> to vector<16xf32>
      %swap3A_237 = vector.shape_cast %broadcast_in_dim3A_232 : vector<16xf32> to vector<1x16xf32>
      tpu.vector_store %arg13[%swap3A_233, %swap3A_234], %swap3A_237 {strides = array<i32>} : memref<64x128xf32, #tpu.memory_space<vmem>>, vector<1x16xf32>,
      %broadcast_in_dim3A_238 = arith.constant 0.000000e+00 : f32
      %broadcast_in_dim3A_239 = vector.broadcast %broadcast_in_dim3A_238 : f32 to vector<16xf32>
      %swap3A_240 = arith.index_cast %add3A_211 : i32 to index
      %swap3A_241 = arith.constant 64 : index
      %swap3A_242 = tpu.vector_load %arg13[%swap3A_240, %swap3A_241] {strides = array<i32>} : memref<64x128xf32, #tpu.memory_space<vmem>>, vector<1x16xf32>,
      %swap3A_243 = vector.shape_cast %swap3A_242 : vector<1x16xf32> to vector<16xf32>
      %swap3A_244 = vector.shape_cast %broadcast_in_dim3A_239 : vector<16xf32> to vector<1x16xf32>
      tpu.vector_store %arg13[%swap3A_240, %swap3A_241], %swap3A_244 {strides = array<i32>} : memref<64x128xf32, #tpu.memory_space<vmem>>, vector<1x16xf32>,
      %broadcast_in_dim3A_245 = arith.constant 0.000000e+00 : f32
      %broadcast_in_dim3A_246 = vector.broadcast %broadcast_in_dim3A_245 : f32 to vector<16xf32>
      %swap3A_247 = arith.index_cast %add3A_211 : i32 to index
      %swap3A_248 = arith.constant 80 : index
      %swap3A_249 = tpu.vector_load %arg13[%swap3A_247, %swap3A_248] {strides = array<i32>} : memref<64x128xf32, #tpu.memory_space<vmem>>, vector<1x16xf32>,
      %swap3A_250 = vector.shape_cast %swap3A_249 : vector<1x16xf32> to vector<16xf32>
      %swap3A_251 = vector.shape_cast %broadcast_in_dim3A_246 : vector<16xf32> to vector<1x16xf32>
      tpu.vector_store %arg13[%swap3A_247, %swap3A_248], %swap3A_251 {strides = array<i32>} : memref<64x128xf32, #tpu.memory_space<vmem>>, vector<1x16xf32>,
      %broadcast_in_dim3A_252 = arith.constant 0.000000e+00 : f32
      %broadcast_in_dim3A_253 = vector.broadcast %broadcast_in_dim3A_252 : f32 to vector<16xf32>
      %swap3A_254 = arith.index_cast %add3A_211 : i32 to index
      %swap3A_255 = arith.constant 96 : index
      %swap3A_256 = tpu.vector_load %arg13[%swap3A_254, %swap3A_255] {strides = array<i32>} : memref<64x128xf32, #tpu.memory_space<vmem>>, vector<1x16xf32>,
      %swap3A_257 = vector.shape_cast %swap3A_256 : vector<1x16xf32> to vector<16xf32>
      %swap3A_258 = vector.shape_cast %broadcast_in_dim3A_253 : vector<16xf32> to vector<1x16xf32>
      tpu.vector_store %arg13[%swap3A_254, %swap3A_255], %swap3A_258 {strides = array<i32>} : memref<64x128xf32, #tpu.memory_space<vmem>>, vector<1x16xf32>,
      %broadcast_in_dim3A_259 = arith.constant 0.000000e+00 : f32
      %broadcast_in_dim3A_260 = vector.broadcast %broadcast_in_dim3A_259 : f32 to vector<16xf32>
      %swap3A_261 = arith.index_cast %add3A_211 : i32 to index
      %swap3A_262 = arith.constant 112 : index
      %swap3A_263 = tpu.vector_load %arg13[%swap3A_261, %swap3A_262] {strides = array<i32>} : memref<64x128xf32, #tpu.memory_space<vmem>>, vector<1x16xf32>,
      %swap3A_264 = vector.shape_cast %swap3A_263 : vector<1x16xf32> to vector<16xf32>
      %swap3A_265 = vector.shape_cast %broadcast_in_dim3A_260 : vector<16xf32> to vector<1x16xf32>
      tpu.vector_store %arg13[%swap3A_261, %swap3A_262], %swap3A_265 {strides = array<i32>} : memref<64x128xf32, #tpu.memory_space<vmem>>, vector<1x16xf32>,
      %broadcast_in_dim3A_266 = arith.constant 0.000000e+00 : f32
      %broadcast_in_dim3A_267 = vector.broadcast %broadcast_in_dim3A_266 : f32 to vector<16xf32>
      %swap3A_268 = arith.index_cast %add3A_211 : i32 to index
      %swap3A_269 = arith.constant 0 : index
      %swap3A_270 = tpu.vector_load %arg9[%swap3A_268, %swap3A_269] {strides = array<i32>} : memref<64x16xf32, #tpu.memory_space<vmem>>, vector<1x16xf32>,
      %swap3A_271 = vector.shape_cast %swap3A_270 : vector<1x16xf32> to vector<16xf32>
      %swap3A_272 = vector.shape_cast %broadcast_in_dim3A_267 : vector<16xf32> to vector<1x16xf32>
      tpu.vector_store %arg9[%swap3A_268, %swap3A_269], %swap3A_272 {strides = array<i32>} : memref<64x16xf32, #tpu.memory_space<vmem>>, vector<1x16xf32>,
    }
    %scan3A_4 = arith.constant 64 : i32
    %mul3A_5 = arith.constant 640 : i32
    %mul3A_6 = arith.muli %arg1, %mul3A_5 : i32
    %add3A_7 = arith.constant 0 : i32
    %add3A_8 = arith.addi %mul3A_6, %add3A_7 : i32
    "tpu.region"() ({
      %run_scoped3A_207 = tpu.sem_alloc : memref<!tpu.dma_semaphore, #tpu.memory_space<semaphore_mem>>
      %dma_start3A_208 = arith.constant 0 : i32
      %dma_start3A_209 = tpu.memref_slice %arg16[%add3A_8, %dma_start3A_208] : memref<10240x128xf32, #tpu.memory_space<vmem_shared>> -> memref<64x128xf32, #tpu.memory_space<vmem_shared>>
      %dma_start3A_210 = arith.constant 0 : i32
      %dma_start3A_211 = tpu.memref_slice %arg16[%add3A_8, %dma_start3A_210] : memref<10240x128xf32, #tpu.memory_space<vmem_shared>> -> memref<64x128xf32, #tpu.memory_space<vmem_shared>>
      tpu.enqueue_dma source(%arg13 : memref<64x128xf32, #tpu.memory_space<vmem>>) target(%dma_start3A_211 : memref<64x128xf32, #tpu.memory_space<vmem_shared>>) target_semaphore(%run_scoped3A_207 : memref<!tpu.dma_semaphore, #tpu.memory_space<semaphore_mem>>)
      %dma_wait3A = arith.constant 0 : i32
      %dma_wait3A_212 = tpu.memref_slice %arg16[%add3A_8, %dma_wait3A] : memref<10240x128xf32, #tpu.memory_space<vmem_shared>> -> memref<64x128xf32, #tpu.memory_space<vmem_shared>>
      %dma_wait3A_213 = arith.constant 0 : i32
      %dma_wait3A_214 = tpu.memref_slice %arg16[%add3A_8, %dma_wait3A_213] : memref<10240x128xf32, #tpu.memory_space<vmem_shared>> -> memref<64x128xf32, #tpu.memory_space<vmem_shared>>
      tpu.wait_dma2 semaphore(%run_scoped3A_207 : memref<!tpu.dma_semaphore, #tpu.memory_space<semaphore_mem>>) src(%arg13 : memref<64x128xf32, #tpu.memory_space<vmem>>) dst(%dma_wait3A_214 : memref<64x128xf32, #tpu.memory_space<vmem_shared>>)
      tpu.yield
    }) : () -> ()
    %mul3A_9 = arith.constant 640 : i32
    %mul3A_10 = arith.muli %arg1, %mul3A_9 : i32
    %add3A_11 = arith.constant 0 : i32
    %add3A_12 = arith.addi %mul3A_10, %add3A_11 : i32
    "tpu.region"() ({
      %run_scoped3A_207 = tpu.sem_alloc : memref<!tpu.dma_semaphore, #tpu.memory_space<semaphore_mem>>
      %dma_start3A_208 = arith.constant 0 : i32
      %dma_start3A_209 = tpu.memref_slice %arg15[%add3A_12, %dma_start3A_208] : memref<10240x16xf32, #tpu.memory_space<vmem_shared>> -> memref<64x16xf32, #tpu.memory_space<vmem_shared>>
      %dma_start3A_210 = arith.constant 0 : i32
      %dma_start3A_211 = tpu.memref_slice %arg15[%add3A_12, %dma_start3A_210] : memref<10240x16xf32, #tpu.memory_space<vmem_shared>> -> memref<64x16xf32, #tpu.memory_space<vmem_shared>>
      tpu.enqueue_dma source(%arg9 : memref<64x16xf32, #tpu.memory_space<vmem>>) target(%dma_start3A_211 : memref<64x16xf32, #tpu.memory_space<vmem_shared>>) target_semaphore(%run_scoped3A_207 : memref<!tpu.dma_semaphore, #tpu.memory_space<semaphore_mem>>)
      %dma_wait3A = arith.constant 0 : i32
      %dma_wait3A_212 = tpu.memref_slice %arg15[%add3A_12, %dma_wait3A] : memref<10240x16xf32, #tpu.memory_space<vmem_shared>> -> memref<64x16xf32, #tpu.memory_space<vmem_shared>>
      %dma_wait3A_213 = arith.constant 0 : i32
      %dma_wait3A_214 = tpu.memref_slice %arg15[%add3A_12, %dma_wait3A_213] : memref<10240x16xf32, #tpu.memory_space<vmem_shared>> -> memref<64x16xf32, #tpu.memory_space<vmem_shared>>
      tpu.wait_dma2 semaphore(%run_scoped3A_207 : memref<!tpu.dma_semaphore, #tpu.memory_space<semaphore_mem>>) src(%arg9 : memref<64x16xf32, #tpu.memory_space<vmem>>) dst(%dma_wait3A_214 : memref<64x16xf32, #tpu.memory_space<vmem_shared>>)
      tpu.yield
    }) : () -> ()
    %mul3A_13 = arith.constant 640 : i32
    %mul3A_14 = arith.muli %arg1, %mul3A_13 : i32
    %add3A_15 = arith.constant 64 : i32
    %add3A_16 = arith.addi %mul3A_14, %add3A_15 : i32
    "tpu.region"() ({
      %run_scoped3A_207 = tpu.sem_alloc : memref<!tpu.dma_semaphore, #tpu.memory_space<semaphore_mem>>
      %dma_start3A_208 = arith.constant 0 : i32
      %dma_start3A_209 = tpu.memref_slice %arg16[%add3A_16, %dma_start3A_208] : memref<10240x128xf32, #tpu.memory_space<vmem_shared>> -> memref<64x128xf32, #tpu.memory_space<vmem_shared>>
      %dma_start3A_210 = arith.constant 0 : i32
      %dma_start3A_211 = tpu.memref_slice %arg16[%add3A_16, %dma_start3A_210] : memref<10240x128xf32, #tpu.memory_space<vmem_shared>> -> memref<64x128xf32, #tpu.memory_space<vmem_shared>>
      tpu.enqueue_dma source(%arg13 : memref<64x128xf32, #tpu.memory_space<vmem>>) target(%dma_start3A_211 : memref<64x128xf32, #tpu.memory_space<vmem_shared>>) target_semaphore(%run_scoped3A_207 : memref<!tpu.dma_semaphore, #tpu.memory_space<semaphore_mem>>)
      %dma_wait3A = arith.constant 0 : i32
      %dma_wait3A_212 = tpu.memref_slice %arg16[%add3A_16, %dma_wait3A] : memref<10240x128xf32, #tpu.memory_space<vmem_shared>> -> memref<64x128xf32, #tpu.memory_space<vmem_shared>>
      %dma_wait3A_213 = arith.constant 0 : i32
      %dma_wait3A_214 = tpu.memref_slice %arg16[%add3A_16, %dma_wait3A_213] : memref<10240x128xf32, #tpu.memory_space<vmem_shared>> -> memref<64x128xf32, #tpu.memory_space<vmem_shared>>
      tpu.wait_dma2 semaphore(%run_scoped3A_207 : memref<!tpu.dma_semaphore, #tpu.memory_space<semaphore_mem>>) src(%arg13 : memref<64x128xf32, #tpu.memory_space<vmem>>) dst(%dma_wait3A_214 : memref<64x128xf32, #tpu.memory_space<vmem_shared>>)
      tpu.yield
    }) : () -> ()
    %mul3A_17 = arith.constant 640 : i32
    %mul3A_18 = arith.muli %arg1, %mul3A_17 : i32
    %add3A_19 = arith.constant 64 : i32
    %add3A_20 = arith.addi %mul3A_18, %add3A_19 : i32
    "tpu.region"() ({
      %run_scoped3A_207 = tpu.sem_alloc : memref<!tpu.dma_semaphore, #tpu.memory_space<semaphore_mem>>
      %dma_start3A_208 = arith.constant 0 : i32
      %dma_start3A_209 = tpu.memref_slice %arg15[%add3A_20, %dma_start3A_208] : memref<10240x16xf32, #tpu.memory_space<vmem_shared>> -> memref<64x16xf32, #tpu.memory_space<vmem_shared>>
      %dma_start3A_210 = arith.constant 0 : i32
      %dma_start3A_211 = tpu.memref_slice %arg15[%add3A_20, %dma_start3A_210] : memref<10240x16xf32, #tpu.memory_space<vmem_shared>> -> memref<64x16xf32, #tpu.memory_space<vmem_shared>>
      tpu.enqueue_dma source(%arg9 : memref<64x16xf32, #tpu.memory_space<vmem>>) target(%dma_start3A_211 : memref<64x16xf32, #tpu.memory_space<vmem_shared>>) target_semaphore(%run_scoped3A_207 : memref<!tpu.dma_semaphore, #tpu.memory_space<semaphore_mem>>)
      %dma_wait3A = arith.constant 0 : i32
      %dma_wait3A_212 = tpu.memref_slice %arg15[%add3A_20, %dma_wait3A] : memref<10240x16xf32, #tpu.memory_space<vmem_shared>> -> memref<64x16xf32, #tpu.memory_space<vmem_shared>>
      %dma_wait3A_213 = arith.constant 0 : i32
      %dma_wait3A_214 = tpu.memref_slice %arg15[%add3A_20, %dma_wait3A_213] : memref<10240x16xf32, #tpu.memory_space<vmem_shared>> -> memref<64x16xf32, #tpu.memory_space<vmem_shared>>
      tpu.wait_dma2 semaphore(%run_scoped3A_207 : memref<!tpu.dma_semaphore, #tpu.memory_space<semaphore_mem>>) src(%arg9 : memref<64x16xf32, #tpu.memory_space<vmem>>) dst(%dma_wait3A_214 : memref<64x16xf32, #tpu.memory_space<vmem_shared>>)
      tpu.yield
    }) : () -> ()
    %mul3A_21 = arith.constant 640 : i32
    %mul3A_22 = arith.muli %arg1, %mul3A_21 : i32
    %add3A_23 = arith.constant 128 : i32
    %add3A_24 = arith.addi %mul3A_22, %add3A_23 : i32
    "tpu.region"() ({
      %run_scoped3A_207 = tpu.sem_alloc : memref<!tpu.dma_semaphore, #tpu.memory_space<semaphore_mem>>
      %dma_start3A_208 = arith.constant 0 : i32
      %dma_start3A_209 = tpu.memref_slice %arg16[%add3A_24, %dma_start3A_208] : memref<10240x128xf32, #tpu.memory_space<vmem_shared>> -> memref<64x128xf32, #tpu.memory_space<vmem_shared>>
      %dma_start3A_210 = arith.constant 0 : i32
      %dma_start3A_211 = tpu.memref_slice %arg16[%add3A_24, %dma_start3A_210] : memref<10240x128xf32, #tpu.memory_space<vmem_shared>> -> memref<64x128xf32, #tpu.memory_space<vmem_shared>>
      tpu.enqueue_dma source(%arg13 : memref<64x128xf32, #tpu.memory_space<vmem>>) target(%dma_start3A_211 : memref<64x128xf32, #tpu.memory_space<vmem_shared>>) target_semaphore(%run_scoped3A_207 : memref<!tpu.dma_semaphore, #tpu.memory_space<semaphore_mem>>)
      %dma_wait3A = arith.constant 0 : i32
      %dma_wait3A_212 = tpu.memref_slice %arg16[%add3A_24, %dma_wait3A] : memref<10240x128xf32, #tpu.memory_space<vmem_shared>> -> memref<64x128xf32, #tpu.memory_space<vmem_shared>>
      %dma_wait3A_213 = arith.constant 0 : i32
      %dma_wait3A_214 = tpu.memref_slice %arg16[%add3A_24, %dma_wait3A_213] : memref<10240x128xf32, #tpu.memory_space<vmem_shared>> -> memref<64x128xf32, #tpu.memory_space<vmem_shared>>
      tpu.wait_dma2 semaphore(%run_scoped3A_207 : memref<!tpu.dma_semaphore, #tpu.memory_space<semaphore_mem>>) src(%arg13 : memref<64x128xf32, #tpu.memory_space<vmem>>) dst(%dma_wait3A_214 : memref<64x128xf32, #tpu.memory_space<vmem_shared>>)
      tpu.yield
    }) : () -> ()
    %mul3A_25 = arith.constant 640 : i32
    %mul3A_26 = arith.muli %arg1, %mul3A_25 : i32
    %add3A_27 = arith.constant 128 : i32
    %add3A_28 = arith.addi %mul3A_26, %add3A_27 : i32
    "tpu.region"() ({
      %run_scoped3A_207 = tpu.sem_alloc : memref<!tpu.dma_semaphore, #tpu.memory_space<semaphore_mem>>
      %dma_start3A_208 = arith.constant 0 : i32
      %dma_start3A_209 = tpu.memref_slice %arg15[%add3A_28, %dma_start3A_208] : memref<10240x16xf32, #tpu.memory_space<vmem_shared>> -> memref<64x16xf32, #tpu.memory_space<vmem_shared>>
      %dma_start3A_210 = arith.constant 0 : i32
      %dma_start3A_211 = tpu.memref_slice %arg15[%add3A_28, %dma_start3A_210] : memref<10240x16xf32, #tpu.memory_space<vmem_shared>> -> memref<64x16xf32, #tpu.memory_space<vmem_shared>>
      tpu.enqueue_dma source(%arg9 : memref<64x16xf32, #tpu.memory_space<vmem>>) target(%dma_start3A_211 : memref<64x16xf32, #tpu.memory_space<vmem_shared>>) target_semaphore(%run_scoped3A_207 : memref<!tpu.dma_semaphore, #tpu.memory_space<semaphore_mem>>)
      %dma_wait3A = arith.constant 0 : i32
      %dma_wait3A_212 = tpu.memref_slice %arg15[%add3A_28, %dma_wait3A] : memref<10240x16xf32, #tpu.memory_space<vmem_shared>> -> memref<64x16xf32, #tpu.memory_space<vmem_shared>>
      %dma_wait3A_213 = arith.constant 0 : i32
      %dma_wait3A_214 = tpu.memref_slice %arg15[%add3A_28, %dma_wait3A_213] : memref<10240x16xf32, #tpu.memory_space<vmem_shared>> -> memref<64x16xf32, #tpu.memory_space<vmem_shared>>
      tpu.wait_dma2 semaphore(%run_scoped3A_207 : memref<!tpu.dma_semaphore, #tpu.memory_space<semaphore_mem>>) src(%arg9 : memref<64x16xf32, #tpu.memory_space<vmem>>) dst(%dma_wait3A_214 : memref<64x16xf32, #tpu.memory_space<vmem_shared>>)
      tpu.yield
    }) : () -> ()
    %mul3A_29 = arith.constant 640 : i32
    %mul3A_30 = arith.muli %arg1, %mul3A_29 : i32
    %add3A_31 = arith.constant 192 : i32
    %add3A_32 = arith.addi %mul3A_30, %add3A_31 : i32
    "tpu.region"() ({
      %run_scoped3A_207 = tpu.sem_alloc : memref<!tpu.dma_semaphore, #tpu.memory_space<semaphore_mem>>
      %dma_start3A_208 = arith.constant 0 : i32
      %dma_start3A_209 = tpu.memref_slice %arg16[%add3A_32, %dma_start3A_208] : memref<10240x128xf32, #tpu.memory_space<vmem_shared>> -> memref<64x128xf32, #tpu.memory_space<vmem_shared>>
      %dma_start3A_210 = arith.constant 0 : i32
      %dma_start3A_211 = tpu.memref_slice %arg16[%add3A_32, %dma_start3A_210] : memref<10240x128xf32, #tpu.memory_space<vmem_shared>> -> memref<64x128xf32, #tpu.memory_space<vmem_shared>>
      tpu.enqueue_dma source(%arg13 : memref<64x128xf32, #tpu.memory_space<vmem>>) target(%dma_start3A_211 : memref<64x128xf32, #tpu.memory_space<vmem_shared>>) target_semaphore(%run_scoped3A_207 : memref<!tpu.dma_semaphore, #tpu.memory_space<semaphore_mem>>)
      %dma_wait3A = arith.constant 0 : i32
      %dma_wait3A_212 = tpu.memref_slice %arg16[%add3A_32, %dma_wait3A] : memref<10240x128xf32, #tpu.memory_space<vmem_shared>> -> memref<64x128xf32, #tpu.memory_space<vmem_shared>>
      %dma_wait3A_213 = arith.constant 0 : i32
      %dma_wait3A_214 = tpu.memref_slice %arg16[%add3A_32, %dma_wait3A_213] : memref<10240x128xf32, #tpu.memory_space<vmem_shared>> -> memref<64x128xf32, #tpu.memory_space<vmem_shared>>
      tpu.wait_dma2 semaphore(%run_scoped3A_207 : memref<!tpu.dma_semaphore, #tpu.memory_space<semaphore_mem>>) src(%arg13 : memref<64x128xf32, #tpu.memory_space<vmem>>) dst(%dma_wait3A_214 : memref<64x128xf32, #tpu.memory_space<vmem_shared>>)
      tpu.yield
    }) : () -> ()
    %mul3A_33 = arith.constant 640 : i32
    %mul3A_34 = arith.muli %arg1, %mul3A_33 : i32
    %add3A_35 = arith.constant 192 : i32
    %add3A_36 = arith.addi %mul3A_34, %add3A_35 : i32
    "tpu.region"() ({
      %run_scoped3A_207 = tpu.sem_alloc : memref<!tpu.dma_semaphore, #tpu.memory_space<semaphore_mem>>
      %dma_start3A_208 = arith.constant 0 : i32
      %dma_start3A_209 = tpu.memref_slice %arg15[%add3A_36, %dma_start3A_208] : memref<10240x16xf32, #tpu.memory_space<vmem_shared>> -> memref<64x16xf32, #tpu.memory_space<vmem_shared>>
      %dma_start3A_210 = arith.constant 0 : i32
      %dma_start3A_211 = tpu.memref_slice %arg15[%add3A_36, %dma_start3A_210] : memref<10240x16xf32, #tpu.memory_space<vmem_shared>> -> memref<64x16xf32, #tpu.memory_space<vmem_shared>>
      tpu.enqueue_dma source(%arg9 : memref<64x16xf32, #tpu.memory_space<vmem>>) target(%dma_start3A_211 : memref<64x16xf32, #tpu.memory_space<vmem_shared>>) target_semaphore(%run_scoped3A_207 : memref<!tpu.dma_semaphore, #tpu.memory_space<semaphore_mem>>)
      %dma_wait3A = arith.constant 0 : i32
      %dma_wait3A_212 = tpu.memref_slice %arg15[%add3A_36, %dma_wait3A] : memref<10240x16xf32, #tpu.memory_space<vmem_shared>> -> memref<64x16xf32, #tpu.memory_space<vmem_shared>>
      %dma_wait3A_213 = arith.constant 0 : i32
      %dma_wait3A_214 = tpu.memref_slice %arg15[%add3A_36, %dma_wait3A_213] : memref<10240x16xf32, #tpu.memory_space<vmem_shared>> -> memref<64x16xf32, #tpu.memory_space<vmem_shared>>
      tpu.wait_dma2 semaphore(%run_scoped3A_207 : memref<!tpu.dma_semaphore, #tpu.memory_space<semaphore_mem>>) src(%arg9 : memref<64x16xf32, #tpu.memory_space<vmem>>) dst(%dma_wait3A_214 : memref<64x16xf32, #tpu.memory_space<vmem_shared>>)
      tpu.yield
    }) : () -> ()
    %mul3A_37 = arith.constant 640 : i32
    %mul3A_38 = arith.muli %arg1, %mul3A_37 : i32
    %add3A_39 = arith.constant 256 : i32
    %add3A_40 = arith.addi %mul3A_38, %add3A_39 : i32
    "tpu.region"() ({
      %run_scoped3A_207 = tpu.sem_alloc : memref<!tpu.dma_semaphore, #tpu.memory_space<semaphore_mem>>
      %dma_start3A_208 = arith.constant 0 : i32
      %dma_start3A_209 = tpu.memref_slice %arg16[%add3A_40, %dma_start3A_208] : memref<10240x128xf32, #tpu.memory_space<vmem_shared>> -> memref<64x128xf32, #tpu.memory_space<vmem_shared>>
      %dma_start3A_210 = arith.constant 0 : i32
      %dma_start3A_211 = tpu.memref_slice %arg16[%add3A_40, %dma_start3A_210] : memref<10240x128xf32, #tpu.memory_space<vmem_shared>> -> memref<64x128xf32, #tpu.memory_space<vmem_shared>>
      tpu.enqueue_dma source(%arg13 : memref<64x128xf32, #tpu.memory_space<vmem>>) target(%dma_start3A_211 : memref<64x128xf32, #tpu.memory_space<vmem_shared>>) target_semaphore(%run_scoped3A_207 : memref<!tpu.dma_semaphore, #tpu.memory_space<semaphore_mem>>)
      %dma_wait3A = arith.constant 0 : i32
      %dma_wait3A_212 = tpu.memref_slice %arg16[%add3A_40, %dma_wait3A] : memref<10240x128xf32, #tpu.memory_space<vmem_shared>> -> memref<64x128xf32, #tpu.memory_space<vmem_shared>>
      %dma_wait3A_213 = arith.constant 0 : i32
      %dma_wait3A_214 = tpu.memref_slice %arg16[%add3A_40, %dma_wait3A_213] : memref<10240x128xf32, #tpu.memory_space<vmem_shared>> -> memref<64x128xf32, #tpu.memory_space<vmem_shared>>
      tpu.wait_dma2 semaphore(%run_scoped3A_207 : memref<!tpu.dma_semaphore, #tpu.memory_space<semaphore_mem>>) src(%arg13 : memref<64x128xf32, #tpu.memory_space<vmem>>) dst(%dma_wait3A_214 : memref<64x128xf32, #tpu.memory_space<vmem_shared>>)
      tpu.yield
    }) : () -> ()
    %mul3A_41 = arith.constant 640 : i32
    %mul3A_42 = arith.muli %arg1, %mul3A_41 : i32
    %add3A_43 = arith.constant 256 : i32
    %add3A_44 = arith.addi %mul3A_42, %add3A_43 : i32
    "tpu.region"() ({
      %run_scoped3A_207 = tpu.sem_alloc : memref<!tpu.dma_semaphore, #tpu.memory_space<semaphore_mem>>
      %dma_start3A_208 = arith.constant 0 : i32
      %dma_start3A_209 = tpu.memref_slice %arg15[%add3A_44, %dma_start3A_208] : memref<10240x16xf32, #tpu.memory_space<vmem_shared>> -> memref<64x16xf32, #tpu.memory_space<vmem_shared>>
      %dma_start3A_210 = arith.constant 0 : i32
      %dma_start3A_211 = tpu.memref_slice %arg15[%add3A_44, %dma_start3A_210] : memref<10240x16xf32, #tpu.memory_space<vmem_shared>> -> memref<64x16xf32, #tpu.memory_space<vmem_shared>>
      tpu.enqueue_dma source(%arg9 : memref<64x16xf32, #tpu.memory_space<vmem>>) target(%dma_start3A_211 : memref<64x16xf32, #tpu.memory_space<vmem_shared>>) target_semaphore(%run_scoped3A_207 : memref<!tpu.dma_semaphore, #tpu.memory_space<semaphore_mem>>)
      %dma_wait3A = arith.constant 0 : i32
      %dma_wait3A_212 = tpu.memref_slice %arg15[%add3A_44, %dma_wait3A] : memref<10240x16xf32, #tpu.memory_space<vmem_shared>> -> memref<64x16xf32, #tpu.memory_space<vmem_shared>>
      %dma_wait3A_213 = arith.constant 0 : i32
      %dma_wait3A_214 = tpu.memref_slice %arg15[%add3A_44, %dma_wait3A_213] : memref<10240x16xf32, #tpu.memory_space<vmem_shared>> -> memref<64x16xf32, #tpu.memory_space<vmem_shared>>
      tpu.wait_dma2 semaphore(%run_scoped3A_207 : memref<!tpu.dma_semaphore, #tpu.memory_space<semaphore_mem>>) src(%arg9 : memref<64x16xf32, #tpu.memory_space<vmem>>) dst(%dma_wait3A_214 : memref<64x16xf32, #tpu.memory_space<vmem_shared>>)
      tpu.yield
    }) : () -> ()
    %mul3A_45 = arith.constant 640 : i32
    %mul3A_46 = arith.muli %arg1, %mul3A_45 : i32
    %add3A_47 = arith.constant 320 : i32
    %add3A_48 = arith.addi %mul3A_46, %add3A_47 : i32
    "tpu.region"() ({
      %run_scoped3A_207 = tpu.sem_alloc : memref<!tpu.dma_semaphore, #tpu.memory_space<semaphore_mem>>
      %dma_start3A_208 = arith.constant 0 : i32
      %dma_start3A_209 = tpu.memref_slice %arg16[%add3A_48, %dma_start3A_208] : memref<10240x128xf32, #tpu.memory_space<vmem_shared>> -> memref<64x128xf32, #tpu.memory_space<vmem_shared>>
      %dma_start3A_210 = arith.constant 0 : i32
      %dma_start3A_211 = tpu.memref_slice %arg16[%add3A_48, %dma_start3A_210] : memref<10240x128xf32, #tpu.memory_space<vmem_shared>> -> memref<64x128xf32, #tpu.memory_space<vmem_shared>>
      tpu.enqueue_dma source(%arg13 : memref<64x128xf32, #tpu.memory_space<vmem>>) target(%dma_start3A_211 : memref<64x128xf32, #tpu.memory_space<vmem_shared>>) target_semaphore(%run_scoped3A_207 : memref<!tpu.dma_semaphore, #tpu.memory_space<semaphore_mem>>)
      %dma_wait3A = arith.constant 0 : i32
      %dma_wait3A_212 = tpu.memref_slice %arg16[%add3A_48, %dma_wait3A] : memref<10240x128xf32, #tpu.memory_space<vmem_shared>> -> memref<64x128xf32, #tpu.memory_space<vmem_shared>>
      %dma_wait3A_213 = arith.constant 0 : i32
      %dma_wait3A_214 = tpu.memref_slice %arg16[%add3A_48, %dma_wait3A_213] : memref<10240x128xf32, #tpu.memory_space<vmem_shared>> -> memref<64x128xf32, #tpu.memory_space<vmem_shared>>
      tpu.wait_dma2 semaphore(%run_scoped3A_207 : memref<!tpu.dma_semaphore, #tpu.memory_space<semaphore_mem>>) src(%arg13 : memref<64x128xf32, #tpu.memory_space<vmem>>) dst(%dma_wait3A_214 : memref<64x128xf32, #tpu.memory_space<vmem_shared>>)
      tpu.yield
    }) : () -> ()
    %mul3A_49 = arith.constant 640 : i32
    %mul3A_50 = arith.muli %arg1, %mul3A_49 : i32
    %add3A_51 = arith.constant 320 : i32
    %add3A_52 = arith.addi %mul3A_50, %add3A_51 : i32
    "tpu.region"() ({
      %run_scoped3A_207 = tpu.sem_alloc : memref<!tpu.dma_semaphore, #tpu.memory_space<semaphore_mem>>
      %dma_start3A_208 = arith.constant 0 : i32
      %dma_start3A_209 = tpu.memref_slice %arg15[%add3A_52, %dma_start3A_208] : memref<10240x16xf32, #tpu.memory_space<vmem_shared>> -> memref<64x16xf32, #tpu.memory_space<vmem_shared>>
      %dma_start3A_210 = arith.constant 0 : i32
      %dma_start3A_211 = tpu.memref_slice %arg15[%add3A_52, %dma_start3A_210] : memref<10240x16xf32, #tpu.memory_space<vmem_shared>> -> memref<64x16xf32, #tpu.memory_space<vmem_shared>>
      tpu.enqueue_dma source(%arg9 : memref<64x16xf32, #tpu.memory_space<vmem>>) target(%dma_start3A_211 : memref<64x16xf32, #tpu.memory_space<vmem_shared>>) target_semaphore(%run_scoped3A_207 : memref<!tpu.dma_semaphore, #tpu.memory_space<semaphore_mem>>)
      %dma_wait3A = arith.constant 0 : i32
      %dma_wait3A_212 = tpu.memref_slice %arg15[%add3A_52, %dma_wait3A] : memref<10240x16xf32, #tpu.memory_space<vmem_shared>> -> memref<64x16xf32, #tpu.memory_space<vmem_shared>>
      %dma_wait3A_213 = arith.constant 0 : i32
      %dma_wait3A_214 = tpu.memref_slice %arg15[%add3A_52, %dma_wait3A_213] : memref<10240x16xf32, #tpu.memory_space<vmem_shared>> -> memref<64x16xf32, #tpu.memory_space<vmem_shared>>
      tpu.wait_dma2 semaphore(%run_scoped3A_207 : memref<!tpu.dma_semaphore, #tpu.memory_space<semaphore_mem>>) src(%arg9 : memref<64x16xf32, #tpu.memory_space<vmem>>) dst(%dma_wait3A_214 : memref<64x16xf32, #tpu.memory_space<vmem_shared>>)
      tpu.yield
    }) : () -> ()
    %mul3A_53 = arith.constant 640 : i32
    %mul3A_54 = arith.muli %arg1, %mul3A_53 : i32
    %add3A_55 = arith.constant 384 : i32
    %add3A_56 = arith.addi %mul3A_54, %add3A_55 : i32
    "tpu.region"() ({
      %run_scoped3A_207 = tpu.sem_alloc : memref<!tpu.dma_semaphore, #tpu.memory_space<semaphore_mem>>
      %dma_start3A_208 = arith.constant 0 : i32
      %dma_start3A_209 = tpu.memref_slice %arg16[%add3A_56, %dma_start3A_208] : memref<10240x128xf32, #tpu.memory_space<vmem_shared>> -> memref<64x128xf32, #tpu.memory_space<vmem_shared>>
      %dma_start3A_210 = arith.constant 0 : i32
      %dma_start3A_211 = tpu.memref_slice %arg16[%add3A_56, %dma_start3A_210] : memref<10240x128xf32, #tpu.memory_space<vmem_shared>> -> memref<64x128xf32, #tpu.memory_space<vmem_shared>>
      tpu.enqueue_dma source(%arg13 : memref<64x128xf32, #tpu.memory_space<vmem>>) target(%dma_start3A_211 : memref<64x128xf32, #tpu.memory_space<vmem_shared>>) target_semaphore(%run_scoped3A_207 : memref<!tpu.dma_semaphore, #tpu.memory_space<semaphore_mem>>)
      %dma_wait3A = arith.constant 0 : i32
      %dma_wait3A_212 = tpu.memref_slice %arg16[%add3A_56, %dma_wait3A] : memref<10240x128xf32, #tpu.memory_space<vmem_shared>> -> memref<64x128xf32, #tpu.memory_space<vmem_shared>>
      %dma_wait3A_213 = arith.constant 0 : i32
      %dma_wait3A_214 = tpu.memref_slice %arg16[%add3A_56, %dma_wait3A_213] : memref<10240x128xf32, #tpu.memory_space<vmem_shared>> -> memref<64x128xf32, #tpu.memory_space<vmem_shared>>
      tpu.wait_dma2 semaphore(%run_scoped3A_207 : memref<!tpu.dma_semaphore, #tpu.memory_space<semaphore_mem>>) src(%arg13 : memref<64x128xf32, #tpu.memory_space<vmem>>) dst(%dma_wait3A_214 : memref<64x128xf32, #tpu.memory_space<vmem_shared>>)
      tpu.yield
    }) : () -> ()
    %mul3A_57 = arith.constant 640 : i32
    %mul3A_58 = arith.muli %arg1, %mul3A_57 : i32
    %add3A_59 = arith.constant 384 : i32
    %add3A_60 = arith.addi %mul3A_58, %add3A_59 : i32
    "tpu.region"() ({
      %run_scoped3A_207 = tpu.sem_alloc : memref<!tpu.dma_semaphore, #tpu.memory_space<semaphore_mem>>
      %dma_start3A_208 = arith.constant 0 : i32
      %dma_start3A_209 = tpu.memref_slice %arg15[%add3A_60, %dma_start3A_208] : memref<10240x16xf32, #tpu.memory_space<vmem_shared>> -> memref<64x16xf32, #tpu.memory_space<vmem_shared>>
      %dma_start3A_210 = arith.constant 0 : i32
      %dma_start3A_211 = tpu.memref_slice %arg15[%add3A_60, %dma_start3A_210] : memref<10240x16xf32, #tpu.memory_space<vmem_shared>> -> memref<64x16xf32, #tpu.memory_space<vmem_shared>>
      tpu.enqueue_dma source(%arg9 : memref<64x16xf32, #tpu.memory_space<vmem>>) target(%dma_start3A_211 : memref<64x16xf32, #tpu.memory_space<vmem_shared>>) target_semaphore(%run_scoped3A_207 : memref<!tpu.dma_semaphore, #tpu.memory_space<semaphore_mem>>)
      %dma_wait3A = arith.constant 0 : i32
      %dma_wait3A_212 = tpu.memref_slice %arg15[%add3A_60, %dma_wait3A] : memref<10240x16xf32, #tpu.memory_space<vmem_shared>> -> memref<64x16xf32, #tpu.memory_space<vmem_shared>>
      %dma_wait3A_213 = arith.constant 0 : i32
      %dma_wait3A_214 = tpu.memref_slice %arg15[%add3A_60, %dma_wait3A_213] : memref<10240x16xf32, #tpu.memory_space<vmem_shared>> -> memref<64x16xf32, #tpu.memory_space<vmem_shared>>
      tpu.wait_dma2 semaphore(%run_scoped3A_207 : memref<!tpu.dma_semaphore, #tpu.memory_space<semaphore_mem>>) src(%arg9 : memref<64x16xf32, #tpu.memory_space<vmem>>) dst(%dma_wait3A_214 : memref<64x16xf32, #tpu.memory_space<vmem_shared>>)
      tpu.yield
    }) : () -> ()
    %mul3A_61 = arith.constant 640 : i32
    %mul3A_62 = arith.muli %arg1, %mul3A_61 : i32
    %add3A_63 = arith.constant 448 : i32
    %add3A_64 = arith.addi %mul3A_62, %add3A_63 : i32
    "tpu.region"() ({
      %run_scoped3A_207 = tpu.sem_alloc : memref<!tpu.dma_semaphore, #tpu.memory_space<semaphore_mem>>
      %dma_start3A_208 = arith.constant 0 : i32
      %dma_start3A_209 = tpu.memref_slice %arg16[%add3A_64, %dma_start3A_208] : memref<10240x128xf32, #tpu.memory_space<vmem_shared>> -> memref<64x128xf32, #tpu.memory_space<vmem_shared>>
      %dma_start3A_210 = arith.constant 0 : i32
      %dma_start3A_211 = tpu.memref_slice %arg16[%add3A_64, %dma_start3A_210] : memref<10240x128xf32, #tpu.memory_space<vmem_shared>> -> memref<64x128xf32, #tpu.memory_space<vmem_shared>>
      tpu.enqueue_dma source(%arg13 : memref<64x128xf32, #tpu.memory_space<vmem>>) target(%dma_start3A_211 : memref<64x128xf32, #tpu.memory_space<vmem_shared>>) target_semaphore(%run_scoped3A_207 : memref<!tpu.dma_semaphore, #tpu.memory_space<semaphore_mem>>)
      %dma_wait3A = arith.constant 0 : i32
      %dma_wait3A_212 = tpu.memref_slice %arg16[%add3A_64, %dma_wait3A] : memref<10240x128xf32, #tpu.memory_space<vmem_shared>> -> memref<64x128xf32, #tpu.memory_space<vmem_shared>>
      %dma_wait3A_213 = arith.constant 0 : i32
      %dma_wait3A_214 = tpu.memref_slice %arg16[%add3A_64, %dma_wait3A_213] : memref<10240x128xf32, #tpu.memory_space<vmem_shared>> -> memref<64x128xf32, #tpu.memory_space<vmem_shared>>
      tpu.wait_dma2 semaphore(%run_scoped3A_207 : memref<!tpu.dma_semaphore, #tpu.memory_space<semaphore_mem>>) src(%arg13 : memref<64x128xf32, #tpu.memory_space<vmem>>) dst(%dma_wait3A_214 : memref<64x128xf32, #tpu.memory_space<vmem_shared>>)
      tpu.yield
    }) : () -> ()
    %mul3A_65 = arith.constant 640 : i32
    %mul3A_66 = arith.muli %arg1, %mul3A_65 : i32
    %add3A_67 = arith.constant 448 : i32
    %add3A_68 = arith.addi %mul3A_66, %add3A_67 : i32
    "tpu.region"() ({
      %run_scoped3A_207 = tpu.sem_alloc : memref<!tpu.dma_semaphore, #tpu.memory_space<semaphore_mem>>
      %dma_start3A_208 = arith.constant 0 : i32
      %dma_start3A_209 = tpu.memref_slice %arg15[%add3A_68, %dma_start3A_208] : memref<10240x16xf32, #tpu.memory_space<vmem_shared>> -> memref<64x16xf32, #tpu.memory_space<vmem_shared>>
      %dma_start3A_210 = arith.constant 0 : i32
      %dma_start3A_211 = tpu.memref_slice %arg15[%add3A_68, %dma_start3A_210] : memref<10240x16xf32, #tpu.memory_space<vmem_shared>> -> memref<64x16xf32, #tpu.memory_space<vmem_shared>>
      tpu.enqueue_dma source(%arg9 : memref<64x16xf32, #tpu.memory_space<vmem>>) target(%dma_start3A_211 : memref<64x16xf32, #tpu.memory_space<vmem_shared>>) target_semaphore(%run_scoped3A_207 : memref<!tpu.dma_semaphore, #tpu.memory_space<semaphore_mem>>)
      %dma_wait3A = arith.constant 0 : i32
      %dma_wait3A_212 = tpu.memref_slice %arg15[%add3A_68, %dma_wait3A] : memref<10240x16xf32, #tpu.memory_space<vmem_shared>> -> memref<64x16xf32, #tpu.memory_space<vmem_shared>>
      %dma_wait3A_213 = arith.constant 0 : i32
      %dma_wait3A_214 = tpu.memref_slice %arg15[%add3A_68, %dma_wait3A_213] : memref<10240x16xf32, #tpu.memory_space<vmem_shared>> -> memref<64x16xf32, #tpu.memory_space<vmem_shared>>
      tpu.wait_dma2 semaphore(%run_scoped3A_207 : memref<!tpu.dma_semaphore, #tpu.memory_space<semaphore_mem>>) src(%arg9 : memref<64x16xf32, #tpu.memory_space<vmem>>) dst(%dma_wait3A_214 : memref<64x16xf32, #tpu.memory_space<vmem_shared>>)
      tpu.yield
    }) : () -> ()
    %mul3A_69 = arith.constant 640 : i32
    %mul3A_70 = arith.muli %arg1, %mul3A_69 : i32
    %add3A_71 = arith.constant 512 : i32
    %add3A_72 = arith.addi %mul3A_70, %add3A_71 : i32
    "tpu.region"() ({
      %run_scoped3A_207 = tpu.sem_alloc : memref<!tpu.dma_semaphore, #tpu.memory_space<semaphore_mem>>
      %dma_start3A_208 = arith.constant 0 : i32
      %dma_start3A_209 = tpu.memref_slice %arg16[%add3A_72, %dma_start3A_208] : memref<10240x128xf32, #tpu.memory_space<vmem_shared>> -> memref<64x128xf32, #tpu.memory_space<vmem_shared>>
      %dma_start3A_210 = arith.constant 0 : i32
      %dma_start3A_211 = tpu.memref_slice %arg16[%add3A_72, %dma_start3A_210] : memref<10240x128xf32, #tpu.memory_space<vmem_shared>> -> memref<64x128xf32, #tpu.memory_space<vmem_shared>>
      tpu.enqueue_dma source(%arg13 : memref<64x128xf32, #tpu.memory_space<vmem>>) target(%dma_start3A_211 : memref<64x128xf32, #tpu.memory_space<vmem_shared>>) target_semaphore(%run_scoped3A_207 : memref<!tpu.dma_semaphore, #tpu.memory_space<semaphore_mem>>)
      %dma_wait3A = arith.constant 0 : i32
      %dma_wait3A_212 = tpu.memref_slice %arg16[%add3A_72, %dma_wait3A] : memref<10240x128xf32, #tpu.memory_space<vmem_shared>> -> memref<64x128xf32, #tpu.memory_space<vmem_shared>>
      %dma_wait3A_213 = arith.constant 0 : i32
      %dma_wait3A_214 = tpu.memref_slice %arg16[%add3A_72, %dma_wait3A_213] : memref<10240x128xf32, #tpu.memory_space<vmem_shared>> -> memref<64x128xf32, #tpu.memory_space<vmem_shared>>
      tpu.wait_dma2 semaphore(%run_scoped3A_207 : memref<!tpu.dma_semaphore, #tpu.memory_space<semaphore_mem>>) src(%arg13 : memref<64x128xf32, #tpu.memory_space<vmem>>) dst(%dma_wait3A_214 : memref<64x128xf32, #tpu.memory_space<vmem_shared>>)
      tpu.yield
    }) : () -> ()
    %mul3A_73 = arith.constant 640 : i32
    %mul3A_74 = arith.muli %arg1, %mul3A_73 : i32
    %add3A_75 = arith.constant 512 : i32
    %add3A_76 = arith.addi %mul3A_74, %add3A_75 : i32
    "tpu.region"() ({
      %run_scoped3A_207 = tpu.sem_alloc : memref<!tpu.dma_semaphore, #tpu.memory_space<semaphore_mem>>
      %dma_start3A_208 = arith.constant 0 : i32
      %dma_start3A_209 = tpu.memref_slice %arg15[%add3A_76, %dma_start3A_208] : memref<10240x16xf32, #tpu.memory_space<vmem_shared>> -> memref<64x16xf32, #tpu.memory_space<vmem_shared>>
      %dma_start3A_210 = arith.constant 0 : i32
      %dma_start3A_211 = tpu.memref_slice %arg15[%add3A_76, %dma_start3A_210] : memref<10240x16xf32, #tpu.memory_space<vmem_shared>> -> memref<64x16xf32, #tpu.memory_space<vmem_shared>>
      tpu.enqueue_dma source(%arg9 : memref<64x16xf32, #tpu.memory_space<vmem>>) target(%dma_start3A_211 : memref<64x16xf32, #tpu.memory_space<vmem_shared>>) target_semaphore(%run_scoped3A_207 : memref<!tpu.dma_semaphore, #tpu.memory_space<semaphore_mem>>)
      %dma_wait3A = arith.constant 0 : i32
      %dma_wait3A_212 = tpu.memref_slice %arg15[%add3A_76, %dma_wait3A] : memref<10240x16xf32, #tpu.memory_space<vmem_shared>> -> memref<64x16xf32, #tpu.memory_space<vmem_shared>>
      %dma_wait3A_213 = arith.constant 0 : i32
      %dma_wait3A_214 = tpu.memref_slice %arg15[%add3A_76, %dma_wait3A_213] : memref<10240x16xf32, #tpu.memory_space<vmem_shared>> -> memref<64x16xf32, #tpu.memory_space<vmem_shared>>
      tpu.wait_dma2 semaphore(%run_scoped3A_207 : memref<!tpu.dma_semaphore, #tpu.memory_space<semaphore_mem>>) src(%arg9 : memref<64x16xf32, #tpu.memory_space<vmem>>) dst(%dma_wait3A_214 : memref<64x16xf32, #tpu.memory_space<vmem_shared>>)
      tpu.yield
    }) : () -> ()
    %mul3A_77 = arith.constant 640 : i32
    %mul3A_78 = arith.muli %arg1, %mul3A_77 : i32
    %add3A_79 = arith.constant 576 : i32
    %add3A_80 = arith.addi %mul3A_78, %add3A_79 : i32
    "tpu.region"() ({
      %run_scoped3A_207 = tpu.sem_alloc : memref<!tpu.dma_semaphore, #tpu.memory_space<semaphore_mem>>
      %dma_start3A_208 = arith.constant 0 : i32
      %dma_start3A_209 = tpu.memref_slice %arg16[%add3A_80, %dma_start3A_208] : memref<10240x128xf32, #tpu.memory_space<vmem_shared>> -> memref<64x128xf32, #tpu.memory_space<vmem_shared>>
      %dma_start3A_210 = arith.constant 0 : i32
      %dma_start3A_211 = tpu.memref_slice %arg16[%add3A_80, %dma_start3A_210] : memref<10240x128xf32, #tpu.memory_space<vmem_shared>> -> memref<64x128xf32, #tpu.memory_space<vmem_shared>>
      tpu.enqueue_dma source(%arg13 : memref<64x128xf32, #tpu.memory_space<vmem>>) target(%dma_start3A_211 : memref<64x128xf32, #tpu.memory_space<vmem_shared>>) target_semaphore(%run_scoped3A_207 : memref<!tpu.dma_semaphore, #tpu.memory_space<semaphore_mem>>)
      %dma_wait3A = arith.constant 0 : i32
      %dma_wait3A_212 = tpu.memref_slice %arg16[%add3A_80, %dma_wait3A] : memref<10240x128xf32, #tpu.memory_space<vmem_shared>> -> memref<64x128xf32, #tpu.memory_space<vmem_shared>>
      %dma_wait3A_213 = arith.constant 0 : i32
      %dma_wait3A_214 = tpu.memref_slice %arg16[%add3A_80, %dma_wait3A_213] : memref<10240x128xf32, #tpu.memory_space<vmem_shared>> -> memref<64x128xf32, #tpu.memory_space<vmem_shared>>
      tpu.wait_dma2 semaphore(%run_scoped3A_207 : memref<!tpu.dma_semaphore, #tpu.memory_space<semaphore_mem>>) src(%arg13 : memref<64x128xf32, #tpu.memory_space<vmem>>) dst(%dma_wait3A_214 : memref<64x128xf32, #tpu.memory_space<vmem_shared>>)
      tpu.yield
    }) : () -> ()
    %mul3A_81 = arith.constant 640 : i32
    %mul3A_82 = arith.muli %arg1, %mul3A_81 : i32
    %add3A_83 = arith.constant 576 : i32
    %add3A_84 = arith.addi %mul3A_82, %add3A_83 : i32
    "tpu.region"() ({
      %run_scoped3A_207 = tpu.sem_alloc : memref<!tpu.dma_semaphore, #tpu.memory_space<semaphore_mem>>
      %dma_start3A_208 = arith.constant 0 : i32
      %dma_start3A_209 = tpu.memref_slice %arg15[%add3A_84, %dma_start3A_208] : memref<10240x16xf32, #tpu.memory_space<vmem_shared>> -> memref<64x16xf32, #tpu.memory_space<vmem_shared>>
      %dma_start3A_210 = arith.constant 0 : i32
      %dma_start3A_211 = tpu.memref_slice %arg15[%add3A_84, %dma_start3A_210] : memref<10240x16xf32, #tpu.memory_space<vmem_shared>> -> memref<64x16xf32, #tpu.memory_space<vmem_shared>>
      tpu.enqueue_dma source(%arg9 : memref<64x16xf32, #tpu.memory_space<vmem>>) target(%dma_start3A_211 : memref<64x16xf32, #tpu.memory_space<vmem_shared>>) target_semaphore(%run_scoped3A_207 : memref<!tpu.dma_semaphore, #tpu.memory_space<semaphore_mem>>)
      %dma_wait3A = arith.constant 0 : i32
      %dma_wait3A_212 = tpu.memref_slice %arg15[%add3A_84, %dma_wait3A] : memref<10240x16xf32, #tpu.memory_space<vmem_shared>> -> memref<64x16xf32, #tpu.memory_space<vmem_shared>>
      %dma_wait3A_213 = arith.constant 0 : i32
      %dma_wait3A_214 = tpu.memref_slice %arg15[%add3A_84, %dma_wait3A_213] : memref<10240x16xf32, #tpu.memory_space<vmem_shared>> -> memref<64x16xf32, #tpu.memory_space<vmem_shared>>
      tpu.wait_dma2 semaphore(%run_scoped3A_207 : memref<!tpu.dma_semaphore, #tpu.memory_space<semaphore_mem>>) src(%arg9 : memref<64x16xf32, #tpu.memory_space<vmem>>) dst(%dma_wait3A_214 : memref<64x16xf32, #tpu.memory_space<vmem_shared>>)
      tpu.yield
    }) : () -> ()
    %barrier3A = arith.constant 0 : index
    tpu.barrier barrier_id(%barrier3A)
    %mul3A_85 = arith.constant 160 : i32
    %mul3A_86 = arith.muli %add3A, %mul3A_85 : i32
    %run_scoped3A = arith.constant 0 : i32
    "tpu.region"() ({
      %run_scoped3A_207 = tpu.sem_alloc : memref<!tpu.dma_semaphore, #tpu.memory_space<semaphore_mem>>
      %dma_start3A_208 = arith.constant 0 : i32
      %dma_start3A_209 = arith.constant 0 : i32
      %dma_start3A_210 = tpu.memref_slice %arg8[%run_scoped3A, %dma_start3A_208, %dma_start3A_209] : memref<4x2x64xi32, #tpu.memory_space<vmem>> -> memref<1x2x64xi32, #tpu.memory_space<vmem>>
      %dma_start3A_211 = tpu.memref_squeeze %dma_start3A_210 : memref<1x2x64xi32, #tpu.memory_space<vmem>> -> memref<2x64xi32, #tpu.memory_space<vmem>>
      %dma_start3A_212 = arith.constant 0 : i32
      %dma_start3A_213 = arith.constant 0 : i32
      %dma_start3A_214 = tpu.memref_slice %arg5[%mul3A_86, %dma_start3A_212, %dma_start3A_213] : memref<5120x2x64xi32, #tpu.memory_space<hbm>> -> memref<1x2x64xi32, #tpu.memory_space<hbm>>
      %dma_start3A_215 = tpu.memref_squeeze %dma_start3A_214 : memref<1x2x64xi32, #tpu.memory_space<hbm>> -> memref<2x64xi32, #tpu.memory_space<hbm>>
      %dma_start3A_216 = arith.constant 0 : i32
      %dma_start3A_217 = arith.constant 0 : i32
      %dma_start3A_218 = tpu.memref_slice %arg8[%run_scoped3A, %dma_start3A_216, %dma_start3A_217] : memref<4x2x64xi32, #tpu.memory_space<vmem>> -> memref<1x2x64xi32, #tpu.memory_space<vmem>>
      %dma_start3A_219 = tpu.memref_squeeze %dma_start3A_218 : memref<1x2x64xi32, #tpu.memory_space<vmem>> -> memref<2x64xi32, #tpu.memory_space<vmem>>
      %dma_start3A_220 = arith.constant 0 : i32
      %dma_start3A_221 = arith.constant 0 : i32
      %dma_start3A_222 = tpu.memref_slice %arg5[%mul3A_86, %dma_start3A_220, %dma_start3A_221] : memref<5120x2x64xi32, #tpu.memory_space<hbm>> -> memref<1x2x64xi32, #tpu.memory_space<hbm>>
      %dma_start3A_223 = tpu.memref_squeeze %dma_start3A_222 : memref<1x2x64xi32, #tpu.memory_space<hbm>> -> memref<2x64xi32, #tpu.memory_space<hbm>>
      tpu.enqueue_dma source(%dma_start3A_223 : memref<2x64xi32, #tpu.memory_space<hbm>>) target(%dma_start3A_219 : memref<2x64xi32, #tpu.memory_space<vmem>>) target_semaphore(%run_scoped3A_207 : memref<!tpu.dma_semaphore, #tpu.memory_space<semaphore_mem>>)
      %dma_wait3A = arith.constant 0 : i32
      %dma_wait3A_224 = arith.constant 0 : i32
      %dma_wait3A_225 = tpu.memref_slice %arg8[%run_scoped3A, %dma_wait3A, %dma_wait3A_224] : memref<4x2x64xi32, #tpu.memory_space<vmem>> -> memref<1x2x64xi32, #tpu.memory_space<vmem>>
      %dma_wait3A_226 = tpu.memref_squeeze %dma_wait3A_225 : memref<1x2x64xi32, #tpu.memory_space<vmem>> -> memref<2x64xi32, #tpu.memory_space<vmem>>
      %dma_wait3A_227 = arith.constant 0 : i32
      %dma_wait3A_228 = arith.constant 0 : i32
      %dma_wait3A_229 = tpu.memref_slice %arg5[%mul3A_86, %dma_wait3A_227, %dma_wait3A_228] : memref<5120x2x64xi32, #tpu.memory_space<hbm>> -> memref<1x2x64xi32, #tpu.memory_space<hbm>>
      %dma_wait3A_230 = tpu.memref_squeeze %dma_wait3A_229 : memref<1x2x64xi32, #tpu.memory_space<hbm>> -> memref<2x64xi32, #tpu.memory_space<hbm>>
      %dma_wait3A_231 = arith.constant 0 : i32
      %dma_wait3A_232 = arith.constant 0 : i32
      %dma_wait3A_233 = tpu.memref_slice %arg8[%run_scoped3A, %dma_wait3A_231, %dma_wait3A_232] : memref<4x2x64xi32, #tpu.memory_space<vmem>> -> memref<1x2x64xi32, #tpu.memory_space<vmem>>
      %dma_wait3A_234 = tpu.memref_squeeze %dma_wait3A_233 : memref<1x2x64xi32, #tpu.memory_space<vmem>> -> memref<2x64xi32, #tpu.memory_space<vmem>>
      %dma_wait3A_235 = arith.constant 0 : i32
      %dma_wait3A_236 = arith.constant 0 : i32
      %dma_wait3A_237 = tpu.memref_slice %arg5[%mul3A_86, %dma_wait3A_235, %dma_wait3A_236] : memref<5120x2x64xi32, #tpu.memory_space<hbm>> -> memref<1x2x64xi32, #tpu.memory_space<hbm>>
      %dma_wait3A_238 = tpu.memref_squeeze %dma_wait3A_237 : memref<1x2x64xi32, #tpu.memory_space<hbm>> -> memref<2x64xi32, #tpu.memory_space<hbm>>
      tpu.wait_dma2 semaphore(%run_scoped3A_207 : memref<!tpu.dma_semaphore, #tpu.memory_space<semaphore_mem>>) src(%dma_wait3A_238 : memref<2x64xi32, #tpu.memory_space<hbm>>) dst(%dma_wait3A_234 : memref<2x64xi32, #tpu.memory_space<vmem>>)
      tpu.yield
    }) : () -> ()
    %mul3A_87 = arith.constant 160 : i32
    %mul3A_88 = arith.muli %add3A, %mul3A_87 : i32
    %add3A_89 = arith.constant 1 : i32
    %add3A_90 = arith.addi %mul3A_88, %add3A_89 : i32
    %run_scoped3A_91 = arith.constant 1 : i32
    "tpu.region"() ({
      %run_scoped3A_207 = tpu.sem_alloc : memref<!tpu.dma_semaphore, #tpu.memory_space<semaphore_mem>>
      %dma_start3A_208 = arith.constant 0 : i32
      %dma_start3A_209 = arith.constant 0 : i32
      %dma_start3A_210 = tpu.memref_slice %arg8[%run_scoped3A_91, %dma_start3A_208, %dma_start3A_209] : memref<4x2x64xi32, #tpu.memory_space<vmem>> -> memref<1x2x64xi32, #tpu.memory_space<vmem>>
      %dma_start3A_211 = tpu.memref_squeeze %dma_start3A_210 : memref<1x2x64xi32, #tpu.memory_space<vmem>> -> memref<2x64xi32, #tpu.memory_space<vmem>>
      %dma_start3A_212 = arith.constant 0 : i32
      %dma_start3A_213 = arith.constant 0 : i32
      %dma_start3A_214 = tpu.memref_slice %arg5[%add3A_90, %dma_start3A_212, %dma_start3A_213] : memref<5120x2x64xi32, #tpu.memory_space<hbm>> -> memref<1x2x64xi32, #tpu.memory_space<hbm>>
      %dma_start3A_215 = tpu.memref_squeeze %dma_start3A_214 : memref<1x2x64xi32, #tpu.memory_space<hbm>> -> memref<2x64xi32, #tpu.memory_space<hbm>>
      %dma_start3A_216 = arith.constant 0 : i32
      %dma_start3A_217 = arith.constant 0 : i32
      %dma_start3A_218 = tpu.memref_slice %arg8[%run_scoped3A_91, %dma_start3A_216, %dma_start3A_217] : memref<4x2x64xi32, #tpu.memory_space<vmem>> -> memref<1x2x64xi32, #tpu.memory_space<vmem>>
      %dma_start3A_219 = tpu.memref_squeeze %dma_start3A_218 : memref<1x2x64xi32, #tpu.memory_space<vmem>> -> memref<2x64xi32, #tpu.memory_space<vmem>>
      %dma_start3A_220 = arith.constant 0 : i32
      %dma_start3A_221 = arith.constant 0 : i32
      %dma_start3A_222 = tpu.memref_slice %arg5[%add3A_90, %dma_start3A_220, %dma_start3A_221] : memref<5120x2x64xi32, #tpu.memory_space<hbm>> -> memref<1x2x64xi32, #tpu.memory_space<hbm>>
      %dma_start3A_223 = tpu.memref_squeeze %dma_start3A_222 : memref<1x2x64xi32, #tpu.memory_space<hbm>> -> memref<2x64xi32, #tpu.memory_space<hbm>>
      tpu.enqueue_dma source(%dma_start3A_223 : memref<2x64xi32, #tpu.memory_space<hbm>>) target(%dma_start3A_219 : memref<2x64xi32, #tpu.memory_space<vmem>>) target_semaphore(%run_scoped3A_207 : memref<!tpu.dma_semaphore, #tpu.memory_space<semaphore_mem>>)
      %dma_wait3A = arith.constant 0 : i32
      %dma_wait3A_224 = arith.constant 0 : i32
      %dma_wait3A_225 = tpu.memref_slice %arg8[%run_scoped3A_91, %dma_wait3A, %dma_wait3A_224] : memref<4x2x64xi32, #tpu.memory_space<vmem>> -> memref<1x2x64xi32, #tpu.memory_space<vmem>>
      %dma_wait3A_226 = tpu.memref_squeeze %dma_wait3A_225 : memref<1x2x64xi32, #tpu.memory_space<vmem>> -> memref<2x64xi32, #tpu.memory_space<vmem>>
      %dma_wait3A_227 = arith.constant 0 : i32
      %dma_wait3A_228 = arith.constant 0 : i32
      %dma_wait3A_229 = tpu.memref_slice %arg5[%add3A_90, %dma_wait3A_227, %dma_wait3A_228] : memref<5120x2x64xi32, #tpu.memory_space<hbm>> -> memref<1x2x64xi32, #tpu.memory_space<hbm>>
      %dma_wait3A_230 = tpu.memref_squeeze %dma_wait3A_229 : memref<1x2x64xi32, #tpu.memory_space<hbm>> -> memref<2x64xi32, #tpu.memory_space<hbm>>
      %dma_wait3A_231 = arith.constant 0 : i32
      %dma_wait3A_232 = arith.constant 0 : i32
      %dma_wait3A_233 = tpu.memref_slice %arg8[%run_scoped3A_91, %dma_wait3A_231, %dma_wait3A_232] : memref<4x2x64xi32, #tpu.memory_space<vmem>> -> memref<1x2x64xi32, #tpu.memory_space<vmem>>
      %dma_wait3A_234 = tpu.memref_squeeze %dma_wait3A_233 : memref<1x2x64xi32, #tpu.memory_space<vmem>> -> memref<2x64xi32, #tpu.memory_space<vmem>>
      %dma_wait3A_235 = arith.constant 0 : i32
      %dma_wait3A_236 = arith.constant 0 : i32
      %dma_wait3A_237 = tpu.memref_slice %arg5[%add3A_90, %dma_wait3A_235, %dma_wait3A_236] : memref<5120x2x64xi32, #tpu.memory_space<hbm>> -> memref<1x2x64xi32, #tpu.memory_space<hbm>>
      %dma_wait3A_238 = tpu.memref_squeeze %dma_wait3A_237 : memref<1x2x64xi32, #tpu.memory_space<hbm>> -> memref<2x64xi32, #tpu.memory_space<hbm>>
      tpu.wait_dma2 semaphore(%run_scoped3A_207 : memref<!tpu.dma_semaphore, #tpu.memory_space<semaphore_mem>>) src(%dma_wait3A_238 : memref<2x64xi32, #tpu.memory_space<hbm>>) dst(%dma_wait3A_234 : memref<2x64xi32, #tpu.memory_space<vmem>>)
      tpu.yield
    }) : () -> ()
    %dma_start3A = arith.constant 0 : i32
    %dma_start3A_92 = arith.constant 0 : i32
    %dma_start3A_93 = arith.constant 0 : i32
    %dma_start3A_94 = tpu.memref_slice %arg8[%dma_start3A, %dma_start3A_92, %dma_start3A_93] : memref<4x2x64xi32, #tpu.memory_space<vmem>> -> memref<1x1x64xi32, #tpu.memory_space<vmem>>
    %dma_start3A_95 = tpu.memref_squeeze %dma_start3A_94 : memref<1x1x64xi32, #tpu.memory_space<vmem>> -> memref<64xi32, #tpu.memory_space<vmem>>
    %dma_start3A_96 = arith.constant 0 : i32
    %dma_start3A_97 = arith.constant 0 : i32
    %dma_start3A_98 = tpu.memref_slice %arg2[%dma_start3A_96, %dma_start3A_97] : memref<10240x16xf32, #tpu.memory_space<hbm>> -> memref<10240x16xf32, #tpu.memory_space<hbm>>
    tpu.enqueue_indirect_dma source(%dma_start3A_98 : memref<10240x16xf32, #tpu.memory_space<hbm>>) target(%arg9 : memref<64x16xf32, #tpu.memory_space<vmem>>) offsets(%dma_start3A_95 : memref<64xi32, #tpu.memory_space<vmem>>) semaphore(%arg17 : memref<!tpu.dma_semaphore, #tpu.memory_space<semaphore_mem>>)
    %dma_start3A_99 = arith.constant 0 : i32
    %dma_start3A_100 = arith.constant 1 : i32
    %dma_start3A_101 = arith.constant 0 : i32
    %dma_start3A_102 = tpu.memref_slice %arg8[%dma_start3A_99, %dma_start3A_100, %dma_start3A_101] : memref<4x2x64xi32, #tpu.memory_space<vmem>> -> memref<1x1x64xi32, #tpu.memory_space<vmem>>
    %dma_start3A_103 = tpu.memref_squeeze %dma_start3A_102 : memref<1x1x64xi32, #tpu.memory_space<vmem>> -> memref<64xi32, #tpu.memory_space<vmem>>
    %dma_start3A_104 = arith.constant 0 : i32
    %dma_start3A_105 = arith.constant 0 : i32
    %dma_start3A_106 = tpu.memref_slice %arg3[%dma_start3A_104, %dma_start3A_105] : memref<10240x16xf32, #tpu.memory_space<hbm>> -> memref<10240x16xf32, #tpu.memory_space<hbm>>
    tpu.enqueue_indirect_dma source(%dma_start3A_106 : memref<10240x16xf32, #tpu.memory_space<hbm>>) target(%arg11 : memref<64x16xf32, #tpu.memory_space<vmem>>) offsets(%dma_start3A_103 : memref<64xi32, #tpu.memory_space<vmem>>) semaphore(%arg17 : memref<!tpu.dma_semaphore, #tpu.memory_space<semaphore_mem>>)
    %dma_start3A_107 = arith.constant 0 : i32
    %dma_start3A_108 = arith.constant 1 : i32
    %dma_start3A_109 = arith.constant 0 : i32
    %dma_start3A_110 = tpu.memref_slice %arg8[%dma_start3A_107, %dma_start3A_108, %dma_start3A_109] : memref<4x2x64xi32, #tpu.memory_space<vmem>> -> memref<1x1x64xi32, #tpu.memory_space<vmem>>
    %dma_start3A_111 = tpu.memref_squeeze %dma_start3A_110 : memref<1x1x64xi32, #tpu.memory_space<vmem>> -> memref<64xi32, #tpu.memory_space<vmem>>
    %dma_start3A_112 = arith.constant 0 : i32
    %dma_start3A_113 = arith.constant 0 : i32
    %dma_start3A_114 = tpu.memref_slice %arg4[%dma_start3A_112, %dma_start3A_113] : memref<10240x128xf32, #tpu.memory_space<hbm>> -> memref<10240x128xf32, #tpu.memory_space<hbm>>
    tpu.enqueue_indirect_dma source(%dma_start3A_114 : memref<10240x128xf32, #tpu.memory_space<hbm>>) target(%arg13 : memref<64x128xf32, #tpu.memory_space<vmem>>) offsets(%dma_start3A_111 : memref<64xi32, #tpu.memory_space<vmem>>) semaphore(%arg17 : memref<!tpu.dma_semaphore, #tpu.memory_space<semaphore_mem>>)
    %dma_start3A_115 = arith.constant 1 : i32
    %dma_start3A_116 = arith.constant 0 : i32
    %dma_start3A_117 = arith.constant 0 : i32
    %dma_start3A_118 = tpu.memref_slice %arg8[%dma_start3A_115, %dma_start3A_116, %dma_start3A_117] : memref<4x2x64xi32, #tpu.memory_space<vmem>> -> memref<1x1x64xi32, #tpu.memory_space<vmem>>
    %dma_start3A_119 = tpu.memref_squeeze %dma_start3A_118 : memref<1x1x64xi32, #tpu.memory_space<vmem>> -> memref<64xi32, #tpu.memory_space<vmem>>
    %dma_start3A_120 = arith.constant 0 : i32
    %dma_start3A_121 = arith.constant 0 : i32
    %dma_start3A_122 = tpu.memref_slice %arg2[%dma_start3A_120, %dma_start3A_121] : memref<10240x16xf32, #tpu.memory_space<hbm>> -> memref<10240x16xf32, #tpu.memory_space<hbm>>
    tpu.enqueue_indirect_dma source(%dma_start3A_122 : memref<10240x16xf32, #tpu.memory_space<hbm>>) target(%arg10 : memref<64x16xf32, #tpu.memory_space<vmem>>) offsets(%dma_start3A_119 : memref<64xi32, #tpu.memory_space<vmem>>) semaphore(%arg18 : memref<!tpu.dma_semaphore, #tpu.memory_space<semaphore_mem>>)
    %dma_start3A_123 = arith.constant 1 : i32
    %dma_start3A_124 = arith.constant 1 : i32
    %dma_start3A_125 = arith.constant 0 : i32
    %dma_start3A_126 = tpu.memref_slice %arg8[%dma_start3A_123, %dma_start3A_124, %dma_start3A_125] : memref<4x2x64xi32, #tpu.memory_space<vmem>> -> memref<1x1x64xi32, #tpu.memory_space<vmem>>
    %dma_start3A_127 = tpu.memref_squeeze %dma_start3A_126 : memref<1x1x64xi32, #tpu.memory_space<vmem>> -> memref<64xi32, #tpu.memory_space<vmem>>
    %dma_start3A_128 = arith.constant 0 : i32
    %dma_start3A_129 = arith.constant 0 : i32
    %dma_start3A_130 = tpu.memref_slice %arg3[%dma_start3A_128, %dma_start3A_129] : memref<10240x16xf32, #tpu.memory_space<hbm>> -> memref<10240x16xf32, #tpu.memory_space<hbm>>
    tpu.enqueue_indirect_dma source(%dma_start3A_130 : memref<10240x16xf32, #tpu.memory_space<hbm>>) target(%arg12 : memref<64x16xf32, #tpu.memory_space<vmem>>) offsets(%dma_start3A_127 : memref<64xi32, #tpu.memory_space<vmem>>) semaphore(%arg18 : memref<!tpu.dma_semaphore, #tpu.memory_space<semaphore_mem>>)
    %dma_start3A_131 = arith.constant 1 : i32
    %dma_start3A_132 = arith.constant 1 : i32
    %dma_start3A_133 = arith.constant 0 : i32
    %dma_start3A_134 = tpu.memref_slice %arg8[%dma_start3A_131, %dma_start3A_132, %dma_start3A_133] : memref<4x2x64xi32, #tpu.memory_space<vmem>> -> memref<1x1x64xi32, #tpu.memory_space<vmem>>
    %dma_start3A_135 = tpu.memref_squeeze %dma_start3A_134 : memref<1x1x64xi32, #tpu.memory_space<vmem>> -> memref<64xi32, #tpu.memory_space<vmem>>
    %dma_start3A_136 = arith.constant 0 : i32
    %dma_start3A_137 = arith.constant 0 : i32
    %dma_start3A_138 = tpu.memref_slice %arg4[%dma_start3A_136, %dma_start3A_137] : memref<10240x128xf32, #tpu.memory_space<hbm>> -> memref<10240x128xf32, #tpu.memory_space<hbm>>
    tpu.enqueue_indirect_dma source(%dma_start3A_138 : memref<10240x128xf32, #tpu.memory_space<hbm>>) target(%arg14 : memref<64x128xf32, #tpu.memory_space<vmem>>) offsets(%dma_start3A_135 : memref<64xi32, #tpu.memory_space<vmem>>) semaphore(%arg18 : memref<!tpu.dma_semaphore, #tpu.memory_space<semaphore_mem>>)
    %mul3A_139 = arith.constant 160 : i32
    %mul3A_140 = arith.muli %add3A, %mul3A_139 : i32
    %add3A_141 = arith.constant 2 : i32
    %add3A_142 = arith.addi %mul3A_140, %add3A_141 : i32
    %dma_start3A_143 = arith.constant 2 : i32
    %dma_start3A_144 = arith.constant 0 : i32
    %dma_start3A_145 = arith.constant 0 : i32
    %dma_start3A_146 = tpu.memref_slice %arg8[%dma_start3A_143, %dma_start3A_144, %dma_start3A_145] : memref<4x2x64xi32, #tpu.memory_space<vmem>> -> memref<1x2x64xi32, #tpu.memory_space<vmem>>
    %dma_start3A_147 = tpu.memref_squeeze %dma_start3A_146 : memref<1x2x64xi32, #tpu.memory_space<vmem>> -> memref<2x64xi32, #tpu.memory_space<vmem>>
    %dma_start3A_148 = arith.constant 0 : i32
    %dma_start3A_149 = arith.constant 0 : i32
    %dma_start3A_150 = tpu.memref_slice %arg5[%add3A_142, %dma_start3A_148, %dma_start3A_149] : memref<5120x2x64xi32, #tpu.memory_space<hbm>> -> memref<1x2x64xi32, #tpu.memory_space<hbm>>
    %dma_start3A_151 = tpu.memref_squeeze %dma_start3A_150 : memref<1x2x64xi32, #tpu.memory_space<hbm>> -> memref<2x64xi32, #tpu.memory_space<hbm>>
    %dma_start3A_152 = arith.constant 0 : i32
    %dma_start3A_153 = arith.constant 0 : i32
    %dma_start3A_154 = tpu.memref_slice %arg8[%dma_start3A_143, %dma_start3A_152, %dma_start3A_153] : memref<4x2x64xi32, #tpu.memory_space<vmem>> -> memref<1x2x64xi32, #tpu.memory_space<vmem>>
    %dma_start3A_155 = tpu.memref_squeeze %dma_start3A_154 : memref<1x2x64xi32, #tpu.memory_space<vmem>> -> memref<2x64xi32, #tpu.memory_space<vmem>>
    %dma_start3A_156 = arith.constant 0 : i32
    %dma_start3A_157 = arith.constant 0 : i32
    %dma_start3A_158 = tpu.memref_slice %arg5[%add3A_142, %dma_start3A_156, %dma_start3A_157] : memref<5120x2x64xi32, #tpu.memory_space<hbm>> -> memref<1x2x64xi32, #tpu.memory_space<hbm>>
    %dma_start3A_159 = tpu.memref_squeeze %dma_start3A_158 : memref<1x2x64xi32, #tpu.memory_space<hbm>> -> memref<2x64xi32, #tpu.memory_space<hbm>>
    tpu.enqueue_dma source(%dma_start3A_159 : memref<2x64xi32, #tpu.memory_space<hbm>>) target(%dma_start3A_155 : memref<2x64xi32, #tpu.memory_space<vmem>>) target_semaphore(%arg21 : memref<!tpu.dma_semaphore, #tpu.memory_space<semaphore_mem>>)
    %mul3A_160 = arith.constant 160 : i32
    %mul3A_161 = arith.muli %add3A, %mul3A_160 : i32
    %add3A_162 = arith.constant 3 : i32
    %add3A_163 = arith.addi %mul3A_161, %add3A_162 : i32
    %dma_start3A_164 = arith.constant 3 : i32
    %dma_start3A_165 = arith.constant 0 : i32
    %dma_start3A_166 = arith.constant 0 : i32
    %dma_start3A_167 = tpu.memref_slice %arg8[%dma_start3A_164, %dma_start3A_165, %dma_start3A_166] : memref<4x2x64xi32, #tpu.memory_space<vmem>> -> memref<1x2x64xi32, #tpu.memory_space<vmem>>
    %dma_start3A_168 = tpu.memref_squeeze %dma_start3A_167 : memref<1x2x64xi32, #tpu.memory_space<vmem>> -> memref<2x64xi32, #tpu.memory_space<vmem>>
    %dma_start3A_169 = arith.constant 0 : i32
    %dma_start3A_170 = arith.constant 0 : i32
    %dma_start3A_171 = tpu.memref_slice %arg5[%add3A_163, %dma_start3A_169, %dma_start3A_170] : memref<5120x2x64xi32, #tpu.memory_space<hbm>> -> memref<1x2x64xi32, #tpu.memory_space<hbm>>
    %dma_start3A_172 = tpu.memref_squeeze %dma_start3A_171 : memref<1x2x64xi32, #tpu.memory_space<hbm>> -> memref<2x64xi32, #tpu.memory_space<hbm>>
    %dma_start3A_173 = arith.constant 0 : i32
    %dma_start3A_174 = arith.constant 0 : i32
    %dma_start3A_175 = tpu.memref_slice %arg8[%dma_start3A_164, %dma_start3A_173, %dma_start3A_174] : memref<4x2x64xi32, #tpu.memory_space<vmem>> -> memref<1x2x64xi32, #tpu.memory_space<vmem>>
    %dma_start3A_176 = tpu.memref_squeeze %dma_start3A_175 : memref<1x2x64xi32, #tpu.memory_space<vmem>> -> memref<2x64xi32, #tpu.memory_space<vmem>>
    %dma_start3A_177 = arith.constant 0 : i32
    %dma_start3A_178 = arith.constant 0 : i32
    %dma_start3A_179 = tpu.memref_slice %arg5[%add3A_163, %dma_start3A_177, %dma_start3A_178] : memref<5120x2x64xi32, #tpu.memory_space<hbm>> -> memref<1x2x64xi32, #tpu.memory_space<hbm>>
    %dma_start3A_180 = tpu.memref_squeeze %dma_start3A_179 : memref<1x2x64xi32, #tpu.memory_space<hbm>> -> memref<2x64xi32, #tpu.memory_space<hbm>>
    tpu.enqueue_dma source(%dma_start3A_180 : memref<2x64xi32, #tpu.memory_space<hbm>>) target(%dma_start3A_176 : memref<2x64xi32, #tpu.memory_space<vmem>>) target_semaphore(%arg22 : memref<!tpu.dma_semaphore, #tpu.memory_space<semaphore_mem>>)
    %scan3A_181 = arith.constant 0 : i32
    %scan3A_182 = arith.constant 40 : i32
    %scan3A_183 = arith.addi %scan3A_181, %scan3A_182 : i32
    %scan3A_184 = arith.constant 1 : i32
    scf.for %scan3A_207 = %scan3A_181 to %scan3A_183 step %scan3A_184  : i32 {
      %mul3A_208 = arith.constant 4 : i32
      %mul3A_209 = arith.muli %scan3A_207, %mul3A_208 : i32
      %add3A_210 = arith.constant 0 : i32
      %add3A_211 = arith.addi %add3A_210, %mul3A_209 : i32
      %dma_wait3A = arith.constant 0 : i32
      %dma_wait3A_212 = arith.constant 0 : i32
      %dma_wait3A_213 = tpu.memref_slice %arg2[%dma_wait3A, %dma_wait3A_212] : memref<10240x16xf32, #tpu.memory_space<hbm>> -> memref<64x16xf32, #tpu.memory_space<hbm>>
      %dma_wait3A_214 = arith.constant 0 : i32
      %dma_wait3A_215 = arith.constant 0 : i32
      %dma_wait3A_216 = tpu.memref_slice %arg2[%dma_wait3A_214, %dma_wait3A_215] : memref<10240x16xf32, #tpu.memory_space<hbm>> -> memref<64x16xf32, #tpu.memory_space<hbm>>
      tpu.wait_dma2 semaphore(%arg17 : memref<!tpu.dma_semaphore, #tpu.memory_space<semaphore_mem>>) src(%dma_wait3A_216 : memref<64x16xf32, #tpu.memory_space<hbm>>) dst(%arg9 : memref<64x16xf32, #tpu.memory_space<vmem>>)
      %dma_wait3A_217 = arith.constant 0 : i32
      %dma_wait3A_218 = arith.constant 0 : i32
      %dma_wait3A_219 = tpu.memref_slice %arg3[%dma_wait3A_217, %dma_wait3A_218] : memref<10240x16xf32, #tpu.memory_space<hbm>> -> memref<64x16xf32, #tpu.memory_space<hbm>>
      %dma_wait3A_220 = arith.constant 0 : i32
      %dma_wait3A_221 = arith.constant 0 : i32
      %dma_wait3A_222 = tpu.memref_slice %arg3[%dma_wait3A_220, %dma_wait3A_221] : memref<10240x16xf32, #tpu.memory_space<hbm>> -> memref<64x16xf32, #tpu.memory_space<hbm>>
      tpu.wait_dma2 semaphore(%arg17 : memref<!tpu.dma_semaphore, #tpu.memory_space<semaphore_mem>>) src(%dma_wait3A_222 : memref<64x16xf32, #tpu.memory_space<hbm>>) dst(%arg11 : memref<64x16xf32, #tpu.memory_space<vmem>>)
      %dma_wait3A_223 = arith.constant 0 : i32
      %dma_wait3A_224 = arith.constant 0 : i32
      %dma_wait3A_225 = tpu.memref_slice %arg4[%dma_wait3A_223, %dma_wait3A_224] : memref<10240x128xf32, #tpu.memory_space<hbm>> -> memref<64x128xf32, #tpu.memory_space<hbm>>
      %dma_wait3A_226 = arith.constant 0 : i32
      %dma_wait3A_227 = arith.constant 0 : i32
      %dma_wait3A_228 = tpu.memref_slice %arg4[%dma_wait3A_226, %dma_wait3A_227] : memref<10240x128xf32, #tpu.memory_space<hbm>> -> memref<64x128xf32, #tpu.memory_space<hbm>>
      tpu.wait_dma2 semaphore(%arg17 : memref<!tpu.dma_semaphore, #tpu.memory_space<semaphore_mem>>) src(%dma_wait3A_228 : memref<64x128xf32, #tpu.memory_space<hbm>>) dst(%arg13 : memref<64x128xf32, #tpu.memory_space<vmem>>)
      %scan3A_229 = arith.constant 0 : i32
      %scan3A_230 = arith.constant 64 : i32
      %scan3A_231 = arith.addi %scan3A_229, %scan3A_230 : i32
      %scan3A_232 = arith.constant 1 : i32
      scf.for %scan3A_378 = %scan3A_229 to %scan3A_231 step %scan3A_232  : i32 {
        %mul3A_379 = arith.constant 1 : i32
        %mul3A_380 = arith.muli %scan3A_378, %mul3A_379 : i32
        %add3A_381 = arith.constant 0 : i32
        %add3A_382 = arith.addi %add3A_381, %mul3A_380 : i32
        %get3A = arith.index_cast %add3A_382 : i32 to index
        %get3A_383 = arith.constant 0 : index
        %get3A_384 = tpu.vector_load %arg9[%get3A, %get3A_383] {strides = array<i32>} : memref<64x16xf32, #tpu.memory_space<vmem>>, vector<1x16xf32>,
        %get3A_385 = vector.shape_cast %get3A_384 : vector<1x16xf32> to vector<16xf32>
        %get3A_386 = arith.index_cast %add3A_382 : i32 to index
        %get3A_387 = arith.constant 0 : index
        %get3A_388 = tpu.vector_load %arg11[%get3A_386, %get3A_387] {strides = array<i32>} : memref<64x16xf32, #tpu.memory_space<vmem>>, vector<1x16xf32>,
        %get3A_389 = vector.shape_cast %get3A_388 : vector<1x16xf32> to vector<16xf32>
        %add3A_390 = arith.addf %get3A_385, %get3A_389 : vector<16xf32>
        %ge3A = arith.constant 0.000000e+00 : f32
        %ge3A_391 = vector.broadcast %ge3A : f32 to vector<16xf32>
        %ge3A_392 = arith.cmpf oge, %add3A_390, %ge3A_391 : vector<16xf32>
        %mul3A_393 = arith.constant 2.000000e-01 : f32
        %mul3A_394 = vector.broadcast %mul3A_393 : f32 to vector<16xf32>
        %mul3A_395 = arith.mulf %mul3A_394, %add3A_390 : vector<16xf32>
        %select_n3A = arith.select %ge3A_392, %add3A_390, %mul3A_395 : vector<16xi1>, vector<16xf32>
        %exp3A = math.exp %select_n3A : vector<16xf32>
        %swap3A = arith.index_cast %add3A_382 : i32 to index
        %swap3A_396 = arith.constant 0 : index
        %swap3A_397 = tpu.vector_load %arg9[%swap3A, %swap3A_396] {strides = array<i32>} : memref<64x16xf32, #tpu.memory_space<vmem>>, vector<1x16xf32>,
        %swap3A_398 = vector.shape_cast %swap3A_397 : vector<1x16xf32> to vector<16xf32>
        %swap3A_399 = vector.shape_cast %exp3A : vector<16xf32> to vector<1x16xf32>
        tpu.vector_store %arg9[%swap3A, %swap3A_396], %swap3A_399 {strides = array<i32>} : memref<64x16xf32, #tpu.memory_space<vmem>>, vector<1x16xf32>,
        %get3A_400 = arith.index_cast %add3A_382 : i32 to index
        %get3A_401 = arith.constant 0 : index
        %get3A_402 = tpu.vector_load %arg13[%get3A_400, %get3A_401] {strides = array<i32>} : memref<64x128xf32, #tpu.memory_space<vmem>>, vector<1x16xf32>,
        %get3A_403 = vector.shape_cast %get3A_402 : vector<1x16xf32> to vector<16xf32>
        %slice3A = vector.extract_strided_slice %exp3A {offsets = [0], sizes = [1], strides = [1]} : vector<16xf32> to vector<1xf32>
        %squeeze3A = vector.extract %slice3A[0] : f32 from vector<1xf32>
        %mul3A_404 = vector.broadcast %squeeze3A : f32 to vector<16xf32>
        %mul3A_405 = arith.mulf %get3A_403, %mul3A_404 : vector<16xf32>
        %swap3A_406 = arith.index_cast %add3A_382 : i32 to index
        %swap3A_407 = arith.constant 0 : index
        %swap3A_408 = tpu.vector_load %arg13[%swap3A_406, %swap3A_407] {strides = array<i32>} : memref<64x128xf32, #tpu.memory_space<vmem>>, vector<1x16xf32>,
        %swap3A_409 = vector.shape_cast %swap3A_408 : vector<1x16xf32> to vector<16xf32>
        %swap3A_410 = vector.shape_cast %mul3A_405 : vector<16xf32> to vector<1x16xf32>
        tpu.vector_store %arg13[%swap3A_406, %swap3A_407], %swap3A_410 {strides = array<i32>} : memref<64x128xf32, #tpu.memory_space<vmem>>, vector<1x16xf32>,
        %get3A_411 = arith.index_cast %add3A_382 : i32 to index
        %get3A_412 = arith.constant 16 : index
        %get3A_413 = tpu.vector_load %arg13[%get3A_411, %get3A_412] {strides = array<i32>} : memref<64x128xf32, #tpu.memory_space<vmem>>, vector<1x16xf32>,
        %get3A_414 = vector.shape_cast %get3A_413 : vector<1x16xf32> to vector<16xf32>
        %slice3A_415 = vector.extract_strided_slice %exp3A {offsets = [1], sizes = [1], strides = [1]} : vector<16xf32> to vector<1xf32>
        %squeeze3A_416 = vector.extract %slice3A_415[0] : f32 from vector<1xf32>
        %mul3A_417 = vector.broadcast %squeeze3A_416 : f32 to vector<16xf32>
        %mul3A_418 = arith.mulf %get3A_414, %mul3A_417 : vector<16xf32>
        %swap3A_419 = arith.index_cast %add3A_382 : i32 to index
        %swap3A_420 = arith.constant 16 : index
        %swap3A_421 = tpu.vector_load %arg13[%swap3A_419, %swap3A_420] {strides = array<i32>} : memref<64x128xf32, #tpu.memory_space<vmem>>, vector<1x16xf32>,
        %swap3A_422 = vector.shape_cast %swap3A_421 : vector<1x16xf32> to vector<16xf32>
        %swap3A_423 = vector.shape_cast %mul3A_418 : vector<16xf32> to vector<1x16xf32>
        tpu.vector_store %arg13[%swap3A_419, %swap3A_420], %swap3A_423 {strides = array<i32>} : memref<64x128xf32, #tpu.memory_space<vmem>>, vector<1x16xf32>,
        %get3A_424 = arith.index_cast %add3A_382 : i32 to index
        %get3A_425 = arith.constant 32 : index
        %get3A_426 = tpu.vector_load %arg13[%get3A_424, %get3A_425] {strides = array<i32>} : memref<64x128xf32, #tpu.memory_space<vmem>>, vector<1x16xf32>,
        %get3A_427 = vector.shape_cast %get3A_426 : vector<1x16xf32> to vector<16xf32>
        %slice3A_428 = vector.extract_strided_slice %exp3A {offsets = [2], sizes = [1], strides = [1]} : vector<16xf32> to vector<1xf32>
        %squeeze3A_429 = vector.extract %slice3A_428[0] : f32 from vector<1xf32>
        %mul3A_430 = vector.broadcast %squeeze3A_429 : f32 to vector<16xf32>
        %mul3A_431 = arith.mulf %get3A_427, %mul3A_430 : vector<16xf32>
        %swap3A_432 = arith.index_cast %add3A_382 : i32 to index
        %swap3A_433 = arith.constant 32 : index
        %swap3A_434 = tpu.vector_load %arg13[%swap3A_432, %swap3A_433] {strides = array<i32>} : memref<64x128xf32, #tpu.memory_space<vmem>>, vector<1x16xf32>,
        %swap3A_435 = vector.shape_cast %swap3A_434 : vector<1x16xf32> to vector<16xf32>
        %swap3A_436 = vector.shape_cast %mul3A_431 : vector<16xf32> to vector<1x16xf32>
        tpu.vector_store %arg13[%swap3A_432, %swap3A_433], %swap3A_436 {strides = array<i32>} : memref<64x128xf32, #tpu.memory_space<vmem>>, vector<1x16xf32>,
        %get3A_437 = arith.index_cast %add3A_382 : i32 to index
        %get3A_438 = arith.constant 48 : index
        %get3A_439 = tpu.vector_load %arg13[%get3A_437, %get3A_438] {strides = array<i32>} : memref<64x128xf32, #tpu.memory_space<vmem>>, vector<1x16xf32>,
        %get3A_440 = vector.shape_cast %get3A_439 : vector<1x16xf32> to vector<16xf32>
        %slice3A_441 = vector.extract_strided_slice %exp3A {offsets = [3], sizes = [1], strides = [1]} : vector<16xf32> to vector<1xf32>
        %squeeze3A_442 = vector.extract %slice3A_441[0] : f32 from vector<1xf32>
        %mul3A_443 = vector.broadcast %squeeze3A_442 : f32 to vector<16xf32>
        %mul3A_444 = arith.mulf %get3A_440, %mul3A_443 : vector<16xf32>
        %swap3A_445 = arith.index_cast %add3A_382 : i32 to index
        %swap3A_446 = arith.constant 48 : index
        %swap3A_447 = tpu.vector_load %arg13[%swap3A_445, %swap3A_446] {strides = array<i32>} : memref<64x128xf32, #tpu.memory_space<vmem>>, vector<1x16xf32>,
        %swap3A_448 = vector.shape_cast %swap3A_447 : vector<1x16xf32> to vector<16xf32>
        %swap3A_449 = vector.shape_cast %mul3A_444 : vector<16xf32> to vector<1x16xf32>
        tpu.vector_store %arg13[%swap3A_445, %swap3A_446], %swap3A_449 {strides = array<i32>} : memref<64x128xf32, #tpu.memory_space<vmem>>, vector<1x16xf32>,
        %get3A_450 = arith.index_cast %add3A_382 : i32 to index
        %get3A_451 = arith.constant 64 : index
        %get3A_452 = tpu.vector_load %arg13[%get3A_450, %get3A_451] {strides = array<i32>} : memref<64x128xf32, #tpu.memory_space<vmem>>, vector<1x16xf32>,
        %get3A_453 = vector.shape_cast %get3A_452 : vector<1x16xf32> to vector<16xf32>
        %slice3A_454 = vector.extract_strided_slice %exp3A {offsets = [4], sizes = [1], strides = [1]} : vector<16xf32> to vector<1xf32>
        %squeeze3A_455 = vector.extract %slice3A_454[0] : f32 from vector<1xf32>
        %mul3A_456 = vector.broadcast %squeeze3A_455 : f32 to vector<16xf32>
        %mul3A_457 = arith.mulf %get3A_453, %mul3A_456 : vector<16xf32>
        %swap3A_458 = arith.index_cast %add3A_382 : i32 to index
        %swap3A_459 = arith.constant 64 : index
        %swap3A_460 = tpu.vector_load %arg13[%swap3A_458, %swap3A_459] {strides = array<i32>} : memref<64x128xf32, #tpu.memory_space<vmem>>, vector<1x16xf32>,
        %swap3A_461 = vector.shape_cast %swap3A_460 : vector<1x16xf32> to vector<16xf32>
        %swap3A_462 = vector.shape_cast %mul3A_457 : vector<16xf32> to vector<1x16xf32>
        tpu.vector_store %arg13[%swap3A_458, %swap3A_459], %swap3A_462 {strides = array<i32>} : memref<64x128xf32, #tpu.memory_space<vmem>>, vector<1x16xf32>,
        %get3A_463 = arith.index_cast %add3A_382 : i32 to index
        %get3A_464 = arith.constant 80 : index
        %get3A_465 = tpu.vector_load %arg13[%get3A_463, %get3A_464] {strides = array<i32>} : memref<64x128xf32, #tpu.memory_space<vmem>>, vector<1x16xf32>,
        %get3A_466 = vector.shape_cast %get3A_465 : vector<1x16xf32> to vector<16xf32>
        %slice3A_467 = vector.extract_strided_slice %exp3A {offsets = [5], sizes = [1], strides = [1]} : vector<16xf32> to vector<1xf32>
        %squeeze3A_468 = vector.extract %slice3A_467[0] : f32 from vector<1xf32>
        %mul3A_469 = vector.broadcast %squeeze3A_468 : f32 to vector<16xf32>
        %mul3A_470 = arith.mulf %get3A_466, %mul3A_469 : vector<16xf32>
        %swap3A_471 = arith.index_cast %add3A_382 : i32 to index
        %swap3A_472 = arith.constant 80 : index
        %swap3A_473 = tpu.vector_load %arg13[%swap3A_471, %swap3A_472] {strides = array<i32>} : memref<64x128xf32, #tpu.memory_space<vmem>>, vector<1x16xf32>,
        %swap3A_474 = vector.shape_cast %swap3A_473 : vector<1x16xf32> to vector<16xf32>
        %swap3A_475 = vector.shape_cast %mul3A_470 : vector<16xf32> to vector<1x16xf32>
        tpu.vector_store %arg13[%swap3A_471, %swap3A_472], %swap3A_475 {strides = array<i32>} : memref<64x128xf32, #tpu.memory_space<vmem>>, vector<1x16xf32>,
        %get3A_476 = arith.index_cast %add3A_382 : i32 to index
        %get3A_477 = arith.constant 96 : index
        %get3A_478 = tpu.vector_load %arg13[%get3A_476, %get3A_477] {strides = array<i32>} : memref<64x128xf32, #tpu.memory_space<vmem>>, vector<1x16xf32>,
        %get3A_479 = vector.shape_cast %get3A_478 : vector<1x16xf32> to vector<16xf32>
        %slice3A_480 = vector.extract_strided_slice %exp3A {offsets = [6], sizes = [1], strides = [1]} : vector<16xf32> to vector<1xf32>
        %squeeze3A_481 = vector.extract %slice3A_480[0] : f32 from vector<1xf32>
        %mul3A_482 = vector.broadcast %squeeze3A_481 : f32 to vector<16xf32>
        %mul3A_483 = arith.mulf %get3A_479, %mul3A_482 : vector<16xf32>
        %swap3A_484 = arith.index_cast %add3A_382 : i32 to index
        %swap3A_485 = arith.constant 96 : index
        %swap3A_486 = tpu.vector_load %arg13[%swap3A_484, %swap3A_485] {strides = array<i32>} : memref<64x128xf32, #tpu.memory_space<vmem>>, vector<1x16xf32>,
        %swap3A_487 = vector.shape_cast %swap3A_486 : vector<1x16xf32> to vector<16xf32>
        %swap3A_488 = vector.shape_cast %mul3A_483 : vector<16xf32> to vector<1x16xf32>
        tpu.vector_store %arg13[%swap3A_484, %swap3A_485], %swap3A_488 {strides = array<i32>} : memref<64x128xf32, #tpu.memory_space<vmem>>, vector<1x16xf32>,
        %get3A_489 = arith.index_cast %add3A_382 : i32 to index
        %get3A_490 = arith.constant 112 : index
        %get3A_491 = tpu.vector_load %arg13[%get3A_489, %get3A_490] {strides = array<i32>} : memref<64x128xf32, #tpu.memory_space<vmem>>, vector<1x16xf32>,
        %get3A_492 = vector.shape_cast %get3A_491 : vector<1x16xf32> to vector<16xf32>
        %slice3A_493 = vector.extract_strided_slice %exp3A {offsets = [7], sizes = [1], strides = [1]} : vector<16xf32> to vector<1xf32>
        %squeeze3A_494 = vector.extract %slice3A_493[0] : f32 from vector<1xf32>
        %mul3A_495 = vector.broadcast %squeeze3A_494 : f32 to vector<16xf32>
        %mul3A_496 = arith.mulf %get3A_492, %mul3A_495 : vector<16xf32>
        %swap3A_497 = arith.index_cast %add3A_382 : i32 to index
        %swap3A_498 = arith.constant 112 : index
        %swap3A_499 = tpu.vector_load %arg13[%swap3A_497, %swap3A_498] {strides = array<i32>} : memref<64x128xf32, #tpu.memory_space<vmem>>, vector<1x16xf32>,
        %swap3A_500 = vector.shape_cast %swap3A_499 : vector<1x16xf32> to vector<16xf32>
        %swap3A_501 = vector.shape_cast %mul3A_496 : vector<16xf32> to vector<1x16xf32>
        tpu.vector_store %arg13[%swap3A_497, %swap3A_498], %swap3A_501 {strides = array<i32>} : memref<64x128xf32, #tpu.memory_space<vmem>>, vector<1x16xf32>,
      }
      %scan3A_233 = arith.constant 64 : i32
      %run_scoped3A_234 = arith.constant 0 : i32
      %run_scoped3A_235 = arith.constant 0 : i32
      "tpu.region"() ({
        %run_scoped3A_378 = tpu.sem_alloc : memref<!tpu.dma_semaphore, #tpu.memory_space<semaphore_mem>>
        %dma_start3A_379 = arith.constant 0 : i32
        %dma_start3A_380 = tpu.memref_slice %arg8[%run_scoped3A_234, %run_scoped3A_235, %dma_start3A_379] : memref<4x2x64xi32, #tpu.memory_space<vmem>> -> memref<1x1x64xi32, #tpu.memory_space<vmem>>
        %dma_start3A_381 = tpu.memref_squeeze %dma_start3A_380 : memref<1x1x64xi32, #tpu.memory_space<vmem>> -> memref<64xi32, #tpu.memory_space<vmem>>
        %dma_start3A_382 = arith.constant 0 : i32
        %dma_start3A_383 = arith.constant 0 : i32
        %dma_start3A_384 = tpu.memref_slice %arg15[%dma_start3A_382, %dma_start3A_383] : memref<10240x16xf32, #tpu.memory_space<vmem_shared>> -> memref<10240x16xf32, #tpu.memory_space<vmem_shared>>
        tpu.enqueue_indirect_dma source(%arg9 : memref<64x16xf32, #tpu.memory_space<vmem>>) target(%dma_start3A_384 : memref<10240x16xf32, #tpu.memory_space<vmem_shared>>) offsets(%dma_start3A_381 : memref<64xi32, #tpu.memory_space<vmem>>) semaphore(%run_scoped3A_378 : memref<!tpu.dma_semaphore, #tpu.memory_space<semaphore_mem>>) {add = true}
        %dma_wait3A_385 = arith.constant 0 : i32
        %dma_wait3A_386 = tpu.memref_slice %arg8[%run_scoped3A_234, %run_scoped3A_235, %dma_wait3A_385] : memref<4x2x64xi32, #tpu.memory_space<vmem>> -> memref<1x1x64xi32, #tpu.memory_space<vmem>>
        %dma_wait3A_387 = tpu.memref_squeeze %dma_wait3A_386 : memref<1x1x64xi32, #tpu.memory_space<vmem>> -> memref<64xi32, #tpu.memory_space<vmem>>
        %dma_wait3A_388 = arith.constant 0 : i32
        %dma_wait3A_389 = arith.constant 0 : i32
        %dma_wait3A_390 = tpu.memref_slice %arg15[%dma_wait3A_388, %dma_wait3A_389] : memref<10240x16xf32, #tpu.memory_space<vmem_shared>> -> memref<10240x16xf32, #tpu.memory_space<vmem_shared>>
        tpu.wait_indirect_dma semaphore(%run_scoped3A_378 : memref<!tpu.dma_semaphore, #tpu.memory_space<semaphore_mem>>) src(%arg9 : memref<64x16xf32, #tpu.memory_space<vmem>>) dst(%dma_wait3A_390 : memref<10240x16xf32, #tpu.memory_space<vmem_shared>>)
        tpu.yield
      }) : () -> ()
      %run_scoped3A_236 = arith.constant 0 : i32
      %run_scoped3A_237 = arith.constant 0 : i32
      "tpu.region"() ({
        %run_scoped3A_378 = tpu.sem_alloc : memref<!tpu.dma_semaphore, #tpu.memory_space<semaphore_mem>>
        %dma_start3A_379 = arith.constant 0 : i32
        %dma_start3A_380 = tpu.memref_slice %arg8[%run_scoped3A_236, %run_scoped3A_237, %dma_start3A_379] : memref<4x2x64xi32, #tpu.memory_space<vmem>> -> memref<1x1x64xi32, #tpu.memory_space<vmem>>
        %dma_start3A_381 = tpu.memref_squeeze %dma_start3A_380 : memref<1x1x64xi32, #tpu.memory_space<vmem>> -> memref<64xi32, #tpu.memory_space<vmem>>
        %dma_start3A_382 = arith.constant 0 : i32
        %dma_start3A_383 = arith.constant 0 : i32
        %dma_start3A_384 = tpu.memref_slice %arg16[%dma_start3A_382, %dma_start3A_383] : memref<10240x128xf32, #tpu.memory_space<vmem_shared>> -> memref<10240x128xf32, #tpu.memory_space<vmem_shared>>
        tpu.enqueue_indirect_dma source(%arg13 : memref<64x128xf32, #tpu.memory_space<vmem>>) target(%dma_start3A_384 : memref<10240x128xf32, #tpu.memory_space<vmem_shared>>) offsets(%dma_start3A_381 : memref<64xi32, #tpu.memory_space<vmem>>) semaphore(%run_scoped3A_378 : memref<!tpu.dma_semaphore, #tpu.memory_space<semaphore_mem>>) {add = true}
        %dma_wait3A_385 = arith.constant 0 : i32
        %dma_wait3A_386 = tpu.memref_slice %arg8[%run_scoped3A_236, %run_scoped3A_237, %dma_wait3A_385] : memref<4x2x64xi32, #tpu.memory_space<vmem>> -> memref<1x1x64xi32, #tpu.memory_space<vmem>>
        %dma_wait3A_387 = tpu.memref_squeeze %dma_wait3A_386 : memref<1x1x64xi32, #tpu.memory_space<vmem>> -> memref<64xi32, #tpu.memory_space<vmem>>
        %dma_wait3A_388 = arith.constant 0 : i32
        %dma_wait3A_389 = arith.constant 0 : i32
        %dma_wait3A_390 = tpu.memref_slice %arg16[%dma_wait3A_388, %dma_wait3A_389] : memref<10240x128xf32, #tpu.memory_space<vmem_shared>> -> memref<10240x128xf32, #tpu.memory_space<vmem_shared>>
        tpu.wait_indirect_dma semaphore(%run_scoped3A_378 : memref<!tpu.dma_semaphore, #tpu.memory_space<semaphore_mem>>) src(%arg13 : memref<64x128xf32, #tpu.memory_space<vmem>>) dst(%dma_wait3A_390 : memref<10240x128xf32, #tpu.memory_space<vmem_shared>>)
        tpu.yield
      }) : () -> ()
      %add3A_238 = arith.constant 4 : i32
      %add3A_239 = arith.addi %add3A_211, %add3A_238 : i32
      %lt3A = arith.constant 160 : i32
      %lt3A_240 = arith.cmpi slt, %add3A_239, %lt3A : i32
      %convert_element_type3A = arith.extui %lt3A_240 : i1 to i32
      %cond3A = arith.constant 0 : i32
      %cond3A_241 = arith.cmpi ne, %convert_element_type3A, %cond3A : i32
      scf.if %cond3A_241 {
        %mul3A_378 = arith.constant 160 : i32
        %mul3A_379 = arith.muli %add3A, %mul3A_378 : i32
        %add3A_380 = arith.addi %mul3A_379, %add3A_239 : i32
        %dma_start3A_381 = arith.constant 0 : i32
        %dma_start3A_382 = arith.constant 0 : i32
        %dma_start3A_383 = arith.constant 0 : i32
        %dma_start3A_384 = tpu.memref_slice %arg8[%dma_start3A_381, %dma_start3A_382, %dma_start3A_383] : memref<4x2x64xi32, #tpu.memory_space<vmem>> -> memref<1x2x64xi32, #tpu.memory_space<vmem>>
        %dma_start3A_385 = tpu.memref_squeeze %dma_start3A_384 : memref<1x2x64xi32, #tpu.memory_space<vmem>> -> memref<2x64xi32, #tpu.memory_space<vmem>>
        %dma_start3A_386 = arith.constant 0 : i32
        %dma_start3A_387 = arith.constant 0 : i32
        %dma_start3A_388 = tpu.memref_slice %arg5[%add3A_380, %dma_start3A_386, %dma_start3A_387] : memref<5120x2x64xi32, #tpu.memory_space<hbm>> -> memref<1x2x64xi32, #tpu.memory_space<hbm>>
        %dma_start3A_389 = tpu.memref_squeeze %dma_start3A_388 : memref<1x2x64xi32, #tpu.memory_space<hbm>> -> memref<2x64xi32, #tpu.memory_space<hbm>>
        %dma_start3A_390 = arith.constant 0 : i32
        %dma_start3A_391 = arith.constant 0 : i32
        %dma_start3A_392 = tpu.memref_slice %arg8[%dma_start3A_381, %dma_start3A_390, %dma_start3A_391] : memref<4x2x64xi32, #tpu.memory_space<vmem>> -> memref<1x2x64xi32, #tpu.memory_space<vmem>>
        %dma_start3A_393 = tpu.memref_squeeze %dma_start3A_392 : memref<1x2x64xi32, #tpu.memory_space<vmem>> -> memref<2x64xi32, #tpu.memory_space<vmem>>
        %dma_start3A_394 = arith.constant 0 : i32
        %dma_start3A_395 = arith.constant 0 : i32
        %dma_start3A_396 = tpu.memref_slice %arg5[%add3A_380, %dma_start3A_394, %dma_start3A_395] : memref<5120x2x64xi32, #tpu.memory_space<hbm>> -> memref<1x2x64xi32, #tpu.memory_space<hbm>>
        %dma_start3A_397 = tpu.memref_squeeze %dma_start3A_396 : memref<1x2x64xi32, #tpu.memory_space<hbm>> -> memref<2x64xi32, #tpu.memory_space<hbm>>
        tpu.enqueue_dma source(%dma_start3A_397 : memref<2x64xi32, #tpu.memory_space<hbm>>) target(%dma_start3A_393 : memref<2x64xi32, #tpu.memory_space<vmem>>) target_semaphore(%arg19 : memref<!tpu.dma_semaphore, #tpu.memory_space<semaphore_mem>>)
      } else {
      }
      %add3A_242 = arith.constant 2 : i32
      %add3A_243 = arith.addi %add3A_211, %add3A_242 : i32
      %lt3A_244 = arith.constant 160 : i32
      %lt3A_245 = arith.cmpi slt, %add3A_243, %lt3A_244 : i32
      %convert_element_type3A_246 = arith.extui %lt3A_245 : i1 to i32
      %cond3A_247 = arith.constant 0 : i32
      %cond3A_248 = arith.cmpi ne, %convert_element_type3A_246, %cond3A_247 : i32
      scf.if %cond3A_248 {
        %dma_wait3A_378 = arith.constant 0 : i32
        %dma_wait3A_379 = arith.constant 2 : i32
        %dma_wait3A_380 = arith.constant 0 : i32
        %dma_wait3A_381 = arith.constant 0 : i32
        %dma_wait3A_382 = tpu.memref_slice %arg8[%dma_wait3A_379, %dma_wait3A_380, %dma_wait3A_381] : memref<4x2x64xi32, #tpu.memory_space<vmem>> -> memref<1x2x64xi32, #tpu.memory_space<vmem>>
        %dma_wait3A_383 = tpu.memref_squeeze %dma_wait3A_382 : memref<1x2x64xi32, #tpu.memory_space<vmem>> -> memref<2x64xi32, #tpu.memory_space<vmem>>
        %dma_wait3A_384 = arith.constant 0 : i32
        %dma_wait3A_385 = arith.constant 0 : i32
        %dma_wait3A_386 = tpu.memref_slice %arg5[%dma_wait3A_378, %dma_wait3A_384, %dma_wait3A_385] : memref<5120x2x64xi32, #tpu.memory_space<hbm>> -> memref<1x2x64xi32, #tpu.memory_space<hbm>>
        %dma_wait3A_387 = tpu.memref_squeeze %dma_wait3A_386 : memref<1x2x64xi32, #tpu.memory_space<hbm>> -> memref<2x64xi32, #tpu.memory_space<hbm>>
        %dma_wait3A_388 = arith.constant 0 : i32
        %dma_wait3A_389 = arith.constant 0 : i32
        %dma_wait3A_390 = tpu.memref_slice %arg8[%dma_wait3A_379, %dma_wait3A_388, %dma_wait3A_389] : memref<4x2x64xi32, #tpu.memory_space<vmem>> -> memref<1x2x64xi32, #tpu.memory_space<vmem>>
        %dma_wait3A_391 = tpu.memref_squeeze %dma_wait3A_390 : memref<1x2x64xi32, #tpu.memory_space<vmem>> -> memref<2x64xi32, #tpu.memory_space<vmem>>
        %dma_wait3A_392 = arith.constant 0 : i32
        %dma_wait3A_393 = arith.constant 0 : i32
        %dma_wait3A_394 = tpu.memref_slice %arg5[%dma_wait3A_378, %dma_wait3A_392, %dma_wait3A_393] : memref<5120x2x64xi32, #tpu.memory_space<hbm>> -> memref<1x2x64xi32, #tpu.memory_space<hbm>>
        %dma_wait3A_395 = tpu.memref_squeeze %dma_wait3A_394 : memref<1x2x64xi32, #tpu.memory_space<hbm>> -> memref<2x64xi32, #tpu.memory_space<hbm>>
        tpu.wait_dma2 semaphore(%arg21 : memref<!tpu.dma_semaphore, #tpu.memory_space<semaphore_mem>>) src(%dma_wait3A_395 : memref<2x64xi32, #tpu.memory_space<hbm>>) dst(%dma_wait3A_391 : memref<2x64xi32, #tpu.memory_space<vmem>>)
        %dma_start3A_396 = arith.constant 2 : i32
        %dma_start3A_397 = arith.constant 0 : i32
        %dma_start3A_398 = arith.constant 0 : i32
        %dma_start3A_399 = tpu.memref_slice %arg8[%dma_start3A_396, %dma_start3A_397, %dma_start3A_398] : memref<4x2x64xi32, #tpu.memory_space<vmem>> -> memref<1x1x64xi32, #tpu.memory_space<vmem>>
        %dma_start3A_400 = tpu.memref_squeeze %dma_start3A_399 : memref<1x1x64xi32, #tpu.memory_space<vmem>> -> memref<64xi32, #tpu.memory_space<vmem>>
        %dma_start3A_401 = arith.constant 0 : i32
        %dma_start3A_402 = arith.constant 0 : i32
        %dma_start3A_403 = tpu.memref_slice %arg2[%dma_start3A_401, %dma_start3A_402] : memref<10240x16xf32, #tpu.memory_space<hbm>> -> memref<10240x16xf32, #tpu.memory_space<hbm>>
        tpu.enqueue_indirect_dma source(%dma_start3A_403 : memref<10240x16xf32, #tpu.memory_space<hbm>>) target(%arg9 : memref<64x16xf32, #tpu.memory_space<vmem>>) offsets(%dma_start3A_400 : memref<64xi32, #tpu.memory_space<vmem>>) semaphore(%arg17 : memref<!tpu.dma_semaphore, #tpu.memory_space<semaphore_mem>>)
        %dma_start3A_404 = arith.constant 2 : i32
        %dma_start3A_405 = arith.constant 1 : i32
        %dma_start3A_406 = arith.constant 0 : i32
        %dma_start3A_407 = tpu.memref_slice %arg8[%dma_start3A_404, %dma_start3A_405, %dma_start3A_406] : memref<4x2x64xi32, #tpu.memory_space<vmem>> -> memref<1x1x64xi32, #tpu.memory_space<vmem>>
        %dma_start3A_408 = tpu.memref_squeeze %dma_start3A_407 : memref<1x1x64xi32, #tpu.memory_space<vmem>> -> memref<64xi32, #tpu.memory_space<vmem>>
        %dma_start3A_409 = arith.constant 0 : i32
        %dma_start3A_410 = arith.constant 0 : i32
        %dma_start3A_411 = tpu.memref_slice %arg3[%dma_start3A_409, %dma_start3A_410] : memref<10240x16xf32, #tpu.memory_space<hbm>> -> memref<10240x16xf32, #tpu.memory_space<hbm>>
        tpu.enqueue_indirect_dma source(%dma_start3A_411 : memref<10240x16xf32, #tpu.memory_space<hbm>>) target(%arg11 : memref<64x16xf32, #tpu.memory_space<vmem>>) offsets(%dma_start3A_408 : memref<64xi32, #tpu.memory_space<vmem>>) semaphore(%arg17 : memref<!tpu.dma_semaphore, #tpu.memory_space<semaphore_mem>>)
        %dma_start3A_412 = arith.constant 2 : i32
        %dma_start3A_413 = arith.constant 1 : i32
        %dma_start3A_414 = arith.constant 0 : i32
        %dma_start3A_415 = tpu.memref_slice %arg8[%dma_start3A_412, %dma_start3A_413, %dma_start3A_414] : memref<4x2x64xi32, #tpu.memory_space<vmem>> -> memref<1x1x64xi32, #tpu.memory_space<vmem>>
        %dma_start3A_416 = tpu.memref_squeeze %dma_start3A_415 : memref<1x1x64xi32, #tpu.memory_space<vmem>> -> memref<64xi32, #tpu.memory_space<vmem>>
        %dma_start3A_417 = arith.constant 0 : i32
        %dma_start3A_418 = arith.constant 0 : i32
        %dma_start3A_419 = tpu.memref_slice %arg4[%dma_start3A_417, %dma_start3A_418] : memref<10240x128xf32, #tpu.memory_space<hbm>> -> memref<10240x128xf32, #tpu.memory_space<hbm>>
        tpu.enqueue_indirect_dma source(%dma_start3A_419 : memref<10240x128xf32, #tpu.memory_space<hbm>>) target(%arg13 : memref<64x128xf32, #tpu.memory_space<vmem>>) offsets(%dma_start3A_416 : memref<64xi32, #tpu.memory_space<vmem>>) semaphore(%arg17 : memref<!tpu.dma_semaphore, #tpu.memory_space<semaphore_mem>>)
      } else {
      }
      %add3A_249 = arith.constant 1 : i32
      %add3A_250 = arith.addi %add3A_211, %add3A_249 : i32
      %dma_wait3A_251 = arith.constant 0 : i32
      %dma_wait3A_252 = arith.constant 0 : i32
      %dma_wait3A_253 = tpu.memref_slice %arg2[%dma_wait3A_251, %dma_wait3A_252] : memref<10240x16xf32, #tpu.memory_space<hbm>> -> memref<64x16xf32, #tpu.memory_space<hbm>>
      %dma_wait3A_254 = arith.constant 0 : i32
      %dma_wait3A_255 = arith.constant 0 : i32
      %dma_wait3A_256 = tpu.memref_slice %arg2[%dma_wait3A_254, %dma_wait3A_255] : memref<10240x16xf32, #tpu.memory_space<hbm>> -> memref<64x16xf32, #tpu.memory_space<hbm>>
      tpu.wait_dma2 semaphore(%arg18 : memref<!tpu.dma_semaphore, #tpu.memory_space<semaphore_mem>>) src(%dma_wait3A_256 : memref<64x16xf32, #tpu.memory_space<hbm>>) dst(%arg10 : memref<64x16xf32, #tpu.memory_space<vmem>>)
      %dma_wait3A_257 = arith.constant 0 : i32
      %dma_wait3A_258 = arith.constant 0 : i32
      %dma_wait3A_259 = tpu.memref_slice %arg3[%dma_wait3A_257, %dma_wait3A_258] : memref<10240x16xf32, #tpu.memory_space<hbm>> -> memref<64x16xf32, #tpu.memory_space<hbm>>
      %dma_wait3A_260 = arith.constant 0 : i32
      %dma_wait3A_261 = arith.constant 0 : i32
      %dma_wait3A_262 = tpu.memref_slice %arg3[%dma_wait3A_260, %dma_wait3A_261] : memref<10240x16xf32, #tpu.memory_space<hbm>> -> memref<64x16xf32, #tpu.memory_space<hbm>>
      tpu.wait_dma2 semaphore(%arg18 : memref<!tpu.dma_semaphore, #tpu.memory_space<semaphore_mem>>) src(%dma_wait3A_262 : memref<64x16xf32, #tpu.memory_space<hbm>>) dst(%arg12 : memref<64x16xf32, #tpu.memory_space<vmem>>)
      %dma_wait3A_263 = arith.constant 0 : i32
      %dma_wait3A_264 = arith.constant 0 : i32
      %dma_wait3A_265 = tpu.memref_slice %arg4[%dma_wait3A_263, %dma_wait3A_264] : memref<10240x128xf32, #tpu.memory_space<hbm>> -> memref<64x128xf32, #tpu.memory_space<hbm>>
      %dma_wait3A_266 = arith.constant 0 : i32
      %dma_wait3A_267 = arith.constant 0 : i32
      %dma_wait3A_268 = tpu.memref_slice %arg4[%dma_wait3A_266, %dma_wait3A_267] : memref<10240x128xf32, #tpu.memory_space<hbm>> -> memref<64x128xf32, #tpu.memory_space<hbm>>
      tpu.wait_dma2 semaphore(%arg18 : memref<!tpu.dma_semaphore, #tpu.memory_space<semaphore_mem>>) src(%dma_wait3A_268 : memref<64x128xf32, #tpu.memory_space<hbm>>) dst(%arg14 : memref<64x128xf32, #tpu.memory_space<vmem>>)
      %scan3A_269 = arith.constant 0 : i32
      %scan3A_270 = arith.constant 64 : i32
      %scan3A_271 = arith.addi %scan3A_269, %scan3A_270 : i32
      %scan3A_272 = arith.constant 1 : i32
      scf.for %scan3A_378 = %scan3A_269 to %scan3A_271 step %scan3A_272  : i32 {
        %mul3A_379 = arith.constant 1 : i32
        %mul3A_380 = arith.muli %scan3A_378, %mul3A_379 : i32
        %add3A_381 = arith.constant 0 : i32
        %add3A_382 = arith.addi %add3A_381, %mul3A_380 : i32
        %get3A = arith.index_cast %add3A_382 : i32 to index
        %get3A_383 = arith.constant 0 : index
        %get3A_384 = tpu.vector_load %arg10[%get3A, %get3A_383] {strides = array<i32>} : memref<64x16xf32, #tpu.memory_space<vmem>>, vector<1x16xf32>,
        %get3A_385 = vector.shape_cast %get3A_384 : vector<1x16xf32> to vector<16xf32>
        %get3A_386 = arith.index_cast %add3A_382 : i32 to index
        %get3A_387 = arith.constant 0 : index
        %get3A_388 = tpu.vector_load %arg12[%get3A_386, %get3A_387] {strides = array<i32>} : memref<64x16xf32, #tpu.memory_space<vmem>>, vector<1x16xf32>,
        %get3A_389 = vector.shape_cast %get3A_388 : vector<1x16xf32> to vector<16xf32>
        %add3A_390 = arith.addf %get3A_385, %get3A_389 : vector<16xf32>
        %ge3A = arith.constant 0.000000e+00 : f32
        %ge3A_391 = vector.broadcast %ge3A : f32 to vector<16xf32>
        %ge3A_392 = arith.cmpf oge, %add3A_390, %ge3A_391 : vector<16xf32>
        %mul3A_393 = arith.constant 2.000000e-01 : f32
        %mul3A_394 = vector.broadcast %mul3A_393 : f32 to vector<16xf32>
        %mul3A_395 = arith.mulf %mul3A_394, %add3A_390 : vector<16xf32>
        %select_n3A = arith.select %ge3A_392, %add3A_390, %mul3A_395 : vector<16xi1>, vector<16xf32>
        %exp3A = math.exp %select_n3A : vector<16xf32>
        %swap3A = arith.index_cast %add3A_382 : i32 to index
        %swap3A_396 = arith.constant 0 : index
        %swap3A_397 = tpu.vector_load %arg10[%swap3A, %swap3A_396] {strides = array<i32>} : memref<64x16xf32, #tpu.memory_space<vmem>>, vector<1x16xf32>,
        %swap3A_398 = vector.shape_cast %swap3A_397 : vector<1x16xf32> to vector<16xf32>
        %swap3A_399 = vector.shape_cast %exp3A : vector<16xf32> to vector<1x16xf32>
        tpu.vector_store %arg10[%swap3A, %swap3A_396], %swap3A_399 {strides = array<i32>} : memref<64x16xf32, #tpu.memory_space<vmem>>, vector<1x16xf32>,
        %get3A_400 = arith.index_cast %add3A_382 : i32 to index
        %get3A_401 = arith.constant 0 : index
        %get3A_402 = tpu.vector_load %arg14[%get3A_400, %get3A_401] {strides = array<i32>} : memref<64x128xf32, #tpu.memory_space<vmem>>, vector<1x16xf32>,
        %get3A_403 = vector.shape_cast %get3A_402 : vector<1x16xf32> to vector<16xf32>
        %slice3A = vector.extract_strided_slice %exp3A {offsets = [0], sizes = [1], strides = [1]} : vector<16xf32> to vector<1xf32>
        %squeeze3A = vector.extract %slice3A[0] : f32 from vector<1xf32>
        %mul3A_404 = vector.broadcast %squeeze3A : f32 to vector<16xf32>
        %mul3A_405 = arith.mulf %get3A_403, %mul3A_404 : vector<16xf32>
        %swap3A_406 = arith.index_cast %add3A_382 : i32 to index
        %swap3A_407 = arith.constant 0 : index
        %swap3A_408 = tpu.vector_load %arg14[%swap3A_406, %swap3A_407] {strides = array<i32>} : memref<64x128xf32, #tpu.memory_space<vmem>>, vector<1x16xf32>,
        %swap3A_409 = vector.shape_cast %swap3A_408 : vector<1x16xf32> to vector<16xf32>
        %swap3A_410 = vector.shape_cast %mul3A_405 : vector<16xf32> to vector<1x16xf32>
        tpu.vector_store %arg14[%swap3A_406, %swap3A_407], %swap3A_410 {strides = array<i32>} : memref<64x128xf32, #tpu.memory_space<vmem>>, vector<1x16xf32>,
        %get3A_411 = arith.index_cast %add3A_382 : i32 to index
        %get3A_412 = arith.constant 16 : index
        %get3A_413 = tpu.vector_load %arg14[%get3A_411, %get3A_412] {strides = array<i32>} : memref<64x128xf32, #tpu.memory_space<vmem>>, vector<1x16xf32>,
        %get3A_414 = vector.shape_cast %get3A_413 : vector<1x16xf32> to vector<16xf32>
        %slice3A_415 = vector.extract_strided_slice %exp3A {offsets = [1], sizes = [1], strides = [1]} : vector<16xf32> to vector<1xf32>
        %squeeze3A_416 = vector.extract %slice3A_415[0] : f32 from vector<1xf32>
        %mul3A_417 = vector.broadcast %squeeze3A_416 : f32 to vector<16xf32>
        %mul3A_418 = arith.mulf %get3A_414, %mul3A_417 : vector<16xf32>
        %swap3A_419 = arith.index_cast %add3A_382 : i32 to index
        %swap3A_420 = arith.constant 16 : index
        %swap3A_421 = tpu.vector_load %arg14[%swap3A_419, %swap3A_420] {strides = array<i32>} : memref<64x128xf32, #tpu.memory_space<vmem>>, vector<1x16xf32>,
        %swap3A_422 = vector.shape_cast %swap3A_421 : vector<1x16xf32> to vector<16xf32>
        %swap3A_423 = vector.shape_cast %mul3A_418 : vector<16xf32> to vector<1x16xf32>
        tpu.vector_store %arg14[%swap3A_419, %swap3A_420], %swap3A_423 {strides = array<i32>} : memref<64x128xf32, #tpu.memory_space<vmem>>, vector<1x16xf32>,
        %get3A_424 = arith.index_cast %add3A_382 : i32 to index
        %get3A_425 = arith.constant 32 : index
        %get3A_426 = tpu.vector_load %arg14[%get3A_424, %get3A_425] {strides = array<i32>} : memref<64x128xf32, #tpu.memory_space<vmem>>, vector<1x16xf32>,
        %get3A_427 = vector.shape_cast %get3A_426 : vector<1x16xf32> to vector<16xf32>
        %slice3A_428 = vector.extract_strided_slice %exp3A {offsets = [2], sizes = [1], strides = [1]} : vector<16xf32> to vector<1xf32>
        %squeeze3A_429 = vector.extract %slice3A_428[0] : f32 from vector<1xf32>
        %mul3A_430 = vector.broadcast %squeeze3A_429 : f32 to vector<16xf32>
        %mul3A_431 = arith.mulf %get3A_427, %mul3A_430 : vector<16xf32>
        %swap3A_432 = arith.index_cast %add3A_382 : i32 to index
        %swap3A_433 = arith.constant 32 : index
        %swap3A_434 = tpu.vector_load %arg14[%swap3A_432, %swap3A_433] {strides = array<i32>} : memref<64x128xf32, #tpu.memory_space<vmem>>, vector<1x16xf32>,
        %swap3A_435 = vector.shape_cast %swap3A_434 : vector<1x16xf32> to vector<16xf32>
        %swap3A_436 = vector.shape_cast %mul3A_431 : vector<16xf32> to vector<1x16xf32>
        tpu.vector_store %arg14[%swap3A_432, %swap3A_433], %swap3A_436 {strides = array<i32>} : memref<64x128xf32, #tpu.memory_space<vmem>>, vector<1x16xf32>,
        %get3A_437 = arith.index_cast %add3A_382 : i32 to index
        %get3A_438 = arith.constant 48 : index
        %get3A_439 = tpu.vector_load %arg14[%get3A_437, %get3A_438] {strides = array<i32>} : memref<64x128xf32, #tpu.memory_space<vmem>>, vector<1x16xf32>,
        %get3A_440 = vector.shape_cast %get3A_439 : vector<1x16xf32> to vector<16xf32>
        %slice3A_441 = vector.extract_strided_slice %exp3A {offsets = [3], sizes = [1], strides = [1]} : vector<16xf32> to vector<1xf32>
        %squeeze3A_442 = vector.extract %slice3A_441[0] : f32 from vector<1xf32>
        %mul3A_443 = vector.broadcast %squeeze3A_442 : f32 to vector<16xf32>
        %mul3A_444 = arith.mulf %get3A_440, %mul3A_443 : vector<16xf32>
        %swap3A_445 = arith.index_cast %add3A_382 : i32 to index
        %swap3A_446 = arith.constant 48 : index
        %swap3A_447 = tpu.vector_load %arg14[%swap3A_445, %swap3A_446] {strides = array<i32>} : memref<64x128xf32, #tpu.memory_space<vmem>>, vector<1x16xf32>,
        %swap3A_448 = vector.shape_cast %swap3A_447 : vector<1x16xf32> to vector<16xf32>
        %swap3A_449 = vector.shape_cast %mul3A_444 : vector<16xf32> to vector<1x16xf32>
        tpu.vector_store %arg14[%swap3A_445, %swap3A_446], %swap3A_449 {strides = array<i32>} : memref<64x128xf32, #tpu.memory_space<vmem>>, vector<1x16xf32>,
        %get3A_450 = arith.index_cast %add3A_382 : i32 to index
        %get3A_451 = arith.constant 64 : index
        %get3A_452 = tpu.vector_load %arg14[%get3A_450, %get3A_451] {strides = array<i32>} : memref<64x128xf32, #tpu.memory_space<vmem>>, vector<1x16xf32>,
        %get3A_453 = vector.shape_cast %get3A_452 : vector<1x16xf32> to vector<16xf32>
        %slice3A_454 = vector.extract_strided_slice %exp3A {offsets = [4], sizes = [1], strides = [1]} : vector<16xf32> to vector<1xf32>
        %squeeze3A_455 = vector.extract %slice3A_454[0] : f32 from vector<1xf32>
        %mul3A_456 = vector.broadcast %squeeze3A_455 : f32 to vector<16xf32>
        %mul3A_457 = arith.mulf %get3A_453, %mul3A_456 : vector<16xf32>
        %swap3A_458 = arith.index_cast %add3A_382 : i32 to index
        %swap3A_459 = arith.constant 64 : index
        %swap3A_460 = tpu.vector_load %arg14[%swap3A_458, %swap3A_459] {strides = array<i32>} : memref<64x128xf32, #tpu.memory_space<vmem>>, vector<1x16xf32>,
        %swap3A_461 = vector.shape_cast %swap3A_460 : vector<1x16xf32> to vector<16xf32>
        %swap3A_462 = vector.shape_cast %mul3A_457 : vector<16xf32> to vector<1x16xf32>
        tpu.vector_store %arg14[%swap3A_458, %swap3A_459], %swap3A_462 {strides = array<i32>} : memref<64x128xf32, #tpu.memory_space<vmem>>, vector<1x16xf32>,
        %get3A_463 = arith.index_cast %add3A_382 : i32 to index
        %get3A_464 = arith.constant 80 : index
        %get3A_465 = tpu.vector_load %arg14[%get3A_463, %get3A_464] {strides = array<i32>} : memref<64x128xf32, #tpu.memory_space<vmem>>, vector<1x16xf32>,
        %get3A_466 = vector.shape_cast %get3A_465 : vector<1x16xf32> to vector<16xf32>
        %slice3A_467 = vector.extract_strided_slice %exp3A {offsets = [5], sizes = [1], strides = [1]} : vector<16xf32> to vector<1xf32>
        %squeeze3A_468 = vector.extract %slice3A_467[0] : f32 from vector<1xf32>
        %mul3A_469 = vector.broadcast %squeeze3A_468 : f32 to vector<16xf32>
        %mul3A_470 = arith.mulf %get3A_466, %mul3A_469 : vector<16xf32>
        %swap3A_471 = arith.index_cast %add3A_382 : i32 to index
        %swap3A_472 = arith.constant 80 : index
        %swap3A_473 = tpu.vector_load %arg14[%swap3A_471, %swap3A_472] {strides = array<i32>} : memref<64x128xf32, #tpu.memory_space<vmem>>, vector<1x16xf32>,
        %swap3A_474 = vector.shape_cast %swap3A_473 : vector<1x16xf32> to vector<16xf32>
        %swap3A_475 = vector.shape_cast %mul3A_470 : vector<16xf32> to vector<1x16xf32>
        tpu.vector_store %arg14[%swap3A_471, %swap3A_472], %swap3A_475 {strides = array<i32>} : memref<64x128xf32, #tpu.memory_space<vmem>>, vector<1x16xf32>,
        %get3A_476 = arith.index_cast %add3A_382 : i32 to index
        %get3A_477 = arith.constant 96 : index
        %get3A_478 = tpu.vector_load %arg14[%get3A_476, %get3A_477] {strides = array<i32>} : memref<64x128xf32, #tpu.memory_space<vmem>>, vector<1x16xf32>,
        %get3A_479 = vector.shape_cast %get3A_478 : vector<1x16xf32> to vector<16xf32>
        %slice3A_480 = vector.extract_strided_slice %exp3A {offsets = [6], sizes = [1], strides = [1]} : vector<16xf32> to vector<1xf32>
        %squeeze3A_481 = vector.extract %slice3A_480[0] : f32 from vector<1xf32>
        %mul3A_482 = vector.broadcast %squeeze3A_481 : f32 to vector<16xf32>
        %mul3A_483 = arith.mulf %get3A_479, %mul3A_482 : vector<16xf32>
        %swap3A_484 = arith.index_cast %add3A_382 : i32 to index
        %swap3A_485 = arith.constant 96 : index
        %swap3A_486 = tpu.vector_load %arg14[%swap3A_484, %swap3A_485] {strides = array<i32>} : memref<64x128xf32, #tpu.memory_space<vmem>>, vector<1x16xf32>,
        %swap3A_487 = vector.shape_cast %swap3A_486 : vector<1x16xf32> to vector<16xf32>
        %swap3A_488 = vector.shape_cast %mul3A_483 : vector<16xf32> to vector<1x16xf32>
        tpu.vector_store %arg14[%swap3A_484, %swap3A_485], %swap3A_488 {strides = array<i32>} : memref<64x128xf32, #tpu.memory_space<vmem>>, vector<1x16xf32>,
        %get3A_489 = arith.index_cast %add3A_382 : i32 to index
        %get3A_490 = arith.constant 112 : index
        %get3A_491 = tpu.vector_load %arg14[%get3A_489, %get3A_490] {strides = array<i32>} : memref<64x128xf32, #tpu.memory_space<vmem>>, vector<1x16xf32>,
        %get3A_492 = vector.shape_cast %get3A_491 : vector<1x16xf32> to vector<16xf32>
        %slice3A_493 = vector.extract_strided_slice %exp3A {offsets = [7], sizes = [1], strides = [1]} : vector<16xf32> to vector<1xf32>
        %squeeze3A_494 = vector.extract %slice3A_493[0] : f32 from vector<1xf32>
        %mul3A_495 = vector.broadcast %squeeze3A_494 : f32 to vector<16xf32>
        %mul3A_496 = arith.mulf %get3A_492, %mul3A_495 : vector<16xf32>
        %swap3A_497 = arith.index_cast %add3A_382 : i32 to index
        %swap3A_498 = arith.constant 112 : index
        %swap3A_499 = tpu.vector_load %arg14[%swap3A_497, %swap3A_498] {strides = array<i32>} : memref<64x128xf32, #tpu.memory_space<vmem>>, vector<1x16xf32>,
        %swap3A_500 = vector.shape_cast %swap3A_499 : vector<1x16xf32> to vector<16xf32>
        %swap3A_501 = vector.shape_cast %mul3A_496 : vector<16xf32> to vector<1x16xf32>
        tpu.vector_store %arg14[%swap3A_497, %swap3A_498], %swap3A_501 {strides = array<i32>} : memref<64x128xf32, #tpu.memory_space<vmem>>, vector<1x16xf32>,
      }
      %scan3A_273 = arith.constant 64 : i32
      %run_scoped3A_274 = arith.constant 1 : i32
      %run_scoped3A_275 = arith.constant 0 : i32
      "tpu.region"() ({
        %run_scoped3A_378 = tpu.sem_alloc : memref<!tpu.dma_semaphore, #tpu.memory_space<semaphore_mem>>
        %dma_start3A_379 = arith.constant 0 : i32
        %dma_start3A_380 = tpu.memref_slice %arg8[%run_scoped3A_274, %run_scoped3A_275, %dma_start3A_379] : memref<4x2x64xi32, #tpu.memory_space<vmem>> -> memref<1x1x64xi32, #tpu.memory_space<vmem>>
        %dma_start3A_381 = tpu.memref_squeeze %dma_start3A_380 : memref<1x1x64xi32, #tpu.memory_space<vmem>> -> memref<64xi32, #tpu.memory_space<vmem>>
        %dma_start3A_382 = arith.constant 0 : i32
        %dma_start3A_383 = arith.constant 0 : i32
        %dma_start3A_384 = tpu.memref_slice %arg15[%dma_start3A_382, %dma_start3A_383] : memref<10240x16xf32, #tpu.memory_space<vmem_shared>> -> memref<10240x16xf32, #tpu.memory_space<vmem_shared>>
        tpu.enqueue_indirect_dma source(%arg10 : memref<64x16xf32, #tpu.memory_space<vmem>>) target(%dma_start3A_384 : memref<10240x16xf32, #tpu.memory_space<vmem_shared>>) offsets(%dma_start3A_381 : memref<64xi32, #tpu.memory_space<vmem>>) semaphore(%run_scoped3A_378 : memref<!tpu.dma_semaphore, #tpu.memory_space<semaphore_mem>>) {add = true}
        %dma_wait3A_385 = arith.constant 0 : i32
        %dma_wait3A_386 = tpu.memref_slice %arg8[%run_scoped3A_274, %run_scoped3A_275, %dma_wait3A_385] : memref<4x2x64xi32, #tpu.memory_space<vmem>> -> memref<1x1x64xi32, #tpu.memory_space<vmem>>
        %dma_wait3A_387 = tpu.memref_squeeze %dma_wait3A_386 : memref<1x1x64xi32, #tpu.memory_space<vmem>> -> memref<64xi32, #tpu.memory_space<vmem>>
        %dma_wait3A_388 = arith.constant 0 : i32
        %dma_wait3A_389 = arith.constant 0 : i32
        %dma_wait3A_390 = tpu.memref_slice %arg15[%dma_wait3A_388, %dma_wait3A_389] : memref<10240x16xf32, #tpu.memory_space<vmem_shared>> -> memref<10240x16xf32, #tpu.memory_space<vmem_shared>>
        tpu.wait_indirect_dma semaphore(%run_scoped3A_378 : memref<!tpu.dma_semaphore, #tpu.memory_space<semaphore_mem>>) src(%arg10 : memref<64x16xf32, #tpu.memory_space<vmem>>) dst(%dma_wait3A_390 : memref<10240x16xf32, #tpu.memory_space<vmem_shared>>)
        tpu.yield
      }) : () -> ()
      %run_scoped3A_276 = arith.constant 1 : i32
      %run_scoped3A_277 = arith.constant 0 : i32
      "tpu.region"() ({
        %run_scoped3A_378 = tpu.sem_alloc : memref<!tpu.dma_semaphore, #tpu.memory_space<semaphore_mem>>
        %dma_start3A_379 = arith.constant 0 : i32
        %dma_start3A_380 = tpu.memref_slice %arg8[%run_scoped3A_276, %run_scoped3A_277, %dma_start3A_379] : memref<4x2x64xi32, #tpu.memory_space<vmem>> -> memref<1x1x64xi32, #tpu.memory_space<vmem>>
        %dma_start3A_381 = tpu.memref_squeeze %dma_start3A_380 : memref<1x1x64xi32, #tpu.memory_space<vmem>> -> memref<64xi32, #tpu.memory_space<vmem>>
        %dma_start3A_382 = arith.constant 0 : i32
        %dma_start3A_383 = arith.constant 0 : i32
        %dma_start3A_384 = tpu.memref_slice %arg16[%dma_start3A_382, %dma_start3A_383] : memref<10240x128xf32, #tpu.memory_space<vmem_shared>> -> memref<10240x128xf32, #tpu.memory_space<vmem_shared>>
        tpu.enqueue_indirect_dma source(%arg14 : memref<64x128xf32, #tpu.memory_space<vmem>>) target(%dma_start3A_384 : memref<10240x128xf32, #tpu.memory_space<vmem_shared>>) offsets(%dma_start3A_381 : memref<64xi32, #tpu.memory_space<vmem>>) semaphore(%run_scoped3A_378 : memref<!tpu.dma_semaphore, #tpu.memory_space<semaphore_mem>>) {add = true}
        %dma_wait3A_385 = arith.constant 0 : i32
        %dma_wait3A_386 = tpu.memref_slice %arg8[%run_scoped3A_276, %run_scoped3A_277, %dma_wait3A_385] : memref<4x2x64xi32, #tpu.memory_space<vmem>> -> memref<1x1x64xi32, #tpu.memory_space<vmem>>
        %dma_wait3A_387 = tpu.memref_squeeze %dma_wait3A_386 : memref<1x1x64xi32, #tpu.memory_space<vmem>> -> memref<64xi32, #tpu.memory_space<vmem>>
        %dma_wait3A_388 = arith.constant 0 : i32
        %dma_wait3A_389 = arith.constant 0 : i32
        %dma_wait3A_390 = tpu.memref_slice %arg16[%dma_wait3A_388, %dma_wait3A_389] : memref<10240x128xf32, #tpu.memory_space<vmem_shared>> -> memref<10240x128xf32, #tpu.memory_space<vmem_shared>>
        tpu.wait_indirect_dma semaphore(%run_scoped3A_378 : memref<!tpu.dma_semaphore, #tpu.memory_space<semaphore_mem>>) src(%arg14 : memref<64x128xf32, #tpu.memory_space<vmem>>) dst(%dma_wait3A_390 : memref<10240x128xf32, #tpu.memory_space<vmem_shared>>)
        tpu.yield
      }) : () -> ()
      %add3A_278 = arith.constant 5 : i32
      %add3A_279 = arith.addi %add3A_211, %add3A_278 : i32
      %lt3A_280 = arith.constant 160 : i32
      %lt3A_281 = arith.cmpi slt, %add3A_279, %lt3A_280 : i32
      %convert_element_type3A_282 = arith.extui %lt3A_281 : i1 to i32
      %cond3A_283 = arith.constant 0 : i32
      %cond3A_284 = arith.cmpi ne, %convert_element_type3A_282, %cond3A_283 : i32
      scf.if %cond3A_284 {
        %mul3A_378 = arith.constant 160 : i32
        %mul3A_379 = arith.muli %add3A, %mul3A_378 : i32
        %add3A_380 = arith.addi %mul3A_379, %add3A_279 : i32
        %dma_start3A_381 = arith.constant 1 : i32
        %dma_start3A_382 = arith.constant 0 : i32
        %dma_start3A_383 = arith.constant 0 : i32
        %dma_start3A_384 = tpu.memref_slice %arg8[%dma_start3A_381, %dma_start3A_382, %dma_start3A_383] : memref<4x2x64xi32, #tpu.memory_space<vmem>> -> memref<1x2x64xi32, #tpu.memory_space<vmem>>
        %dma_start3A_385 = tpu.memref_squeeze %dma_start3A_384 : memref<1x2x64xi32, #tpu.memory_space<vmem>> -> memref<2x64xi32, #tpu.memory_space<vmem>>
        %dma_start3A_386 = arith.constant 0 : i32
        %dma_start3A_387 = arith.constant 0 : i32
        %dma_start3A_388 = tpu.memref_slice %arg5[%add3A_380, %dma_start3A_386, %dma_start3A_387] : memref<5120x2x64xi32, #tpu.memory_space<hbm>> -> memref<1x2x64xi32, #tpu.memory_space<hbm>>
        %dma_start3A_389 = tpu.memref_squeeze %dma_start3A_388 : memref<1x2x64xi32, #tpu.memory_space<hbm>> -> memref<2x64xi32, #tpu.memory_space<hbm>>
        %dma_start3A_390 = arith.constant 0 : i32
        %dma_start3A_391 = arith.constant 0 : i32
        %dma_start3A_392 = tpu.memref_slice %arg8[%dma_start3A_381, %dma_start3A_390, %dma_start3A_391] : memref<4x2x64xi32, #tpu.memory_space<vmem>> -> memref<1x2x64xi32, #tpu.memory_space<vmem>>
        %dma_start3A_393 = tpu.memref_squeeze %dma_start3A_392 : memref<1x2x64xi32, #tpu.memory_space<vmem>> -> memref<2x64xi32, #tpu.memory_space<vmem>>
        %dma_start3A_394 = arith.constant 0 : i32
        %dma_start3A_395 = arith.constant 0 : i32
        %dma_start3A_396 = tpu.memref_slice %arg5[%add3A_380, %dma_start3A_394, %dma_start3A_395] : memref<5120x2x64xi32, #tpu.memory_space<hbm>> -> memref<1x2x64xi32, #tpu.memory_space<hbm>>
        %dma_start3A_397 = tpu.memref_squeeze %dma_start3A_396 : memref<1x2x64xi32, #tpu.memory_space<hbm>> -> memref<2x64xi32, #tpu.memory_space<hbm>>
        tpu.enqueue_dma source(%dma_start3A_397 : memref<2x64xi32, #tpu.memory_space<hbm>>) target(%dma_start3A_393 : memref<2x64xi32, #tpu.memory_space<vmem>>) target_semaphore(%arg20 : memref<!tpu.dma_semaphore, #tpu.memory_space<semaphore_mem>>)
      } else {
      }
      %add3A_285 = arith.constant 3 : i32
      %add3A_286 = arith.addi %add3A_211, %add3A_285 : i32
      %lt3A_287 = arith.constant 160 : i32
      %lt3A_288 = arith.cmpi slt, %add3A_286, %lt3A_287 : i32
      %convert_element_type3A_289 = arith.extui %lt3A_288 : i1 to i32
      %cond3A_290 = arith.constant 0 : i32
      %cond3A_291 = arith.cmpi ne, %convert_element_type3A_289, %cond3A_290 : i32
      scf.if %cond3A_291 {
        %dma_wait3A_378 = arith.constant 0 : i32
        %dma_wait3A_379 = arith.constant 3 : i32
        %dma_wait3A_380 = arith.constant 0 : i32
        %dma_wait3A_381 = arith.constant 0 : i32
        %dma_wait3A_382 = tpu.memref_slice %arg8[%dma_wait3A_379, %dma_wait3A_380, %dma_wait3A_381] : memref<4x2x64xi32, #tpu.memory_space<vmem>> -> memref<1x2x64xi32, #tpu.memory_space<vmem>>
        %dma_wait3A_383 = tpu.memref_squeeze %dma_wait3A_382 : memref<1x2x64xi32, #tpu.memory_space<vmem>> -> memref<2x64xi32, #tpu.memory_space<vmem>>
        %dma_wait3A_384 = arith.constant 0 : i32
        %dma_wait3A_385 = arith.constant 0 : i32
        %dma_wait3A_386 = tpu.memref_slice %arg5[%dma_wait3A_378, %dma_wait3A_384, %dma_wait3A_385] : memref<5120x2x64xi32, #tpu.memory_space<hbm>> -> memref<1x2x64xi32, #tpu.memory_space<hbm>>
        %dma_wait3A_387 = tpu.memref_squeeze %dma_wait3A_386 : memref<1x2x64xi32, #tpu.memory_space<hbm>> -> memref<2x64xi32, #tpu.memory_space<hbm>>
        %dma_wait3A_388 = arith.constant 0 : i32
        %dma_wait3A_389 = arith.constant 0 : i32
        %dma_wait3A_390 = tpu.memref_slice %arg8[%dma_wait3A_379, %dma_wait3A_388, %dma_wait3A_389] : memref<4x2x64xi32, #tpu.memory_space<vmem>> -> memref<1x2x64xi32, #tpu.memory_space<vmem>>
        %dma_wait3A_391 = tpu.memref_squeeze %dma_wait3A_390 : memref<1x2x64xi32, #tpu.memory_space<vmem>> -> memref<2x64xi32, #tpu.memory_space<vmem>>
        %dma_wait3A_392 = arith.constant 0 : i32
        %dma_wait3A_393 = arith.constant 0 : i32
        %dma_wait3A_394 = tpu.memref_slice %arg5[%dma_wait3A_378, %dma_wait3A_392, %dma_wait3A_393] : memref<5120x2x64xi32, #tpu.memory_space<hbm>> -> memref<1x2x64xi32, #tpu.memory_space<hbm>>
        %dma_wait3A_395 = tpu.memref_squeeze %dma_wait3A_394 : memref<1x2x64xi32, #tpu.memory_space<hbm>> -> memref<2x64xi32, #tpu.memory_space<hbm>>
        tpu.wait_dma2 semaphore(%arg22 : memref<!tpu.dma_semaphore, #tpu.memory_space<semaphore_mem>>) src(%dma_wait3A_395 : memref<2x64xi32, #tpu.memory_space<hbm>>) dst(%dma_wait3A_391 : memref<2x64xi32, #tpu.memory_space<vmem>>)
        %dma_start3A_396 = arith.constant 3 : i32
        %dma_start3A_397 = arith.constant 0 : i32
        %dma_start3A_398 = arith.constant 0 : i32
        %dma_start3A_399 = tpu.memref_slice %arg8[%dma_start3A_396, %dma_start3A_397, %dma_start3A_398] : memref<4x2x64xi32, #tpu.memory_space<vmem>> -> memref<1x1x64xi32, #tpu.memory_space<vmem>>
        %dma_start3A_400 = tpu.memref_squeeze %dma_start3A_399 : memref<1x1x64xi32, #tpu.memory_space<vmem>> -> memref<64xi32, #tpu.memory_space<vmem>>
        %dma_start3A_401 = arith.constant 0 : i32
        %dma_start3A_402 = arith.constant 0 : i32
        %dma_start3A_403 = tpu.memref_slice %arg2[%dma_start3A_401, %dma_start3A_402] : memref<10240x16xf32, #tpu.memory_space<hbm>> -> memref<10240x16xf32, #tpu.memory_space<hbm>>
        tpu.enqueue_indirect_dma source(%dma_start3A_403 : memref<10240x16xf32, #tpu.memory_space<hbm>>) target(%arg10 : memref<64x16xf32, #tpu.memory_space<vmem>>) offsets(%dma_start3A_400 : memref<64xi32, #tpu.memory_space<vmem>>) semaphore(%arg18 : memref<!tpu.dma_semaphore, #tpu.memory_space<semaphore_mem>>)
        %dma_start3A_404 = arith.constant 3 : i32
        %dma_start3A_405 = arith.constant 1 : i32
        %dma_start3A_406 = arith.constant 0 : i32
        %dma_start3A_407 = tpu.memref_slice %arg8[%dma_start3A_404, %dma_start3A_405, %dma_start3A_406] : memref<4x2x64xi32, #tpu.memory_space<vmem>> -> memref<1x1x64xi32, #tpu.memory_space<vmem>>
        %dma_start3A_408 = tpu.memref_squeeze %dma_start3A_407 : memref<1x1x64xi32, #tpu.memory_space<vmem>> -> memref<64xi32, #tpu.memory_space<vmem>>
        %dma_start3A_409 = arith.constant 0 : i32
        %dma_start3A_410 = arith.constant 0 : i32
        %dma_start3A_411 = tpu.memref_slice %arg3[%dma_start3A_409, %dma_start3A_410] : memref<10240x16xf32, #tpu.memory_space<hbm>> -> memref<10240x16xf32, #tpu.memory_space<hbm>>
        tpu.enqueue_indirect_dma source(%dma_start3A_411 : memref<10240x16xf32, #tpu.memory_space<hbm>>) target(%arg12 : memref<64x16xf32, #tpu.memory_space<vmem>>) offsets(%dma_start3A_408 : memref<64xi32, #tpu.memory_space<vmem>>) semaphore(%arg18 : memref<!tpu.dma_semaphore, #tpu.memory_space<semaphore_mem>>)
        %dma_start3A_412 = arith.constant 3 : i32
        %dma_start3A_413 = arith.constant 1 : i32
        %dma_start3A_414 = arith.constant 0 : i32
        %dma_start3A_415 = tpu.memref_slice %arg8[%dma_start3A_412, %dma_start3A_413, %dma_start3A_414] : memref<4x2x64xi32, #tpu.memory_space<vmem>> -> memref<1x1x64xi32, #tpu.memory_space<vmem>>
        %dma_start3A_416 = tpu.memref_squeeze %dma_start3A_415 : memref<1x1x64xi32, #tpu.memory_space<vmem>> -> memref<64xi32, #tpu.memory_space<vmem>>
        %dma_start3A_417 = arith.constant 0 : i32
        %dma_start3A_418 = arith.constant 0 : i32
        %dma_start3A_419 = tpu.memref_slice %arg4[%dma_start3A_417, %dma_start3A_418] : memref<10240x128xf32, #tpu.memory_space<hbm>> -> memref<10240x128xf32, #tpu.memory_space<hbm>>
        tpu.enqueue_indirect_dma source(%dma_start3A_419 : memref<10240x128xf32, #tpu.memory_space<hbm>>) target(%arg14 : memref<64x128xf32, #tpu.memory_space<vmem>>) offsets(%dma_start3A_416 : memref<64xi32, #tpu.memory_space<vmem>>) semaphore(%arg18 : memref<!tpu.dma_semaphore, #tpu.memory_space<semaphore_mem>>)
      } else {
      }
      %add3A_292 = arith.constant 2 : i32
      %add3A_293 = arith.addi %add3A_211, %add3A_292 : i32
      %dma_wait3A_294 = arith.constant 0 : i32
      %dma_wait3A_295 = arith.constant 0 : i32
      %dma_wait3A_296 = tpu.memref_slice %arg2[%dma_wait3A_294, %dma_wait3A_295] : memref<10240x16xf32, #tpu.memory_space<hbm>> -> memref<64x16xf32, #tpu.memory_space<hbm>>
      %dma_wait3A_297 = arith.constant 0 : i32
      %dma_wait3A_298 = arith.constant 0 : i32
      %dma_wait3A_299 = tpu.memref_slice %arg2[%dma_wait3A_297, %dma_wait3A_298] : memref<10240x16xf32, #tpu.memory_space<hbm>> -> memref<64x16xf32, #tpu.memory_space<hbm>>
      tpu.wait_dma2 semaphore(%arg17 : memref<!tpu.dma_semaphore, #tpu.memory_space<semaphore_mem>>) src(%dma_wait3A_299 : memref<64x16xf32, #tpu.memory_space<hbm>>) dst(%arg9 : memref<64x16xf32, #tpu.memory_space<vmem>>)
      %dma_wait3A_300 = arith.constant 0 : i32
      %dma_wait3A_301 = arith.constant 0 : i32
      %dma_wait3A_302 = tpu.memref_slice %arg3[%dma_wait3A_300, %dma_wait3A_301] : memref<10240x16xf32, #tpu.memory_space<hbm>> -> memref<64x16xf32, #tpu.memory_space<hbm>>
      %dma_wait3A_303 = arith.constant 0 : i32
      %dma_wait3A_304 = arith.constant 0 : i32
      %dma_wait3A_305 = tpu.memref_slice %arg3[%dma_wait3A_303, %dma_wait3A_304] : memref<10240x16xf32, #tpu.memory_space<hbm>> -> memref<64x16xf32, #tpu.memory_space<hbm>>
      tpu.wait_dma2 semaphore(%arg17 : memref<!tpu.dma_semaphore, #tpu.memory_space<semaphore_mem>>) src(%dma_wait3A_305 : memref<64x16xf32, #tpu.memory_space<hbm>>) dst(%arg11 : memref<64x16xf32, #tpu.memory_space<vmem>>)
      %dma_wait3A_306 = arith.constant 0 : i32
      %dma_wait3A_307 = arith.constant 0 : i32
      %dma_wait3A_308 = tpu.memref_slice %arg4[%dma_wait3A_306, %dma_wait3A_307] : memref<10240x128xf32, #tpu.memory_space<hbm>> -> memref<64x128xf32, #tpu.memory_space<hbm>>
      %dma_wait3A_309 = arith.constant 0 : i32
      %dma_wait3A_310 = arith.constant 0 : i32
      %dma_wait3A_311 = tpu.memref_slice %arg4[%dma_wait3A_309, %dma_wait3A_310] : memref<10240x128xf32, #tpu.memory_space<hbm>> -> memref<64x128xf32, #tpu.memory_space<hbm>>
      tpu.wait_dma2 semaphore(%arg17 : memref<!tpu.dma_semaphore, #tpu.memory_space<semaphore_mem>>) src(%dma_wait3A_311 : memref<64x128xf32, #tpu.memory_space<hbm>>) dst(%arg13 : memref<64x128xf32, #tpu.memory_space<vmem>>)
      %scan3A_312 = arith.constant 0 : i32
      %scan3A_313 = arith.constant 64 : i32
      %scan3A_314 = arith.addi %scan3A_312, %scan3A_313 : i32
      %scan3A_315 = arith.constant 1 : i32
      scf.for %scan3A_378 = %scan3A_312 to %scan3A_314 step %scan3A_315  : i32 {
        %mul3A_379 = arith.constant 1 : i32
        %mul3A_380 = arith.muli %scan3A_378, %mul3A_379 : i32
        %add3A_381 = arith.constant 0 : i32
        %add3A_382 = arith.addi %add3A_381, %mul3A_380 : i32
        %get3A = arith.index_cast %add3A_382 : i32 to index
        %get3A_383 = arith.constant 0 : index
        %get3A_384 = tpu.vector_load %arg9[%get3A, %get3A_383] {strides = array<i32>} : memref<64x16xf32, #tpu.memory_space<vmem>>, vector<1x16xf32>,
        %get3A_385 = vector.shape_cast %get3A_384 : vector<1x16xf32> to vector<16xf32>
        %get3A_386 = arith.index_cast %add3A_382 : i32 to index
        %get3A_387 = arith.constant 0 : index
        %get3A_388 = tpu.vector_load %arg11[%get3A_386, %get3A_387] {strides = array<i32>} : memref<64x16xf32, #tpu.memory_space<vmem>>, vector<1x16xf32>,
        %get3A_389 = vector.shape_cast %get3A_388 : vector<1x16xf32> to vector<16xf32>
        %add3A_390 = arith.addf %get3A_385, %get3A_389 : vector<16xf32>
        %ge3A = arith.constant 0.000000e+00 : f32
        %ge3A_391 = vector.broadcast %ge3A : f32 to vector<16xf32>
        %ge3A_392 = arith.cmpf oge, %add3A_390, %ge3A_391 : vector<16xf32>
        %mul3A_393 = arith.constant 2.000000e-01 : f32
        %mul3A_394 = vector.broadcast %mul3A_393 : f32 to vector<16xf32>
        %mul3A_395 = arith.mulf %mul3A_394, %add3A_390 : vector<16xf32>
        %select_n3A = arith.select %ge3A_392, %add3A_390, %mul3A_395 : vector<16xi1>, vector<16xf32>
        %exp3A = math.exp %select_n3A : vector<16xf32>
        %swap3A = arith.index_cast %add3A_382 : i32 to index
        %swap3A_396 = arith.constant 0 : index
        %swap3A_397 = tpu.vector_load %arg9[%swap3A, %swap3A_396] {strides = array<i32>} : memref<64x16xf32, #tpu.memory_space<vmem>>, vector<1x16xf32>,
        %swap3A_398 = vector.shape_cast %swap3A_397 : vector<1x16xf32> to vector<16xf32>
        %swap3A_399 = vector.shape_cast %exp3A : vector<16xf32> to vector<1x16xf32>
        tpu.vector_store %arg9[%swap3A, %swap3A_396], %swap3A_399 {strides = array<i32>} : memref<64x16xf32, #tpu.memory_space<vmem>>, vector<1x16xf32>,
        %get3A_400 = arith.index_cast %add3A_382 : i32 to index
        %get3A_401 = arith.constant 0 : index
        %get3A_402 = tpu.vector_load %arg13[%get3A_400, %get3A_401] {strides = array<i32>} : memref<64x128xf32, #tpu.memory_space<vmem>>, vector<1x16xf32>,
        %get3A_403 = vector.shape_cast %get3A_402 : vector<1x16xf32> to vector<16xf32>
        %slice3A = vector.extract_strided_slice %exp3A {offsets = [0], sizes = [1], strides = [1]} : vector<16xf32> to vector<1xf32>
        %squeeze3A = vector.extract %slice3A[0] : f32 from vector<1xf32>
        %mul3A_404 = vector.broadcast %squeeze3A : f32 to vector<16xf32>
        %mul3A_405 = arith.mulf %get3A_403, %mul3A_404 : vector<16xf32>
        %swap3A_406 = arith.index_cast %add3A_382 : i32 to index
        %swap3A_407 = arith.constant 0 : index
        %swap3A_408 = tpu.vector_load %arg13[%swap3A_406, %swap3A_407] {strides = array<i32>} : memref<64x128xf32, #tpu.memory_space<vmem>>, vector<1x16xf32>,
        %swap3A_409 = vector.shape_cast %swap3A_408 : vector<1x16xf32> to vector<16xf32>
        %swap3A_410 = vector.shape_cast %mul3A_405 : vector<16xf32> to vector<1x16xf32>
        tpu.vector_store %arg13[%swap3A_406, %swap3A_407], %swap3A_410 {strides = array<i32>} : memref<64x128xf32, #tpu.memory_space<vmem>>, vector<1x16xf32>,
        %get3A_411 = arith.index_cast %add3A_382 : i32 to index
        %get3A_412 = arith.constant 16 : index
        %get3A_413 = tpu.vector_load %arg13[%get3A_411, %get3A_412] {strides = array<i32>} : memref<64x128xf32, #tpu.memory_space<vmem>>, vector<1x16xf32>,
        %get3A_414 = vector.shape_cast %get3A_413 : vector<1x16xf32> to vector<16xf32>
        %slice3A_415 = vector.extract_strided_slice %exp3A {offsets = [1], sizes = [1], strides = [1]} : vector<16xf32> to vector<1xf32>
        %squeeze3A_416 = vector.extract %slice3A_415[0] : f32 from vector<1xf32>
        %mul3A_417 = vector.broadcast %squeeze3A_416 : f32 to vector<16xf32>
        %mul3A_418 = arith.mulf %get3A_414, %mul3A_417 : vector<16xf32>
        %swap3A_419 = arith.index_cast %add3A_382 : i32 to index
        %swap3A_420 = arith.constant 16 : index
        %swap3A_421 = tpu.vector_load %arg13[%swap3A_419, %swap3A_420] {strides = array<i32>} : memref<64x128xf32, #tpu.memory_space<vmem>>, vector<1x16xf32>,
        %swap3A_422 = vector.shape_cast %swap3A_421 : vector<1x16xf32> to vector<16xf32>
        %swap3A_423 = vector.shape_cast %mul3A_418 : vector<16xf32> to vector<1x16xf32>
        tpu.vector_store %arg13[%swap3A_419, %swap3A_420], %swap3A_423 {strides = array<i32>} : memref<64x128xf32, #tpu.memory_space<vmem>>, vector<1x16xf32>,
        %get3A_424 = arith.index_cast %add3A_382 : i32 to index
        %get3A_425 = arith.constant 32 : index
        %get3A_426 = tpu.vector_load %arg13[%get3A_424, %get3A_425] {strides = array<i32>} : memref<64x128xf32, #tpu.memory_space<vmem>>, vector<1x16xf32>,
        %get3A_427 = vector.shape_cast %get3A_426 : vector<1x16xf32> to vector<16xf32>
        %slice3A_428 = vector.extract_strided_slice %exp3A {offsets = [2], sizes = [1], strides = [1]} : vector<16xf32> to vector<1xf32>
        %squeeze3A_429 = vector.extract %slice3A_428[0] : f32 from vector<1xf32>
        %mul3A_430 = vector.broadcast %squeeze3A_429 : f32 to vector<16xf32>
        %mul3A_431 = arith.mulf %get3A_427, %mul3A_430 : vector<16xf32>
        %swap3A_432 = arith.index_cast %add3A_382 : i32 to index
        %swap3A_433 = arith.constant 32 : index
        %swap3A_434 = tpu.vector_load %arg13[%swap3A_432, %swap3A_433] {strides = array<i32>} : memref<64x128xf32, #tpu.memory_space<vmem>>, vector<1x16xf32>,
        %swap3A_435 = vector.shape_cast %swap3A_434 : vector<1x16xf32> to vector<16xf32>
        %swap3A_436 = vector.shape_cast %mul3A_431 : vector<16xf32> to vector<1x16xf32>
        tpu.vector_store %arg13[%swap3A_432, %swap3A_433], %swap3A_436 {strides = array<i32>} : memref<64x128xf32, #tpu.memory_space<vmem>>, vector<1x16xf32>,
        %get3A_437 = arith.index_cast %add3A_382 : i32 to index
        %get3A_438 = arith.constant 48 : index
        %get3A_439 = tpu.vector_load %arg13[%get3A_437, %get3A_438] {strides = array<i32>} : memref<64x128xf32, #tpu.memory_space<vmem>>, vector<1x16xf32>,
        %get3A_440 = vector.shape_cast %get3A_439 : vector<1x16xf32> to vector<16xf32>
        %slice3A_441 = vector.extract_strided_slice %exp3A {offsets = [3], sizes = [1], strides = [1]} : vector<16xf32> to vector<1xf32>
        %squeeze3A_442 = vector.extract %slice3A_441[0] : f32 from vector<1xf32>
        %mul3A_443 = vector.broadcast %squeeze3A_442 : f32 to vector<16xf32>
        %mul3A_444 = arith.mulf %get3A_440, %mul3A_443 : vector<16xf32>
        %swap3A_445 = arith.index_cast %add3A_382 : i32 to index
        %swap3A_446 = arith.constant 48 : index
        %swap3A_447 = tpu.vector_load %arg13[%swap3A_445, %swap3A_446] {strides = array<i32>} : memref<64x128xf32, #tpu.memory_space<vmem>>, vector<1x16xf32>,
        %swap3A_448 = vector.shape_cast %swap3A_447 : vector<1x16xf32> to vector<16xf32>
        %swap3A_449 = vector.shape_cast %mul3A_444 : vector<16xf32> to vector<1x16xf32>
        tpu.vector_store %arg13[%swap3A_445, %swap3A_446], %swap3A_449 {strides = array<i32>} : memref<64x128xf32, #tpu.memory_space<vmem>>, vector<1x16xf32>,
        %get3A_450 = arith.index_cast %add3A_382 : i32 to index
        %get3A_451 = arith.constant 64 : index
        %get3A_452 = tpu.vector_load %arg13[%get3A_450, %get3A_451] {strides = array<i32>} : memref<64x128xf32, #tpu.memory_space<vmem>>, vector<1x16xf32>,
        %get3A_453 = vector.shape_cast %get3A_452 : vector<1x16xf32> to vector<16xf32>
        %slice3A_454 = vector.extract_strided_slice %exp3A {offsets = [4], sizes = [1], strides = [1]} : vector<16xf32> to vector<1xf32>
        %squeeze3A_455 = vector.extract %slice3A_454[0] : f32 from vector<1xf32>
        %mul3A_456 = vector.broadcast %squeeze3A_455 : f32 to vector<16xf32>
        %mul3A_457 = arith.mulf %get3A_453, %mul3A_456 : vector<16xf32>
        %swap3A_458 = arith.index_cast %add3A_382 : i32 to index
        %swap3A_459 = arith.constant 64 : index
        %swap3A_460 = tpu.vector_load %arg13[%swap3A_458, %swap3A_459] {strides = array<i32>} : memref<64x128xf32, #tpu.memory_space<vmem>>, vector<1x16xf32>,
        %swap3A_461 = vector.shape_cast %swap3A_460 : vector<1x16xf32> to vector<16xf32>
        %swap3A_462 = vector.shape_cast %mul3A_457 : vector<16xf32> to vector<1x16xf32>
        tpu.vector_store %arg13[%swap3A_458, %swap3A_459], %swap3A_462 {strides = array<i32>} : memref<64x128xf32, #tpu.memory_space<vmem>>, vector<1x16xf32>,
        %get3A_463 = arith.index_cast %add3A_382 : i32 to index
        %get3A_464 = arith.constant 80 : index
        %get3A_465 = tpu.vector_load %arg13[%get3A_463, %get3A_464] {strides = array<i32>} : memref<64x128xf32, #tpu.memory_space<vmem>>, vector<1x16xf32>,
        %get3A_466 = vector.shape_cast %get3A_465 : vector<1x16xf32> to vector<16xf32>
        %slice3A_467 = vector.extract_strided_slice %exp3A {offsets = [5], sizes = [1], strides = [1]} : vector<16xf32> to vector<1xf32>
        %squeeze3A_468 = vector.extract %slice3A_467[0] : f32 from vector<1xf32>
        %mul3A_469 = vector.broadcast %squeeze3A_468 : f32 to vector<16xf32>
        %mul3A_470 = arith.mulf %get3A_466, %mul3A_469 : vector<16xf32>
        %swap3A_471 = arith.index_cast %add3A_382 : i32 to index
        %swap3A_472 = arith.constant 80 : index
        %swap3A_473 = tpu.vector_load %arg13[%swap3A_471, %swap3A_472] {strides = array<i32>} : memref<64x128xf32, #tpu.memory_space<vmem>>, vector<1x16xf32>,
        %swap3A_474 = vector.shape_cast %swap3A_473 : vector<1x16xf32> to vector<16xf32>
        %swap3A_475 = vector.shape_cast %mul3A_470 : vector<16xf32> to vector<1x16xf32>
        tpu.vector_store %arg13[%swap3A_471, %swap3A_472], %swap3A_475 {strides = array<i32>} : memref<64x128xf32, #tpu.memory_space<vmem>>, vector<1x16xf32>,
        %get3A_476 = arith.index_cast %add3A_382 : i32 to index
        %get3A_477 = arith.constant 96 : index
        %get3A_478 = tpu.vector_load %arg13[%get3A_476, %get3A_477] {strides = array<i32>} : memref<64x128xf32, #tpu.memory_space<vmem>>, vector<1x16xf32>,
        %get3A_479 = vector.shape_cast %get3A_478 : vector<1x16xf32> to vector<16xf32>
        %slice3A_480 = vector.extract_strided_slice %exp3A {offsets = [6], sizes = [1], strides = [1]} : vector<16xf32> to vector<1xf32>
        %squeeze3A_481 = vector.extract %slice3A_480[0] : f32 from vector<1xf32>
        %mul3A_482 = vector.broadcast %squeeze3A_481 : f32 to vector<16xf32>
        %mul3A_483 = arith.mulf %get3A_479, %mul3A_482 : vector<16xf32>
        %swap3A_484 = arith.index_cast %add3A_382 : i32 to index
        %swap3A_485 = arith.constant 96 : index
        %swap3A_486 = tpu.vector_load %arg13[%swap3A_484, %swap3A_485] {strides = array<i32>} : memref<64x128xf32, #tpu.memory_space<vmem>>, vector<1x16xf32>,
        %swap3A_487 = vector.shape_cast %swap3A_486 : vector<1x16xf32> to vector<16xf32>
        %swap3A_488 = vector.shape_cast %mul3A_483 : vector<16xf32> to vector<1x16xf32>
        tpu.vector_store %arg13[%swap3A_484, %swap3A_485], %swap3A_488 {strides = array<i32>} : memref<64x128xf32, #tpu.memory_space<vmem>>, vector<1x16xf32>,
        %get3A_489 = arith.index_cast %add3A_382 : i32 to index
        %get3A_490 = arith.constant 112 : index
        %get3A_491 = tpu.vector_load %arg13[%get3A_489, %get3A_490] {strides = array<i32>} : memref<64x128xf32, #tpu.memory_space<vmem>>, vector<1x16xf32>,
        %get3A_492 = vector.shape_cast %get3A_491 : vector<1x16xf32> to vector<16xf32>
        %slice3A_493 = vector.extract_strided_slice %exp3A {offsets = [7], sizes = [1], strides = [1]} : vector<16xf32> to vector<1xf32>
        %squeeze3A_494 = vector.extract %slice3A_493[0] : f32 from vector<1xf32>
        %mul3A_495 = vector.broadcast %squeeze3A_494 : f32 to vector<16xf32>
        %mul3A_496 = arith.mulf %get3A_492, %mul3A_495 : vector<16xf32>
        %swap3A_497 = arith.index_cast %add3A_382 : i32 to index
        %swap3A_498 = arith.constant 112 : index
        %swap3A_499 = tpu.vector_load %arg13[%swap3A_497, %swap3A_498] {strides = array<i32>} : memref<64x128xf32, #tpu.memory_space<vmem>>, vector<1x16xf32>,
        %swap3A_500 = vector.shape_cast %swap3A_499 : vector<1x16xf32> to vector<16xf32>
        %swap3A_501 = vector.shape_cast %mul3A_496 : vector<16xf32> to vector<1x16xf32>
        tpu.vector_store %arg13[%swap3A_497, %swap3A_498], %swap3A_501 {strides = array<i32>} : memref<64x128xf32, #tpu.memory_space<vmem>>, vector<1x16xf32>,
      }
      %scan3A_316 = arith.constant 64 : i32
      %run_scoped3A_317 = arith.constant 2 : i32
      %run_scoped3A_318 = arith.constant 0 : i32
      "tpu.region"() ({
        %run_scoped3A_378 = tpu.sem_alloc : memref<!tpu.dma_semaphore, #tpu.memory_space<semaphore_mem>>
        %dma_start3A_379 = arith.constant 0 : i32
        %dma_start3A_380 = tpu.memref_slice %arg8[%run_scoped3A_317, %run_scoped3A_318, %dma_start3A_379] : memref<4x2x64xi32, #tpu.memory_space<vmem>> -> memref<1x1x64xi32, #tpu.memory_space<vmem>>
        %dma_start3A_381 = tpu.memref_squeeze %dma_start3A_380 : memref<1x1x64xi32, #tpu.memory_space<vmem>> -> memref<64xi32, #tpu.memory_space<vmem>>
        %dma_start3A_382 = arith.constant 0 : i32
        %dma_start3A_383 = arith.constant 0 : i32
        %dma_start3A_384 = tpu.memref_slice %arg15[%dma_start3A_382, %dma_start3A_383] : memref<10240x16xf32, #tpu.memory_space<vmem_shared>> -> memref<10240x16xf32, #tpu.memory_space<vmem_shared>>
        tpu.enqueue_indirect_dma source(%arg9 : memref<64x16xf32, #tpu.memory_space<vmem>>) target(%dma_start3A_384 : memref<10240x16xf32, #tpu.memory_space<vmem_shared>>) offsets(%dma_start3A_381 : memref<64xi32, #tpu.memory_space<vmem>>) semaphore(%run_scoped3A_378 : memref<!tpu.dma_semaphore, #tpu.memory_space<semaphore_mem>>) {add = true}
        %dma_wait3A_385 = arith.constant 0 : i32
        %dma_wait3A_386 = tpu.memref_slice %arg8[%run_scoped3A_317, %run_scoped3A_318, %dma_wait3A_385] : memref<4x2x64xi32, #tpu.memory_space<vmem>> -> memref<1x1x64xi32, #tpu.memory_space<vmem>>
        %dma_wait3A_387 = tpu.memref_squeeze %dma_wait3A_386 : memref<1x1x64xi32, #tpu.memory_space<vmem>> -> memref<64xi32, #tpu.memory_space<vmem>>
        %dma_wait3A_388 = arith.constant 0 : i32
        %dma_wait3A_389 = arith.constant 0 : i32
        %dma_wait3A_390 = tpu.memref_slice %arg15[%dma_wait3A_388, %dma_wait3A_389] : memref<10240x16xf32, #tpu.memory_space<vmem_shared>> -> memref<10240x16xf32, #tpu.memory_space<vmem_shared>>
        tpu.wait_indirect_dma semaphore(%run_scoped3A_378 : memref<!tpu.dma_semaphore, #tpu.memory_space<semaphore_mem>>) src(%arg9 : memref<64x16xf32, #tpu.memory_space<vmem>>) dst(%dma_wait3A_390 : memref<10240x16xf32, #tpu.memory_space<vmem_shared>>)
        tpu.yield
      }) : () -> ()
      %run_scoped3A_319 = arith.constant 2 : i32
      %run_scoped3A_320 = arith.constant 0 : i32
      "tpu.region"() ({
        %run_scoped3A_378 = tpu.sem_alloc : memref<!tpu.dma_semaphore, #tpu.memory_space<semaphore_mem>>
        %dma_start3A_379 = arith.constant 0 : i32
        %dma_start3A_380 = tpu.memref_slice %arg8[%run_scoped3A_319, %run_scoped3A_320, %dma_start3A_379] : memref<4x2x64xi32, #tpu.memory_space<vmem>> -> memref<1x1x64xi32, #tpu.memory_space<vmem>>
        %dma_start3A_381 = tpu.memref_squeeze %dma_start3A_380 : memref<1x1x64xi32, #tpu.memory_space<vmem>> -> memref<64xi32, #tpu.memory_space<vmem>>
        %dma_start3A_382 = arith.constant 0 : i32
        %dma_start3A_383 = arith.constant 0 : i32
        %dma_start3A_384 = tpu.memref_slice %arg16[%dma_start3A_382, %dma_start3A_383] : memref<10240x128xf32, #tpu.memory_space<vmem_shared>> -> memref<10240x128xf32, #tpu.memory_space<vmem_shared>>
        tpu.enqueue_indirect_dma source(%arg13 : memref<64x128xf32, #tpu.memory_space<vmem>>) target(%dma_start3A_384 : memref<10240x128xf32, #tpu.memory_space<vmem_shared>>) offsets(%dma_start3A_381 : memref<64xi32, #tpu.memory_space<vmem>>) semaphore(%run_scoped3A_378 : memref<!tpu.dma_semaphore, #tpu.memory_space<semaphore_mem>>) {add = true}
        %dma_wait3A_385 = arith.constant 0 : i32
        %dma_wait3A_386 = tpu.memref_slice %arg8[%run_scoped3A_319, %run_scoped3A_320, %dma_wait3A_385] : memref<4x2x64xi32, #tpu.memory_space<vmem>> -> memref<1x1x64xi32, #tpu.memory_space<vmem>>
        %dma_wait3A_387 = tpu.memref_squeeze %dma_wait3A_386 : memref<1x1x64xi32, #tpu.memory_space<vmem>> -> memref<64xi32, #tpu.memory_space<vmem>>
        %dma_wait3A_388 = arith.constant 0 : i32
        %dma_wait3A_389 = arith.constant 0 : i32
        %dma_wait3A_390 = tpu.memref_slice %arg16[%dma_wait3A_388, %dma_wait3A_389] : memref<10240x128xf32, #tpu.memory_space<vmem_shared>> -> memref<10240x128xf32, #tpu.memory_space<vmem_shared>>
        tpu.wait_indirect_dma semaphore(%run_scoped3A_378 : memref<!tpu.dma_semaphore, #tpu.memory_space<semaphore_mem>>) src(%arg13 : memref<64x128xf32, #tpu.memory_space<vmem>>) dst(%dma_wait3A_390 : memref<10240x128xf32, #tpu.memory_space<vmem_shared>>)
        tpu.yield
      }) : () -> ()
      %add3A_321 = arith.constant 6 : i32
      %add3A_322 = arith.addi %add3A_211, %add3A_321 : i32
      %lt3A_323 = arith.constant 160 : i32
      %lt3A_324 = arith.cmpi slt, %add3A_322, %lt3A_323 : i32
      %convert_element_type3A_325 = arith.extui %lt3A_324 : i1 to i32
      %cond3A_326 = arith.constant 0 : i32
      %cond3A_327 = arith.cmpi ne, %convert_element_type3A_325, %cond3A_326 : i32
      scf.if %cond3A_327 {
        %mul3A_378 = arith.constant 160 : i32
        %mul3A_379 = arith.muli %add3A, %mul3A_378 : i32
        %add3A_380 = arith.addi %mul3A_379, %add3A_322 : i32
        %dma_start3A_381 = arith.constant 2 : i32
        %dma_start3A_382 = arith.constant 0 : i32
        %dma_start3A_383 = arith.constant 0 : i32
        %dma_start3A_384 = tpu.memref_slice %arg8[%dma_start3A_381, %dma_start3A_382, %dma_start3A_383] : memref<4x2x64xi32, #tpu.memory_space<vmem>> -> memref<1x2x64xi32, #tpu.memory_space<vmem>>
        %dma_start3A_385 = tpu.memref_squeeze %dma_start3A_384 : memref<1x2x64xi32, #tpu.memory_space<vmem>> -> memref<2x64xi32, #tpu.memory_space<vmem>>
        %dma_start3A_386 = arith.constant 0 : i32
        %dma_start3A_387 = arith.constant 0 : i32
        %dma_start3A_388 = tpu.memref_slice %arg5[%add3A_380, %dma_start3A_386, %dma_start3A_387] : memref<5120x2x64xi32, #tpu.memory_space<hbm>> -> memref<1x2x64xi32, #tpu.memory_space<hbm>>
        %dma_start3A_389 = tpu.memref_squeeze %dma_start3A_388 : memref<1x2x64xi32, #tpu.memory_space<hbm>> -> memref<2x64xi32, #tpu.memory_space<hbm>>
        %dma_start3A_390 = arith.constant 0 : i32
        %dma_start3A_391 = arith.constant 0 : i32
        %dma_start3A_392 = tpu.memref_slice %arg8[%dma_start3A_381, %dma_start3A_390, %dma_start3A_391] : memref<4x2x64xi32, #tpu.memory_space<vmem>> -> memref<1x2x64xi32, #tpu.memory_space<vmem>>
        %dma_start3A_393 = tpu.memref_squeeze %dma_start3A_392 : memref<1x2x64xi32, #tpu.memory_space<vmem>> -> memref<2x64xi32, #tpu.memory_space<vmem>>
        %dma_start3A_394 = arith.constant 0 : i32
        %dma_start3A_395 = arith.constant 0 : i32
        %dma_start3A_396 = tpu.memref_slice %arg5[%add3A_380, %dma_start3A_394, %dma_start3A_395] : memref<5120x2x64xi32, #tpu.memory_space<hbm>> -> memref<1x2x64xi32, #tpu.memory_space<hbm>>
        %dma_start3A_397 = tpu.memref_squeeze %dma_start3A_396 : memref<1x2x64xi32, #tpu.memory_space<hbm>> -> memref<2x64xi32, #tpu.memory_space<hbm>>
        tpu.enqueue_dma source(%dma_start3A_397 : memref<2x64xi32, #tpu.memory_space<hbm>>) target(%dma_start3A_393 : memref<2x64xi32, #tpu.memory_space<vmem>>) target_semaphore(%arg21 : memref<!tpu.dma_semaphore, #tpu.memory_space<semaphore_mem>>)
      } else {
      }
      %add3A_328 = arith.constant 4 : i32
      %add3A_329 = arith.addi %add3A_211, %add3A_328 : i32
      %lt3A_330 = arith.constant 160 : i32
      %lt3A_331 = arith.cmpi slt, %add3A_329, %lt3A_330 : i32
      %convert_element_type3A_332 = arith.extui %lt3A_331 : i1 to i32
      %cond3A_333 = arith.constant 0 : i32
      %cond3A_334 = arith.cmpi ne, %convert_element_type3A_332, %cond3A_333 : i32
      scf.if %cond3A_334 {
        %dma_wait3A_378 = arith.constant 0 : i32
        %dma_wait3A_379 = arith.constant 0 : i32
        %dma_wait3A_380 = arith.constant 0 : i32
        %dma_wait3A_381 = arith.constant 0 : i32
        %dma_wait3A_382 = tpu.memref_slice %arg8[%dma_wait3A_379, %dma_wait3A_380, %dma_wait3A_381] : memref<4x2x64xi32, #tpu.memory_space<vmem>> -> memref<1x2x64xi32, #tpu.memory_space<vmem>>
        %dma_wait3A_383 = tpu.memref_squeeze %dma_wait3A_382 : memref<1x2x64xi32, #tpu.memory_space<vmem>> -> memref<2x64xi32, #tpu.memory_space<vmem>>
        %dma_wait3A_384 = arith.constant 0 : i32
        %dma_wait3A_385 = arith.constant 0 : i32
        %dma_wait3A_386 = tpu.memref_slice %arg5[%dma_wait3A_378, %dma_wait3A_384, %dma_wait3A_385] : memref<5120x2x64xi32, #tpu.memory_space<hbm>> -> memref<1x2x64xi32, #tpu.memory_space<hbm>>
        %dma_wait3A_387 = tpu.memref_squeeze %dma_wait3A_386 : memref<1x2x64xi32, #tpu.memory_space<hbm>> -> memref<2x64xi32, #tpu.memory_space<hbm>>
        %dma_wait3A_388 = arith.constant 0 : i32
        %dma_wait3A_389 = arith.constant 0 : i32
        %dma_wait3A_390 = tpu.memref_slice %arg8[%dma_wait3A_379, %dma_wait3A_388, %dma_wait3A_389] : memref<4x2x64xi32, #tpu.memory_space<vmem>> -> memref<1x2x64xi32, #tpu.memory_space<vmem>>
        %dma_wait3A_391 = tpu.memref_squeeze %dma_wait3A_390 : memref<1x2x64xi32, #tpu.memory_space<vmem>> -> memref<2x64xi32, #tpu.memory_space<vmem>>
        %dma_wait3A_392 = arith.constant 0 : i32
        %dma_wait3A_393 = arith.constant 0 : i32
        %dma_wait3A_394 = tpu.memref_slice %arg5[%dma_wait3A_378, %dma_wait3A_392, %dma_wait3A_393] : memref<5120x2x64xi32, #tpu.memory_space<hbm>> -> memref<1x2x64xi32, #tpu.memory_space<hbm>>
        %dma_wait3A_395 = tpu.memref_squeeze %dma_wait3A_394 : memref<1x2x64xi32, #tpu.memory_space<hbm>> -> memref<2x64xi32, #tpu.memory_space<hbm>>
        tpu.wait_dma2 semaphore(%arg19 : memref<!tpu.dma_semaphore, #tpu.memory_space<semaphore_mem>>) src(%dma_wait3A_395 : memref<2x64xi32, #tpu.memory_space<hbm>>) dst(%dma_wait3A_391 : memref<2x64xi32, #tpu.memory_space<vmem>>)
        %dma_start3A_396 = arith.constant 0 : i32
        %dma_start3A_397 = arith.constant 0 : i32
        %dma_start3A_398 = arith.constant 0 : i32
        %dma_start3A_399 = tpu.memref_slice %arg8[%dma_start3A_396, %dma_start3A_397, %dma_start3A_398] : memref<4x2x64xi32, #tpu.memory_space<vmem>> -> memref<1x1x64xi32, #tpu.memory_space<vmem>>
        %dma_start3A_400 = tpu.memref_squeeze %dma_start3A_399 : memref<1x1x64xi32, #tpu.memory_space<vmem>> -> memref<64xi32, #tpu.memory_space<vmem>>
        %dma_start3A_401 = arith.constant 0 : i32
        %dma_start3A_402 = arith.constant 0 : i32
        %dma_start3A_403 = tpu.memref_slice %arg2[%dma_start3A_401, %dma_start3A_402] : memref<10240x16xf32, #tpu.memory_space<hbm>> -> memref<10240x16xf32, #tpu.memory_space<hbm>>
        tpu.enqueue_indirect_dma source(%dma_start3A_403 : memref<10240x16xf32, #tpu.memory_space<hbm>>) target(%arg9 : memref<64x16xf32, #tpu.memory_space<vmem>>) offsets(%dma_start3A_400 : memref<64xi32, #tpu.memory_space<vmem>>) semaphore(%arg17 : memref<!tpu.dma_semaphore, #tpu.memory_space<semaphore_mem>>)
        %dma_start3A_404 = arith.constant 0 : i32
        %dma_start3A_405 = arith.constant 1 : i32
        %dma_start3A_406 = arith.constant 0 : i32
        %dma_start3A_407 = tpu.memref_slice %arg8[%dma_start3A_404, %dma_start3A_405, %dma_start3A_406] : memref<4x2x64xi32, #tpu.memory_space<vmem>> -> memref<1x1x64xi32, #tpu.memory_space<vmem>>
        %dma_start3A_408 = tpu.memref_squeeze %dma_start3A_407 : memref<1x1x64xi32, #tpu.memory_space<vmem>> -> memref<64xi32, #tpu.memory_space<vmem>>
        %dma_start3A_409 = arith.constant 0 : i32
        %dma_start3A_410 = arith.constant 0 : i32
        %dma_start3A_411 = tpu.memref_slice %arg3[%dma_start3A_409, %dma_start3A_410] : memref<10240x16xf32, #tpu.memory_space<hbm>> -> memref<10240x16xf32, #tpu.memory_space<hbm>>
        tpu.enqueue_indirect_dma source(%dma_start3A_411 : memref<10240x16xf32, #tpu.memory_space<hbm>>) target(%arg11 : memref<64x16xf32, #tpu.memory_space<vmem>>) offsets(%dma_start3A_408 : memref<64xi32, #tpu.memory_space<vmem>>) semaphore(%arg17 : memref<!tpu.dma_semaphore, #tpu.memory_space<semaphore_mem>>)
        %dma_start3A_412 = arith.constant 0 : i32
        %dma_start3A_413 = arith.constant 1 : i32
        %dma_start3A_414 = arith.constant 0 : i32
        %dma_start3A_415 = tpu.memref_slice %arg8[%dma_start3A_412, %dma_start3A_413, %dma_start3A_414] : memref<4x2x64xi32, #tpu.memory_space<vmem>> -> memref<1x1x64xi32, #tpu.memory_space<vmem>>
        %dma_start3A_416 = tpu.memref_squeeze %dma_start3A_415 : memref<1x1x64xi32, #tpu.memory_space<vmem>> -> memref<64xi32, #tpu.memory_space<vmem>>
        %dma_start3A_417 = arith.constant 0 : i32
        %dma_start3A_418 = arith.constant 0 : i32
        %dma_start3A_419 = tpu.memref_slice %arg4[%dma_start3A_417, %dma_start3A_418] : memref<10240x128xf32, #tpu.memory_space<hbm>> -> memref<10240x128xf32, #tpu.memory_space<hbm>>
        tpu.enqueue_indirect_dma source(%dma_start3A_419 : memref<10240x128xf32, #tpu.memory_space<hbm>>) target(%arg13 : memref<64x128xf32, #tpu.memory_space<vmem>>) offsets(%dma_start3A_416 : memref<64xi32, #tpu.memory_space<vmem>>) semaphore(%arg17 : memref<!tpu.dma_semaphore, #tpu.memory_space<semaphore_mem>>)
      } else {
      }
      %add3A_335 = arith.constant 3 : i32
      %add3A_336 = arith.addi %add3A_211, %add3A_335 : i32
      %dma_wait3A_337 = arith.constant 0 : i32
      %dma_wait3A_338 = arith.constant 0 : i32
      %dma_wait3A_339 = tpu.memref_slice %arg2[%dma_wait3A_337, %dma_wait3A_338] : memref<10240x16xf32, #tpu.memory_space<hbm>> -> memref<64x16xf32, #tpu.memory_space<hbm>>
      %dma_wait3A_340 = arith.constant 0 : i32
      %dma_wait3A_341 = arith.constant 0 : i32
      %dma_wait3A_342 = tpu.memref_slice %arg2[%dma_wait3A_340, %dma_wait3A_341] : memref<10240x16xf32, #tpu.memory_space<hbm>> -> memref<64x16xf32, #tpu.memory_space<hbm>>
      tpu.wait_dma2 semaphore(%arg18 : memref<!tpu.dma_semaphore, #tpu.memory_space<semaphore_mem>>) src(%dma_wait3A_342 : memref<64x16xf32, #tpu.memory_space<hbm>>) dst(%arg10 : memref<64x16xf32, #tpu.memory_space<vmem>>)
      %dma_wait3A_343 = arith.constant 0 : i32
      %dma_wait3A_344 = arith.constant 0 : i32
      %dma_wait3A_345 = tpu.memref_slice %arg3[%dma_wait3A_343, %dma_wait3A_344] : memref<10240x16xf32, #tpu.memory_space<hbm>> -> memref<64x16xf32, #tpu.memory_space<hbm>>
      %dma_wait3A_346 = arith.constant 0 : i32
      %dma_wait3A_347 = arith.constant 0 : i32
      %dma_wait3A_348 = tpu.memref_slice %arg3[%dma_wait3A_346, %dma_wait3A_347] : memref<10240x16xf32, #tpu.memory_space<hbm>> -> memref<64x16xf32, #tpu.memory_space<hbm>>
      tpu.wait_dma2 semaphore(%arg18 : memref<!tpu.dma_semaphore, #tpu.memory_space<semaphore_mem>>) src(%dma_wait3A_348 : memref<64x16xf32, #tpu.memory_space<hbm>>) dst(%arg12 : memref<64x16xf32, #tpu.memory_space<vmem>>)
      %dma_wait3A_349 = arith.constant 0 : i32
      %dma_wait3A_350 = arith.constant 0 : i32
      %dma_wait3A_351 = tpu.memref_slice %arg4[%dma_wait3A_349, %dma_wait3A_350] : memref<10240x128xf32, #tpu.memory_space<hbm>> -> memref<64x128xf32, #tpu.memory_space<hbm>>
      %dma_wait3A_352 = arith.constant 0 : i32
      %dma_wait3A_353 = arith.constant 0 : i32
      %dma_wait3A_354 = tpu.memref_slice %arg4[%dma_wait3A_352, %dma_wait3A_353] : memref<10240x128xf32, #tpu.memory_space<hbm>> -> memref<64x128xf32, #tpu.memory_space<hbm>>
      tpu.wait_dma2 semaphore(%arg18 : memref<!tpu.dma_semaphore, #tpu.memory_space<semaphore_mem>>) src(%dma_wait3A_354 : memref<64x128xf32, #tpu.memory_space<hbm>>) dst(%arg14 : memref<64x128xf32, #tpu.memory_space<vmem>>)
      %scan3A_355 = arith.constant 0 : i32
      %scan3A_356 = arith.constant 64 : i32
      %scan3A_357 = arith.addi %scan3A_355, %scan3A_356 : i32
      %scan3A_358 = arith.constant 1 : i32
      scf.for %scan3A_378 = %scan3A_355 to %scan3A_357 step %scan3A_358  : i32 {
        %mul3A_379 = arith.constant 1 : i32
        %mul3A_380 = arith.muli %scan3A_378, %mul3A_379 : i32
        %add3A_381 = arith.constant 0 : i32
        %add3A_382 = arith.addi %add3A_381, %mul3A_380 : i32
        %get3A = arith.index_cast %add3A_382 : i32 to index
        %get3A_383 = arith.constant 0 : index
        %get3A_384 = tpu.vector_load %arg10[%get3A, %get3A_383] {strides = array<i32>} : memref<64x16xf32, #tpu.memory_space<vmem>>, vector<1x16xf32>,
        %get3A_385 = vector.shape_cast %get3A_384 : vector<1x16xf32> to vector<16xf32>
        %get3A_386 = arith.index_cast %add3A_382 : i32 to index
        %get3A_387 = arith.constant 0 : index
        %get3A_388 = tpu.vector_load %arg12[%get3A_386, %get3A_387] {strides = array<i32>} : memref<64x16xf32, #tpu.memory_space<vmem>>, vector<1x16xf32>,
        %get3A_389 = vector.shape_cast %get3A_388 : vector<1x16xf32> to vector<16xf32>
        %add3A_390 = arith.addf %get3A_385, %get3A_389 : vector<16xf32>
        %ge3A = arith.constant 0.000000e+00 : f32
        %ge3A_391 = vector.broadcast %ge3A : f32 to vector<16xf32>
        %ge3A_392 = arith.cmpf oge, %add3A_390, %ge3A_391 : vector<16xf32>
        %mul3A_393 = arith.constant 2.000000e-01 : f32
        %mul3A_394 = vector.broadcast %mul3A_393 : f32 to vector<16xf32>
        %mul3A_395 = arith.mulf %mul3A_394, %add3A_390 : vector<16xf32>
        %select_n3A = arith.select %ge3A_392, %add3A_390, %mul3A_395 : vector<16xi1>, vector<16xf32>
        %exp3A = math.exp %select_n3A : vector<16xf32>
        %swap3A = arith.index_cast %add3A_382 : i32 to index
        %swap3A_396 = arith.constant 0 : index
        %swap3A_397 = tpu.vector_load %arg10[%swap3A, %swap3A_396] {strides = array<i32>} : memref<64x16xf32, #tpu.memory_space<vmem>>, vector<1x16xf32>,
        %swap3A_398 = vector.shape_cast %swap3A_397 : vector<1x16xf32> to vector<16xf32>
        %swap3A_399 = vector.shape_cast %exp3A : vector<16xf32> to vector<1x16xf32>
        tpu.vector_store %arg10[%swap3A, %swap3A_396], %swap3A_399 {strides = array<i32>} : memref<64x16xf32, #tpu.memory_space<vmem>>, vector<1x16xf32>,
        %get3A_400 = arith.index_cast %add3A_382 : i32 to index
        %get3A_401 = arith.constant 0 : index
        %get3A_402 = tpu.vector_load %arg14[%get3A_400, %get3A_401] {strides = array<i32>} : memref<64x128xf32, #tpu.memory_space<vmem>>, vector<1x16xf32>,
        %get3A_403 = vector.shape_cast %get3A_402 : vector<1x16xf32> to vector<16xf32>
        %slice3A = vector.extract_strided_slice %exp3A {offsets = [0], sizes = [1], strides = [1]} : vector<16xf32> to vector<1xf32>
        %squeeze3A = vector.extract %slice3A[0] : f32 from vector<1xf32>
        %mul3A_404 = vector.broadcast %squeeze3A : f32 to vector<16xf32>
        %mul3A_405 = arith.mulf %get3A_403, %mul3A_404 : vector<16xf32>
        %swap3A_406 = arith.index_cast %add3A_382 : i32 to index
        %swap3A_407 = arith.constant 0 : index
        %swap3A_408 = tpu.vector_load %arg14[%swap3A_406, %swap3A_407] {strides = array<i32>} : memref<64x128xf32, #tpu.memory_space<vmem>>, vector<1x16xf32>,
        %swap3A_409 = vector.shape_cast %swap3A_408 : vector<1x16xf32> to vector<16xf32>
        %swap3A_410 = vector.shape_cast %mul3A_405 : vector<16xf32> to vector<1x16xf32>
        tpu.vector_store %arg14[%swap3A_406, %swap3A_407], %swap3A_410 {strides = array<i32>} : memref<64x128xf32, #tpu.memory_space<vmem>>, vector<1x16xf32>,
        %get3A_411 = arith.index_cast %add3A_382 : i32 to index
        %get3A_412 = arith.constant 16 : index
        %get3A_413 = tpu.vector_load %arg14[%get3A_411, %get3A_412] {strides = array<i32>} : memref<64x128xf32, #tpu.memory_space<vmem>>, vector<1x16xf32>,
        %get3A_414 = vector.shape_cast %get3A_413 : vector<1x16xf32> to vector<16xf32>
        %slice3A_415 = vector.extract_strided_slice %exp3A {offsets = [1], sizes = [1], strides = [1]} : vector<16xf32> to vector<1xf32>
        %squeeze3A_416 = vector.extract %slice3A_415[0] : f32 from vector<1xf32>
        %mul3A_417 = vector.broadcast %squeeze3A_416 : f32 to vector<16xf32>
        %mul3A_418 = arith.mulf %get3A_414, %mul3A_417 : vector<16xf32>
        %swap3A_419 = arith.index_cast %add3A_382 : i32 to index
        %swap3A_420 = arith.constant 16 : index
        %swap3A_421 = tpu.vector_load %arg14[%swap3A_419, %swap3A_420] {strides = array<i32>} : memref<64x128xf32, #tpu.memory_space<vmem>>, vector<1x16xf32>,
        %swap3A_422 = vector.shape_cast %swap3A_421 : vector<1x16xf32> to vector<16xf32>
        %swap3A_423 = vector.shape_cast %mul3A_418 : vector<16xf32> to vector<1x16xf32>
        tpu.vector_store %arg14[%swap3A_419, %swap3A_420], %swap3A_423 {strides = array<i32>} : memref<64x128xf32, #tpu.memory_space<vmem>>, vector<1x16xf32>,
        %get3A_424 = arith.index_cast %add3A_382 : i32 to index
        %get3A_425 = arith.constant 32 : index
        %get3A_426 = tpu.vector_load %arg14[%get3A_424, %get3A_425] {strides = array<i32>} : memref<64x128xf32, #tpu.memory_space<vmem>>, vector<1x16xf32>,
        %get3A_427 = vector.shape_cast %get3A_426 : vector<1x16xf32> to vector<16xf32>
        %slice3A_428 = vector.extract_strided_slice %exp3A {offsets = [2], sizes = [1], strides = [1]} : vector<16xf32> to vector<1xf32>
        %squeeze3A_429 = vector.extract %slice3A_428[0] : f32 from vector<1xf32>
        %mul3A_430 = vector.broadcast %squeeze3A_429 : f32 to vector<16xf32>
        %mul3A_431 = arith.mulf %get3A_427, %mul3A_430 : vector<16xf32>
        %swap3A_432 = arith.index_cast %add3A_382 : i32 to index
        %swap3A_433 = arith.constant 32 : index
        %swap3A_434 = tpu.vector_load %arg14[%swap3A_432, %swap3A_433] {strides = array<i32>} : memref<64x128xf32, #tpu.memory_space<vmem>>, vector<1x16xf32>,
        %swap3A_435 = vector.shape_cast %swap3A_434 : vector<1x16xf32> to vector<16xf32>
        %swap3A_436 = vector.shape_cast %mul3A_431 : vector<16xf32> to vector<1x16xf32>
        tpu.vector_store %arg14[%swap3A_432, %swap3A_433], %swap3A_436 {strides = array<i32>} : memref<64x128xf32, #tpu.memory_space<vmem>>, vector<1x16xf32>,
        %get3A_437 = arith.index_cast %add3A_382 : i32 to index
        %get3A_438 = arith.constant 48 : index
        %get3A_439 = tpu.vector_load %arg14[%get3A_437, %get3A_438] {strides = array<i32>} : memref<64x128xf32, #tpu.memory_space<vmem>>, vector<1x16xf32>,
        %get3A_440 = vector.shape_cast %get3A_439 : vector<1x16xf32> to vector<16xf32>
        %slice3A_441 = vector.extract_strided_slice %exp3A {offsets = [3], sizes = [1], strides = [1]} : vector<16xf32> to vector<1xf32>
        %squeeze3A_442 = vector.extract %slice3A_441[0] : f32 from vector<1xf32>
        %mul3A_443 = vector.broadcast %squeeze3A_442 : f32 to vector<16xf32>
        %mul3A_444 = arith.mulf %get3A_440, %mul3A_443 : vector<16xf32>
        %swap3A_445 = arith.index_cast %add3A_382 : i32 to index
        %swap3A_446 = arith.constant 48 : index
        %swap3A_447 = tpu.vector_load %arg14[%swap3A_445, %swap3A_446] {strides = array<i32>} : memref<64x128xf32, #tpu.memory_space<vmem>>, vector<1x16xf32>,
        %swap3A_448 = vector.shape_cast %swap3A_447 : vector<1x16xf32> to vector<16xf32>
        %swap3A_449 = vector.shape_cast %mul3A_444 : vector<16xf32> to vector<1x16xf32>
        tpu.vector_store %arg14[%swap3A_445, %swap3A_446], %swap3A_449 {strides = array<i32>} : memref<64x128xf32, #tpu.memory_space<vmem>>, vector<1x16xf32>,
        %get3A_450 = arith.index_cast %add3A_382 : i32 to index
        %get3A_451 = arith.constant 64 : index
        %get3A_452 = tpu.vector_load %arg14[%get3A_450, %get3A_451] {strides = array<i32>} : memref<64x128xf32, #tpu.memory_space<vmem>>, vector<1x16xf32>,
        %get3A_453 = vector.shape_cast %get3A_452 : vector<1x16xf32> to vector<16xf32>
        %slice3A_454 = vector.extract_strided_slice %exp3A {offsets = [4], sizes = [1], strides = [1]} : vector<16xf32> to vector<1xf32>
        %squeeze3A_455 = vector.extract %slice3A_454[0] : f32 from vector<1xf32>
        %mul3A_456 = vector.broadcast %squeeze3A_455 : f32 to vector<16xf32>
        %mul3A_457 = arith.mulf %get3A_453, %mul3A_456 : vector<16xf32>
        %swap3A_458 = arith.index_cast %add3A_382 : i32 to index
        %swap3A_459 = arith.constant 64 : index
        %swap3A_460 = tpu.vector_load %arg14[%swap3A_458, %swap3A_459] {strides = array<i32>} : memref<64x128xf32, #tpu.memory_space<vmem>>, vector<1x16xf32>,
        %swap3A_461 = vector.shape_cast %swap3A_460 : vector<1x16xf32> to vector<16xf32>
        %swap3A_462 = vector.shape_cast %mul3A_457 : vector<16xf32> to vector<1x16xf32>
        tpu.vector_store %arg14[%swap3A_458, %swap3A_459], %swap3A_462 {strides = array<i32>} : memref<64x128xf32, #tpu.memory_space<vmem>>, vector<1x16xf32>,
        %get3A_463 = arith.index_cast %add3A_382 : i32 to index
        %get3A_464 = arith.constant 80 : index
        %get3A_465 = tpu.vector_load %arg14[%get3A_463, %get3A_464] {strides = array<i32>} : memref<64x128xf32, #tpu.memory_space<vmem>>, vector<1x16xf32>,
        %get3A_466 = vector.shape_cast %get3A_465 : vector<1x16xf32> to vector<16xf32>
        %slice3A_467 = vector.extract_strided_slice %exp3A {offsets = [5], sizes = [1], strides = [1]} : vector<16xf32> to vector<1xf32>
        %squeeze3A_468 = vector.extract %slice3A_467[0] : f32 from vector<1xf32>
        %mul3A_469 = vector.broadcast %squeeze3A_468 : f32 to vector<16xf32>
        %mul3A_470 = arith.mulf %get3A_466, %mul3A_469 : vector<16xf32>
        %swap3A_471 = arith.index_cast %add3A_382 : i32 to index
        %swap3A_472 = arith.constant 80 : index
        %swap3A_473 = tpu.vector_load %arg14[%swap3A_471, %swap3A_472] {strides = array<i32>} : memref<64x128xf32, #tpu.memory_space<vmem>>, vector<1x16xf32>,
        %swap3A_474 = vector.shape_cast %swap3A_473 : vector<1x16xf32> to vector<16xf32>
        %swap3A_475 = vector.shape_cast %mul3A_470 : vector<16xf32> to vector<1x16xf32>
        tpu.vector_store %arg14[%swap3A_471, %swap3A_472], %swap3A_475 {strides = array<i32>} : memref<64x128xf32, #tpu.memory_space<vmem>>, vector<1x16xf32>,
        %get3A_476 = arith.index_cast %add3A_382 : i32 to index
        %get3A_477 = arith.constant 96 : index
        %get3A_478 = tpu.vector_load %arg14[%get3A_476, %get3A_477] {strides = array<i32>} : memref<64x128xf32, #tpu.memory_space<vmem>>, vector<1x16xf32>,
        %get3A_479 = vector.shape_cast %get3A_478 : vector<1x16xf32> to vector<16xf32>
        %slice3A_480 = vector.extract_strided_slice %exp3A {offsets = [6], sizes = [1], strides = [1]} : vector<16xf32> to vector<1xf32>
        %squeeze3A_481 = vector.extract %slice3A_480[0] : f32 from vector<1xf32>
        %mul3A_482 = vector.broadcast %squeeze3A_481 : f32 to vector<16xf32>
        %mul3A_483 = arith.mulf %get3A_479, %mul3A_482 : vector<16xf32>
        %swap3A_484 = arith.index_cast %add3A_382 : i32 to index
        %swap3A_485 = arith.constant 96 : index
        %swap3A_486 = tpu.vector_load %arg14[%swap3A_484, %swap3A_485] {strides = array<i32>} : memref<64x128xf32, #tpu.memory_space<vmem>>, vector<1x16xf32>,
        %swap3A_487 = vector.shape_cast %swap3A_486 : vector<1x16xf32> to vector<16xf32>
        %swap3A_488 = vector.shape_cast %mul3A_483 : vector<16xf32> to vector<1x16xf32>
        tpu.vector_store %arg14[%swap3A_484, %swap3A_485], %swap3A_488 {strides = array<i32>} : memref<64x128xf32, #tpu.memory_space<vmem>>, vector<1x16xf32>,
        %get3A_489 = arith.index_cast %add3A_382 : i32 to index
        %get3A_490 = arith.constant 112 : index
        %get3A_491 = tpu.vector_load %arg14[%get3A_489, %get3A_490] {strides = array<i32>} : memref<64x128xf32, #tpu.memory_space<vmem>>, vector<1x16xf32>,
        %get3A_492 = vector.shape_cast %get3A_491 : vector<1x16xf32> to vector<16xf32>
        %slice3A_493 = vector.extract_strided_slice %exp3A {offsets = [7], sizes = [1], strides = [1]} : vector<16xf32> to vector<1xf32>
        %squeeze3A_494 = vector.extract %slice3A_493[0] : f32 from vector<1xf32>
        %mul3A_495 = vector.broadcast %squeeze3A_494 : f32 to vector<16xf32>
        %mul3A_496 = arith.mulf %get3A_492, %mul3A_495 : vector<16xf32>
        %swap3A_497 = arith.index_cast %add3A_382 : i32 to index
        %swap3A_498 = arith.constant 112 : index
        %swap3A_499 = tpu.vector_load %arg14[%swap3A_497, %swap3A_498] {strides = array<i32>} : memref<64x128xf32, #tpu.memory_space<vmem>>, vector<1x16xf32>,
        %swap3A_500 = vector.shape_cast %swap3A_499 : vector<1x16xf32> to vector<16xf32>
        %swap3A_501 = vector.shape_cast %mul3A_496 : vector<16xf32> to vector<1x16xf32>
        tpu.vector_store %arg14[%swap3A_497, %swap3A_498], %swap3A_501 {strides = array<i32>} : memref<64x128xf32, #tpu.memory_space<vmem>>, vector<1x16xf32>,
      }
      %scan3A_359 = arith.constant 64 : i32
      %run_scoped3A_360 = arith.constant 3 : i32
      %run_scoped3A_361 = arith.constant 0 : i32
      "tpu.region"() ({
        %run_scoped3A_378 = tpu.sem_alloc : memref<!tpu.dma_semaphore, #tpu.memory_space<semaphore_mem>>
        %dma_start3A_379 = arith.constant 0 : i32
        %dma_start3A_380 = tpu.memref_slice %arg8[%run_scoped3A_360, %run_scoped3A_361, %dma_start3A_379] : memref<4x2x64xi32, #tpu.memory_space<vmem>> -> memref<1x1x64xi32, #tpu.memory_space<vmem>>
        %dma_start3A_381 = tpu.memref_squeeze %dma_start3A_380 : memref<1x1x64xi32, #tpu.memory_space<vmem>> -> memref<64xi32, #tpu.memory_space<vmem>>
        %dma_start3A_382 = arith.constant 0 : i32
        %dma_start3A_383 = arith.constant 0 : i32
        %dma_start3A_384 = tpu.memref_slice %arg15[%dma_start3A_382, %dma_start3A_383] : memref<10240x16xf32, #tpu.memory_space<vmem_shared>> -> memref<10240x16xf32, #tpu.memory_space<vmem_shared>>
        tpu.enqueue_indirect_dma source(%arg10 : memref<64x16xf32, #tpu.memory_space<vmem>>) target(%dma_start3A_384 : memref<10240x16xf32, #tpu.memory_space<vmem_shared>>) offsets(%dma_start3A_381 : memref<64xi32, #tpu.memory_space<vmem>>) semaphore(%run_scoped3A_378 : memref<!tpu.dma_semaphore, #tpu.memory_space<semaphore_mem>>) {add = true}
        %dma_wait3A_385 = arith.constant 0 : i32
        %dma_wait3A_386 = tpu.memref_slice %arg8[%run_scoped3A_360, %run_scoped3A_361, %dma_wait3A_385] : memref<4x2x64xi32, #tpu.memory_space<vmem>> -> memref<1x1x64xi32, #tpu.memory_space<vmem>>
        %dma_wait3A_387 = tpu.memref_squeeze %dma_wait3A_386 : memref<1x1x64xi32, #tpu.memory_space<vmem>> -> memref<64xi32, #tpu.memory_space<vmem>>
        %dma_wait3A_388 = arith.constant 0 : i32
        %dma_wait3A_389 = arith.constant 0 : i32
        %dma_wait3A_390 = tpu.memref_slice %arg15[%dma_wait3A_388, %dma_wait3A_389] : memref<10240x16xf32, #tpu.memory_space<vmem_shared>> -> memref<10240x16xf32, #tpu.memory_space<vmem_shared>>
        tpu.wait_indirect_dma semaphore(%run_scoped3A_378 : memref<!tpu.dma_semaphore, #tpu.memory_space<semaphore_mem>>) src(%arg10 : memref<64x16xf32, #tpu.memory_space<vmem>>) dst(%dma_wait3A_390 : memref<10240x16xf32, #tpu.memory_space<vmem_shared>>)
        tpu.yield
      }) : () -> ()
      %run_scoped3A_362 = arith.constant 3 : i32
      %run_scoped3A_363 = arith.constant 0 : i32
      "tpu.region"() ({
        %run_scoped3A_378 = tpu.sem_alloc : memref<!tpu.dma_semaphore, #tpu.memory_space<semaphore_mem>>
        %dma_start3A_379 = arith.constant 0 : i32
        %dma_start3A_380 = tpu.memref_slice %arg8[%run_scoped3A_362, %run_scoped3A_363, %dma_start3A_379] : memref<4x2x64xi32, #tpu.memory_space<vmem>> -> memref<1x1x64xi32, #tpu.memory_space<vmem>>
        %dma_start3A_381 = tpu.memref_squeeze %dma_start3A_380 : memref<1x1x64xi32, #tpu.memory_space<vmem>> -> memref<64xi32, #tpu.memory_space<vmem>>
        %dma_start3A_382 = arith.constant 0 : i32
        %dma_start3A_383 = arith.constant 0 : i32
        %dma_start3A_384 = tpu.memref_slice %arg16[%dma_start3A_382, %dma_start3A_383] : memref<10240x128xf32, #tpu.memory_space<vmem_shared>> -> memref<10240x128xf32, #tpu.memory_space<vmem_shared>>
        tpu.enqueue_indirect_dma source(%arg14 : memref<64x128xf32, #tpu.memory_space<vmem>>) target(%dma_start3A_384 : memref<10240x128xf32, #tpu.memory_space<vmem_shared>>) offsets(%dma_start3A_381 : memref<64xi32, #tpu.memory_space<vmem>>) semaphore(%run_scoped3A_378 : memref<!tpu.dma_semaphore, #tpu.memory_space<semaphore_mem>>) {add = true}
        %dma_wait3A_385 = arith.constant 0 : i32
        %dma_wait3A_386 = tpu.memref_slice %arg8[%run_scoped3A_362, %run_scoped3A_363, %dma_wait3A_385] : memref<4x2x64xi32, #tpu.memory_space<vmem>> -> memref<1x1x64xi32, #tpu.memory_space<vmem>>
        %dma_wait3A_387 = tpu.memref_squeeze %dma_wait3A_386 : memref<1x1x64xi32, #tpu.memory_space<vmem>> -> memref<64xi32, #tpu.memory_space<vmem>>
        %dma_wait3A_388 = arith.constant 0 : i32
        %dma_wait3A_389 = arith.constant 0 : i32
        %dma_wait3A_390 = tpu.memref_slice %arg16[%dma_wait3A_388, %dma_wait3A_389] : memref<10240x128xf32, #tpu.memory_space<vmem_shared>> -> memref<10240x128xf32, #tpu.memory_space<vmem_shared>>
        tpu.wait_indirect_dma semaphore(%run_scoped3A_378 : memref<!tpu.dma_semaphore, #tpu.memory_space<semaphore_mem>>) src(%arg14 : memref<64x128xf32, #tpu.memory_space<vmem>>) dst(%dma_wait3A_390 : memref<10240x128xf32, #tpu.memory_space<vmem_shared>>)
        tpu.yield
      }) : () -> ()
      %add3A_364 = arith.constant 7 : i32
      %add3A_365 = arith.addi %add3A_211, %add3A_364 : i32
      %lt3A_366 = arith.constant 160 : i32
      %lt3A_367 = arith.cmpi slt, %add3A_365, %lt3A_366 : i32
      %convert_element_type3A_368 = arith.extui %lt3A_367 : i1 to i32
      %cond3A_369 = arith.constant 0 : i32
      %cond3A_370 = arith.cmpi ne, %convert_element_type3A_368, %cond3A_369 : i32
      scf.if %cond3A_370 {
        %mul3A_378 = arith.constant 160 : i32
        %mul3A_379 = arith.muli %add3A, %mul3A_378 : i32
        %add3A_380 = arith.addi %mul3A_379, %add3A_365 : i32
        %dma_start3A_381 = arith.constant 3 : i32
        %dma_start3A_382 = arith.constant 0 : i32
        %dma_start3A_383 = arith.constant 0 : i32
        %dma_start3A_384 = tpu.memref_slice %arg8[%dma_start3A_381, %dma_start3A_382, %dma_start3A_383] : memref<4x2x64xi32, #tpu.memory_space<vmem>> -> memref<1x2x64xi32, #tpu.memory_space<vmem>>
        %dma_start3A_385 = tpu.memref_squeeze %dma_start3A_384 : memref<1x2x64xi32, #tpu.memory_space<vmem>> -> memref<2x64xi32, #tpu.memory_space<vmem>>
        %dma_start3A_386 = arith.constant 0 : i32
        %dma_start3A_387 = arith.constant 0 : i32
        %dma_start3A_388 = tpu.memref_slice %arg5[%add3A_380, %dma_start3A_386, %dma_start3A_387] : memref<5120x2x64xi32, #tpu.memory_space<hbm>> -> memref<1x2x64xi32, #tpu.memory_space<hbm>>
        %dma_start3A_389 = tpu.memref_squeeze %dma_start3A_388 : memref<1x2x64xi32, #tpu.memory_space<hbm>> -> memref<2x64xi32, #tpu.memory_space<hbm>>
        %dma_start3A_390 = arith.constant 0 : i32
        %dma_start3A_391 = arith.constant 0 : i32
        %dma_start3A_392 = tpu.memref_slice %arg8[%dma_start3A_381, %dma_start3A_390, %dma_start3A_391] : memref<4x2x64xi32, #tpu.memory_space<vmem>> -> memref<1x2x64xi32, #tpu.memory_space<vmem>>
        %dma_start3A_393 = tpu.memref_squeeze %dma_start3A_392 : memref<1x2x64xi32, #tpu.memory_space<vmem>> -> memref<2x64xi32, #tpu.memory_space<vmem>>
        %dma_start3A_394 = arith.constant 0 : i32
        %dma_start3A_395 = arith.constant 0 : i32
        %dma_start3A_396 = tpu.memref_slice %arg5[%add3A_380, %dma_start3A_394, %dma_start3A_395] : memref<5120x2x64xi32, #tpu.memory_space<hbm>> -> memref<1x2x64xi32, #tpu.memory_space<hbm>>
        %dma_start3A_397 = tpu.memref_squeeze %dma_start3A_396 : memref<1x2x64xi32, #tpu.memory_space<hbm>> -> memref<2x64xi32, #tpu.memory_space<hbm>>
        tpu.enqueue_dma source(%dma_start3A_397 : memref<2x64xi32, #tpu.memory_space<hbm>>) target(%dma_start3A_393 : memref<2x64xi32, #tpu.memory_space<vmem>>) target_semaphore(%arg22 : memref<!tpu.dma_semaphore, #tpu.memory_space<semaphore_mem>>)
      } else {
      }
      %add3A_371 = arith.constant 5 : i32
      %add3A_372 = arith.addi %add3A_211, %add3A_371 : i32
      %lt3A_373 = arith.constant 160 : i32
      %lt3A_374 = arith.cmpi slt, %add3A_372, %lt3A_373 : i32
      %convert_element_type3A_375 = arith.extui %lt3A_374 : i1 to i32
      %cond3A_376 = arith.constant 0 : i32
      %cond3A_377 = arith.cmpi ne, %convert_element_type3A_375, %cond3A_376 : i32
      scf.if %cond3A_377 {
        %dma_wait3A_378 = arith.constant 0 : i32
        %dma_wait3A_379 = arith.constant 1 : i32
        %dma_wait3A_380 = arith.constant 0 : i32
        %dma_wait3A_381 = arith.constant 0 : i32
        %dma_wait3A_382 = tpu.memref_slice %arg8[%dma_wait3A_379, %dma_wait3A_380, %dma_wait3A_381] : memref<4x2x64xi32, #tpu.memory_space<vmem>> -> memref<1x2x64xi32, #tpu.memory_space<vmem>>
        %dma_wait3A_383 = tpu.memref_squeeze %dma_wait3A_382 : memref<1x2x64xi32, #tpu.memory_space<vmem>> -> memref<2x64xi32, #tpu.memory_space<vmem>>
        %dma_wait3A_384 = arith.constant 0 : i32
        %dma_wait3A_385 = arith.constant 0 : i32
        %dma_wait3A_386 = tpu.memref_slice %arg5[%dma_wait3A_378, %dma_wait3A_384, %dma_wait3A_385] : memref<5120x2x64xi32, #tpu.memory_space<hbm>> -> memref<1x2x64xi32, #tpu.memory_space<hbm>>
        %dma_wait3A_387 = tpu.memref_squeeze %dma_wait3A_386 : memref<1x2x64xi32, #tpu.memory_space<hbm>> -> memref<2x64xi32, #tpu.memory_space<hbm>>
        %dma_wait3A_388 = arith.constant 0 : i32
        %dma_wait3A_389 = arith.constant 0 : i32
        %dma_wait3A_390 = tpu.memref_slice %arg8[%dma_wait3A_379, %dma_wait3A_388, %dma_wait3A_389] : memref<4x2x64xi32, #tpu.memory_space<vmem>> -> memref<1x2x64xi32, #tpu.memory_space<vmem>>
        %dma_wait3A_391 = tpu.memref_squeeze %dma_wait3A_390 : memref<1x2x64xi32, #tpu.memory_space<vmem>> -> memref<2x64xi32, #tpu.memory_space<vmem>>
        %dma_wait3A_392 = arith.constant 0 : i32
        %dma_wait3A_393 = arith.constant 0 : i32
        %dma_wait3A_394 = tpu.memref_slice %arg5[%dma_wait3A_378, %dma_wait3A_392, %dma_wait3A_393] : memref<5120x2x64xi32, #tpu.memory_space<hbm>> -> memref<1x2x64xi32, #tpu.memory_space<hbm>>
        %dma_wait3A_395 = tpu.memref_squeeze %dma_wait3A_394 : memref<1x2x64xi32, #tpu.memory_space<hbm>> -> memref<2x64xi32, #tpu.memory_space<hbm>>
        tpu.wait_dma2 semaphore(%arg20 : memref<!tpu.dma_semaphore, #tpu.memory_space<semaphore_mem>>) src(%dma_wait3A_395 : memref<2x64xi32, #tpu.memory_space<hbm>>) dst(%dma_wait3A_391 : memref<2x64xi32, #tpu.memory_space<vmem>>)
        %dma_start3A_396 = arith.constant 1 : i32
        %dma_start3A_397 = arith.constant 0 : i32
        %dma_start3A_398 = arith.constant 0 : i32
        %dma_start3A_399 = tpu.memref_slice %arg8[%dma_start3A_396, %dma_start3A_397, %dma_start3A_398] : memref<4x2x64xi32, #tpu.memory_space<vmem>> -> memref<1x1x64xi32, #tpu.memory_space<vmem>>
        %dma_start3A_400 = tpu.memref_squeeze %dma_start3A_399 : memref<1x1x64xi32, #tpu.memory_space<vmem>> -> memref<64xi32, #tpu.memory_space<vmem>>
        %dma_start3A_401 = arith.constant 0 : i32
        %dma_start3A_402 = arith.constant 0 : i32
        %dma_start3A_403 = tpu.memref_slice %arg2[%dma_start3A_401, %dma_start3A_402] : memref<10240x16xf32, #tpu.memory_space<hbm>> -> memref<10240x16xf32, #tpu.memory_space<hbm>>
        tpu.enqueue_indirect_dma source(%dma_start3A_403 : memref<10240x16xf32, #tpu.memory_space<hbm>>) target(%arg10 : memref<64x16xf32, #tpu.memory_space<vmem>>) offsets(%dma_start3A_400 : memref<64xi32, #tpu.memory_space<vmem>>) semaphore(%arg18 : memref<!tpu.dma_semaphore, #tpu.memory_space<semaphore_mem>>)
        %dma_start3A_404 = arith.constant 1 : i32
        %dma_start3A_405 = arith.constant 1 : i32
        %dma_start3A_406 = arith.constant 0 : i32
        %dma_start3A_407 = tpu.memref_slice %arg8[%dma_start3A_404, %dma_start3A_405, %dma_start3A_406] : memref<4x2x64xi32, #tpu.memory_space<vmem>> -> memref<1x1x64xi32, #tpu.memory_space<vmem>>
        %dma_start3A_408 = tpu.memref_squeeze %dma_start3A_407 : memref<1x1x64xi32, #tpu.memory_space<vmem>> -> memref<64xi32, #tpu.memory_space<vmem>>
        %dma_start3A_409 = arith.constant 0 : i32
        %dma_start3A_410 = arith.constant 0 : i32
        %dma_start3A_411 = tpu.memref_slice %arg3[%dma_start3A_409, %dma_start3A_410] : memref<10240x16xf32, #tpu.memory_space<hbm>> -> memref<10240x16xf32, #tpu.memory_space<hbm>>
        tpu.enqueue_indirect_dma source(%dma_start3A_411 : memref<10240x16xf32, #tpu.memory_space<hbm>>) target(%arg12 : memref<64x16xf32, #tpu.memory_space<vmem>>) offsets(%dma_start3A_408 : memref<64xi32, #tpu.memory_space<vmem>>) semaphore(%arg18 : memref<!tpu.dma_semaphore, #tpu.memory_space<semaphore_mem>>)
        %dma_start3A_412 = arith.constant 1 : i32
        %dma_start3A_413 = arith.constant 1 : i32
        %dma_start3A_414 = arith.constant 0 : i32
        %dma_start3A_415 = tpu.memref_slice %arg8[%dma_start3A_412, %dma_start3A_413, %dma_start3A_414] : memref<4x2x64xi32, #tpu.memory_space<vmem>> -> memref<1x1x64xi32, #tpu.memory_space<vmem>>
        %dma_start3A_416 = tpu.memref_squeeze %dma_start3A_415 : memref<1x1x64xi32, #tpu.memory_space<vmem>> -> memref<64xi32, #tpu.memory_space<vmem>>
        %dma_start3A_417 = arith.constant 0 : i32
        %dma_start3A_418 = arith.constant 0 : i32
        %dma_start3A_419 = tpu.memref_slice %arg4[%dma_start3A_417, %dma_start3A_418] : memref<10240x128xf32, #tpu.memory_space<hbm>> -> memref<10240x128xf32, #tpu.memory_space<hbm>>
        tpu.enqueue_indirect_dma source(%dma_start3A_419 : memref<10240x128xf32, #tpu.memory_space<hbm>>) target(%arg14 : memref<64x128xf32, #tpu.memory_space<vmem>>) offsets(%dma_start3A_416 : memref<64xi32, #tpu.memory_space<vmem>>) semaphore(%arg18 : memref<!tpu.dma_semaphore, #tpu.memory_space<semaphore_mem>>)
      } else {
      }
    }
    %scan3A_185 = arith.constant 40 : i32
    %barrier3A_186 = arith.constant 0 : index
    tpu.barrier barrier_id(%barrier3A_186)
    %mul3A_187 = arith.constant 640 : i32
    %mul3A_188 = arith.muli %arg1, %mul3A_187 : i32
    %add3A_189 = arith.constant 0 : i32
    %add3A_190 = arith.addi %mul3A_188, %add3A_189 : i32
    "tpu.region"() ({
      %run_scoped3A_207 = tpu.sem_alloc : memref<!tpu.dma_semaphore, #tpu.memory_space<semaphore_mem>>
      %dma_start3A_208 = arith.constant 0 : i32
      %dma_start3A_209 = tpu.memref_slice %arg6[%arg0, %add3A_190, %dma_start3A_208] : memref<2x10240x16xf32, #tpu.memory_space<hbm>> -> memref<1x128x16xf32, #tpu.memory_space<hbm>>
      %dma_start3A_210 = tpu.memref_squeeze %dma_start3A_209 : memref<1x128x16xf32, #tpu.memory_space<hbm>> -> memref<128x16xf32, #tpu.memory_space<hbm>>
      %dma_start3A_211 = arith.constant 0 : i32
      %dma_start3A_212 = tpu.memref_slice %arg15[%add3A_190, %dma_start3A_211] : memref<10240x16xf32, #tpu.memory_space<vmem_shared>> -> memref<128x16xf32, #tpu.memory_space<vmem_shared>>
      tpu.enqueue_dma source(%dma_start3A_212 : memref<128x16xf32, #tpu.memory_space<vmem_shared>>) target(%dma_start3A_210 : memref<128x16xf32, #tpu.memory_space<hbm>>) target_semaphore(%run_scoped3A_207 : memref<!tpu.dma_semaphore, #tpu.memory_space<semaphore_mem>>)
      %dma_wait3A = arith.constant 0 : i32
      %dma_wait3A_213 = tpu.memref_slice %arg6[%arg0, %add3A_190, %dma_wait3A] : memref<2x10240x16xf32, #tpu.memory_space<hbm>> -> memref<1x128x16xf32, #tpu.memory_space<hbm>>
      %dma_wait3A_214 = tpu.memref_squeeze %dma_wait3A_213 : memref<1x128x16xf32, #tpu.memory_space<hbm>> -> memref<128x16xf32, #tpu.memory_space<hbm>>
      %dma_wait3A_215 = arith.constant 0 : i32
      %dma_wait3A_216 = tpu.memref_slice %arg15[%add3A_190, %dma_wait3A_215] : memref<10240x16xf32, #tpu.memory_space<vmem_shared>> -> memref<128x16xf32, #tpu.memory_space<vmem_shared>>
      tpu.wait_dma2 semaphore(%run_scoped3A_207 : memref<!tpu.dma_semaphore, #tpu.memory_space<semaphore_mem>>) src(%dma_wait3A_216 : memref<128x16xf32, #tpu.memory_space<vmem_shared>>) dst(%dma_wait3A_214 : memref<128x16xf32, #tpu.memory_space<hbm>>)
      tpu.yield
    }) : () -> ()
    "tpu.region"() ({
      %run_scoped3A_207 = tpu.sem_alloc : memref<!tpu.dma_semaphore, #tpu.memory_space<semaphore_mem>>
      %dma_start3A_208 = arith.constant 0 : i32
      %dma_start3A_209 = tpu.memref_slice %arg7[%arg0, %add3A_190, %dma_start3A_208] : memref<2x10240x128xf32, #tpu.memory_space<hbm>> -> memref<1x128x128xf32, #tpu.memory_space<hbm>>
      %dma_start3A_210 = tpu.memref_squeeze %dma_start3A_209 : memref<1x128x128xf32, #tpu.memory_space<hbm>> -> memref<128x128xf32, #tpu.memory_space<hbm>>
      %dma_start3A_211 = arith.constant 0 : i32
      %dma_start3A_212 = tpu.memref_slice %arg16[%add3A_190, %dma_start3A_211] : memref<10240x128xf32, #tpu.memory_space<vmem_shared>> -> memref<128x128xf32, #tpu.memory_space<vmem_shared>>
      tpu.enqueue_dma source(%dma_start3A_212 : memref<128x128xf32, #tpu.memory_space<vmem_shared>>) target(%dma_start3A_210 : memref<128x128xf32, #tpu.memory_space<hbm>>) target_semaphore(%run_scoped3A_207 : memref<!tpu.dma_semaphore, #tpu.memory_space<semaphore_mem>>)
      %dma_wait3A = arith.constant 0 : i32
      %dma_wait3A_213 = tpu.memref_slice %arg7[%arg0, %add3A_190, %dma_wait3A] : memref<2x10240x128xf32, #tpu.memory_space<hbm>> -> memref<1x128x128xf32, #tpu.memory_space<hbm>>
      %dma_wait3A_214 = tpu.memref_squeeze %dma_wait3A_213 : memref<1x128x128xf32, #tpu.memory_space<hbm>> -> memref<128x128xf32, #tpu.memory_space<hbm>>
      %dma_wait3A_215 = arith.constant 0 : i32
      %dma_wait3A_216 = tpu.memref_slice %arg16[%add3A_190, %dma_wait3A_215] : memref<10240x128xf32, #tpu.memory_space<vmem_shared>> -> memref<128x128xf32, #tpu.memory_space<vmem_shared>>
      tpu.wait_dma2 semaphore(%run_scoped3A_207 : memref<!tpu.dma_semaphore, #tpu.memory_space<semaphore_mem>>) src(%dma_wait3A_216 : memref<128x128xf32, #tpu.memory_space<vmem_shared>>) dst(%dma_wait3A_214 : memref<128x128xf32, #tpu.memory_space<hbm>>)
      tpu.yield
    }) : () -> ()
    %mul3A_191 = arith.constant 640 : i32
    %mul3A_192 = arith.muli %arg1, %mul3A_191 : i32
    %add3A_193 = arith.constant 128 : i32
    %add3A_194 = arith.addi %mul3A_192, %add3A_193 : i32
    "tpu.region"() ({
      %run_scoped3A_207 = tpu.sem_alloc : memref<!tpu.dma_semaphore, #tpu.memory_space<semaphore_mem>>
      %dma_start3A_208 = arith.constant 0 : i32
      %dma_start3A_209 = tpu.memref_slice %arg6[%arg0, %add3A_194, %dma_start3A_208] : memref<2x10240x16xf32, #tpu.memory_space<hbm>> -> memref<1x128x16xf32, #tpu.memory_space<hbm>>
      %dma_start3A_210 = tpu.memref_squeeze %dma_start3A_209 : memref<1x128x16xf32, #tpu.memory_space<hbm>> -> memref<128x16xf32, #tpu.memory_space<hbm>>
      %dma_start3A_211 = arith.constant 0 : i32
      %dma_start3A_212 = tpu.memref_slice %arg15[%add3A_194, %dma_start3A_211] : memref<10240x16xf32, #tpu.memory_space<vmem_shared>> -> memref<128x16xf32, #tpu.memory_space<vmem_shared>>
      tpu.enqueue_dma source(%dma_start3A_212 : memref<128x16xf32, #tpu.memory_space<vmem_shared>>) target(%dma_start3A_210 : memref<128x16xf32, #tpu.memory_space<hbm>>) target_semaphore(%run_scoped3A_207 : memref<!tpu.dma_semaphore, #tpu.memory_space<semaphore_mem>>)
      %dma_wait3A = arith.constant 0 : i32
      %dma_wait3A_213 = tpu.memref_slice %arg6[%arg0, %add3A_194, %dma_wait3A] : memref<2x10240x16xf32, #tpu.memory_space<hbm>> -> memref<1x128x16xf32, #tpu.memory_space<hbm>>
      %dma_wait3A_214 = tpu.memref_squeeze %dma_wait3A_213 : memref<1x128x16xf32, #tpu.memory_space<hbm>> -> memref<128x16xf32, #tpu.memory_space<hbm>>
      %dma_wait3A_215 = arith.constant 0 : i32
      %dma_wait3A_216 = tpu.memref_slice %arg15[%add3A_194, %dma_wait3A_215] : memref<10240x16xf32, #tpu.memory_space<vmem_shared>> -> memref<128x16xf32, #tpu.memory_space<vmem_shared>>
      tpu.wait_dma2 semaphore(%run_scoped3A_207 : memref<!tpu.dma_semaphore, #tpu.memory_space<semaphore_mem>>) src(%dma_wait3A_216 : memref<128x16xf32, #tpu.memory_space<vmem_shared>>) dst(%dma_wait3A_214 : memref<128x16xf32, #tpu.memory_space<hbm>>)
      tpu.yield
    }) : () -> ()
    "tpu.region"() ({
      %run_scoped3A_207 = tpu.sem_alloc : memref<!tpu.dma_semaphore, #tpu.memory_space<semaphore_mem>>
      %dma_start3A_208 = arith.constant 0 : i32
      %dma_start3A_209 = tpu.memref_slice %arg7[%arg0, %add3A_194, %dma_start3A_208] : memref<2x10240x128xf32, #tpu.memory_space<hbm>> -> memref<1x128x128xf32, #tpu.memory_space<hbm>>
      %dma_start3A_210 = tpu.memref_squeeze %dma_start3A_209 : memref<1x128x128xf32, #tpu.memory_space<hbm>> -> memref<128x128xf32, #tpu.memory_space<hbm>>
      %dma_start3A_211 = arith.constant 0 : i32
      %dma_start3A_212 = tpu.memref_slice %arg16[%add3A_194, %dma_start3A_211] : memref<10240x128xf32, #tpu.memory_space<vmem_shared>> -> memref<128x128xf32, #tpu.memory_space<vmem_shared>>
      tpu.enqueue_dma source(%dma_start3A_212 : memref<128x128xf32, #tpu.memory_space<vmem_shared>>) target(%dma_start3A_210 : memref<128x128xf32, #tpu.memory_space<hbm>>) target_semaphore(%run_scoped3A_207 : memref<!tpu.dma_semaphore, #tpu.memory_space<semaphore_mem>>)
      %dma_wait3A = arith.constant 0 : i32
      %dma_wait3A_213 = tpu.memref_slice %arg7[%arg0, %add3A_194, %dma_wait3A] : memref<2x10240x128xf32, #tpu.memory_space<hbm>> -> memref<1x128x128xf32, #tpu.memory_space<hbm>>
      %dma_wait3A_214 = tpu.memref_squeeze %dma_wait3A_213 : memref<1x128x128xf32, #tpu.memory_space<hbm>> -> memref<128x128xf32, #tpu.memory_space<hbm>>
      %dma_wait3A_215 = arith.constant 0 : i32
      %dma_wait3A_216 = tpu.memref_slice %arg16[%add3A_194, %dma_wait3A_215] : memref<10240x128xf32, #tpu.memory_space<vmem_shared>> -> memref<128x128xf32, #tpu.memory_space<vmem_shared>>
      tpu.wait_dma2 semaphore(%run_scoped3A_207 : memref<!tpu.dma_semaphore, #tpu.memory_space<semaphore_mem>>) src(%dma_wait3A_216 : memref<128x128xf32, #tpu.memory_space<vmem_shared>>) dst(%dma_wait3A_214 : memref<128x128xf32, #tpu.memory_space<hbm>>)
      tpu.yield
    }) : () -> ()
    %mul3A_195 = arith.constant 640 : i32
    %mul3A_196 = arith.muli %arg1, %mul3A_195 : i32
    %add3A_197 = arith.constant 256 : i32
    %add3A_198 = arith.addi %mul3A_196, %add3A_197 : i32
    "tpu.region"() ({
      %run_scoped3A_207 = tpu.sem_alloc : memref<!tpu.dma_semaphore, #tpu.memory_space<semaphore_mem>>
      %dma_start3A_208 = arith.constant 0 : i32
      %dma_start3A_209 = tpu.memref_slice %arg6[%arg0, %add3A_198, %dma_start3A_208] : memref<2x10240x16xf32, #tpu.memory_space<hbm>> -> memref<1x128x16xf32, #tpu.memory_space<hbm>>
      %dma_start3A_210 = tpu.memref_squeeze %dma_start3A_209 : memref<1x128x16xf32, #tpu.memory_space<hbm>> -> memref<128x16xf32, #tpu.memory_space<hbm>>
      %dma_start3A_211 = arith.constant 0 : i32
      %dma_start3A_212 = tpu.memref_slice %arg15[%add3A_198, %dma_start3A_211] : memref<10240x16xf32, #tpu.memory_space<vmem_shared>> -> memref<128x16xf32, #tpu.memory_space<vmem_shared>>
      tpu.enqueue_dma source(%dma_start3A_212 : memref<128x16xf32, #tpu.memory_space<vmem_shared>>) target(%dma_start3A_210 : memref<128x16xf32, #tpu.memory_space<hbm>>) target_semaphore(%run_scoped3A_207 : memref<!tpu.dma_semaphore, #tpu.memory_space<semaphore_mem>>)
      %dma_wait3A = arith.constant 0 : i32
      %dma_wait3A_213 = tpu.memref_slice %arg6[%arg0, %add3A_198, %dma_wait3A] : memref<2x10240x16xf32, #tpu.memory_space<hbm>> -> memref<1x128x16xf32, #tpu.memory_space<hbm>>
      %dma_wait3A_214 = tpu.memref_squeeze %dma_wait3A_213 : memref<1x128x16xf32, #tpu.memory_space<hbm>> -> memref<128x16xf32, #tpu.memory_space<hbm>>
      %dma_wait3A_215 = arith.constant 0 : i32
      %dma_wait3A_216 = tpu.memref_slice %arg15[%add3A_198, %dma_wait3A_215] : memref<10240x16xf32, #tpu.memory_space<vmem_shared>> -> memref<128x16xf32, #tpu.memory_space<vmem_shared>>
      tpu.wait_dma2 semaphore(%run_scoped3A_207 : memref<!tpu.dma_semaphore, #tpu.memory_space<semaphore_mem>>) src(%dma_wait3A_216 : memref<128x16xf32, #tpu.memory_space<vmem_shared>>) dst(%dma_wait3A_214 : memref<128x16xf32, #tpu.memory_space<hbm>>)
      tpu.yield
    }) : () -> ()
    "tpu.region"() ({
      %run_scoped3A_207 = tpu.sem_alloc : memref<!tpu.dma_semaphore, #tpu.memory_space<semaphore_mem>>
      %dma_start3A_208 = arith.constant 0 : i32
      %dma_start3A_209 = tpu.memref_slice %arg7[%arg0, %add3A_198, %dma_start3A_208] : memref<2x10240x128xf32, #tpu.memory_space<hbm>> -> memref<1x128x128xf32, #tpu.memory_space<hbm>>
      %dma_start3A_210 = tpu.memref_squeeze %dma_start3A_209 : memref<1x128x128xf32, #tpu.memory_space<hbm>> -> memref<128x128xf32, #tpu.memory_space<hbm>>
      %dma_start3A_211 = arith.constant 0 : i32
      %dma_start3A_212 = tpu.memref_slice %arg16[%add3A_198, %dma_start3A_211] : memref<10240x128xf32, #tpu.memory_space<vmem_shared>> -> memref<128x128xf32, #tpu.memory_space<vmem_shared>>
      tpu.enqueue_dma source(%dma_start3A_212 : memref<128x128xf32, #tpu.memory_space<vmem_shared>>) target(%dma_start3A_210 : memref<128x128xf32, #tpu.memory_space<hbm>>) target_semaphore(%run_scoped3A_207 : memref<!tpu.dma_semaphore, #tpu.memory_space<semaphore_mem>>)
      %dma_wait3A = arith.constant 0 : i32
      %dma_wait3A_213 = tpu.memref_slice %arg7[%arg0, %add3A_198, %dma_wait3A] : memref<2x10240x128xf32, #tpu.memory_space<hbm>> -> memref<1x128x128xf32, #tpu.memory_space<hbm>>
      %dma_wait3A_214 = tpu.memref_squeeze %dma_wait3A_213 : memref<1x128x128xf32, #tpu.memory_space<hbm>> -> memref<128x128xf32, #tpu.memory_space<hbm>>
      %dma_wait3A_215 = arith.constant 0 : i32
      %dma_wait3A_216 = tpu.memref_slice %arg16[%add3A_198, %dma_wait3A_215] : memref<10240x128xf32, #tpu.memory_space<vmem_shared>> -> memref<128x128xf32, #tpu.memory_space<vmem_shared>>
      tpu.wait_dma2 semaphore(%run_scoped3A_207 : memref<!tpu.dma_semaphore, #tpu.memory_space<semaphore_mem>>) src(%dma_wait3A_216 : memref<128x128xf32, #tpu.memory_space<vmem_shared>>) dst(%dma_wait3A_214 : memref<128x128xf32, #tpu.memory_space<hbm>>)
      tpu.yield
    }) : () -> ()
    %mul3A_199 = arith.constant 640 : i32
    %mul3A_200 = arith.muli %arg1, %mul3A_199 : i32
    %add3A_201 = arith.constant 384 : i32
    %add3A_202 = arith.addi %mul3A_200, %add3A_201 : i32
    "tpu.region"() ({
      %run_scoped3A_207 = tpu.sem_alloc : memref<!tpu.dma_semaphore, #tpu.memory_space<semaphore_mem>>
      %dma_start3A_208 = arith.constant 0 : i32
      %dma_start3A_209 = tpu.memref_slice %arg6[%arg0, %add3A_202, %dma_start3A_208] : memref<2x10240x16xf32, #tpu.memory_space<hbm>> -> memref<1x128x16xf32, #tpu.memory_space<hbm>>
      %dma_start3A_210 = tpu.memref_squeeze %dma_start3A_209 : memref<1x128x16xf32, #tpu.memory_space<hbm>> -> memref<128x16xf32, #tpu.memory_space<hbm>>
      %dma_start3A_211 = arith.constant 0 : i32
      %dma_start3A_212 = tpu.memref_slice %arg15[%add3A_202, %dma_start3A_211] : memref<10240x16xf32, #tpu.memory_space<vmem_shared>> -> memref<128x16xf32, #tpu.memory_space<vmem_shared>>
      tpu.enqueue_dma source(%dma_start3A_212 : memref<128x16xf32, #tpu.memory_space<vmem_shared>>) target(%dma_start3A_210 : memref<128x16xf32, #tpu.memory_space<hbm>>) target_semaphore(%run_scoped3A_207 : memref<!tpu.dma_semaphore, #tpu.memory_space<semaphore_mem>>)
      %dma_wait3A = arith.constant 0 : i32
      %dma_wait3A_213 = tpu.memref_slice %arg6[%arg0, %add3A_202, %dma_wait3A] : memref<2x10240x16xf32, #tpu.memory_space<hbm>> -> memref<1x128x16xf32, #tpu.memory_space<hbm>>
      %dma_wait3A_214 = tpu.memref_squeeze %dma_wait3A_213 : memref<1x128x16xf32, #tpu.memory_space<hbm>> -> memref<128x16xf32, #tpu.memory_space<hbm>>
      %dma_wait3A_215 = arith.constant 0 : i32
      %dma_wait3A_216 = tpu.memref_slice %arg15[%add3A_202, %dma_wait3A_215] : memref<10240x16xf32, #tpu.memory_space<vmem_shared>> -> memref<128x16xf32, #tpu.memory_space<vmem_shared>>
      tpu.wait_dma2 semaphore(%run_scoped3A_207 : memref<!tpu.dma_semaphore, #tpu.memory_space<semaphore_mem>>) src(%dma_wait3A_216 : memref<128x16xf32, #tpu.memory_space<vmem_shared>>) dst(%dma_wait3A_214 : memref<128x16xf32, #tpu.memory_space<hbm>>)
      tpu.yield
    }) : () -> ()
    "tpu.region"() ({
      %run_scoped3A_207 = tpu.sem_alloc : memref<!tpu.dma_semaphore, #tpu.memory_space<semaphore_mem>>
      %dma_start3A_208 = arith.constant 0 : i32
      %dma_start3A_209 = tpu.memref_slice %arg7[%arg0, %add3A_202, %dma_start3A_208] : memref<2x10240x128xf32, #tpu.memory_space<hbm>> -> memref<1x128x128xf32, #tpu.memory_space<hbm>>
      %dma_start3A_210 = tpu.memref_squeeze %dma_start3A_209 : memref<1x128x128xf32, #tpu.memory_space<hbm>> -> memref<128x128xf32, #tpu.memory_space<hbm>>
      %dma_start3A_211 = arith.constant 0 : i32
      %dma_start3A_212 = tpu.memref_slice %arg16[%add3A_202, %dma_start3A_211] : memref<10240x128xf32, #tpu.memory_space<vmem_shared>> -> memref<128x128xf32, #tpu.memory_space<vmem_shared>>
      tpu.enqueue_dma source(%dma_start3A_212 : memref<128x128xf32, #tpu.memory_space<vmem_shared>>) target(%dma_start3A_210 : memref<128x128xf32, #tpu.memory_space<hbm>>) target_semaphore(%run_scoped3A_207 : memref<!tpu.dma_semaphore, #tpu.memory_space<semaphore_mem>>)
      %dma_wait3A = arith.constant 0 : i32
      %dma_wait3A_213 = tpu.memref_slice %arg7[%arg0, %add3A_202, %dma_wait3A] : memref<2x10240x128xf32, #tpu.memory_space<hbm>> -> memref<1x128x128xf32, #tpu.memory_space<hbm>>
      %dma_wait3A_214 = tpu.memref_squeeze %dma_wait3A_213 : memref<1x128x128xf32, #tpu.memory_space<hbm>> -> memref<128x128xf32, #tpu.memory_space<hbm>>
      %dma_wait3A_215 = arith.constant 0 : i32
      %dma_wait3A_216 = tpu.memref_slice %arg16[%add3A_202, %dma_wait3A_215] : memref<10240x128xf32, #tpu.memory_space<vmem_shared>> -> memref<128x128xf32, #tpu.memory_space<vmem_shared>>
      tpu.wait_dma2 semaphore(%run_scoped3A_207 : memref<!tpu.dma_semaphore, #tpu.memory_space<semaphore_mem>>) src(%dma_wait3A_216 : memref<128x128xf32, #tpu.memory_space<vmem_shared>>) dst(%dma_wait3A_214 : memref<128x128xf32, #tpu.memory_space<hbm>>)
      tpu.yield
    }) : () -> ()
    %mul3A_203 = arith.constant 640 : i32
    %mul3A_204 = arith.muli %arg1, %mul3A_203 : i32
    %add3A_205 = arith.constant 512 : i32
    %add3A_206 = arith.addi %mul3A_204, %add3A_205 : i32
    "tpu.region"() ({
      %run_scoped3A_207 = tpu.sem_alloc : memref<!tpu.dma_semaphore, #tpu.memory_space<semaphore_mem>>
      %dma_start3A_208 = arith.constant 0 : i32
      %dma_start3A_209 = tpu.memref_slice %arg6[%arg0, %add3A_206, %dma_start3A_208] : memref<2x10240x16xf32, #tpu.memory_space<hbm>> -> memref<1x128x16xf32, #tpu.memory_space<hbm>>
      %dma_start3A_210 = tpu.memref_squeeze %dma_start3A_209 : memref<1x128x16xf32, #tpu.memory_space<hbm>> -> memref<128x16xf32, #tpu.memory_space<hbm>>
      %dma_start3A_211 = arith.constant 0 : i32
      %dma_start3A_212 = tpu.memref_slice %arg15[%add3A_206, %dma_start3A_211] : memref<10240x16xf32, #tpu.memory_space<vmem_shared>> -> memref<128x16xf32, #tpu.memory_space<vmem_shared>>
      tpu.enqueue_dma source(%dma_start3A_212 : memref<128x16xf32, #tpu.memory_space<vmem_shared>>) target(%dma_start3A_210 : memref<128x16xf32, #tpu.memory_space<hbm>>) target_semaphore(%run_scoped3A_207 : memref<!tpu.dma_semaphore, #tpu.memory_space<semaphore_mem>>)
      %dma_wait3A = arith.constant 0 : i32
      %dma_wait3A_213 = tpu.memref_slice %arg6[%arg0, %add3A_206, %dma_wait3A] : memref<2x10240x16xf32, #tpu.memory_space<hbm>> -> memref<1x128x16xf32, #tpu.memory_space<hbm>>
      %dma_wait3A_214 = tpu.memref_squeeze %dma_wait3A_213 : memref<1x128x16xf32, #tpu.memory_space<hbm>> -> memref<128x16xf32, #tpu.memory_space<hbm>>
      %dma_wait3A_215 = arith.constant 0 : i32
      %dma_wait3A_216 = tpu.memref_slice %arg15[%add3A_206, %dma_wait3A_215] : memref<10240x16xf32, #tpu.memory_space<vmem_shared>> -> memref<128x16xf32, #tpu.memory_space<vmem_shared>>
      tpu.wait_dma2 semaphore(%run_scoped3A_207 : memref<!tpu.dma_semaphore, #tpu.memory_space<semaphore_mem>>) src(%dma_wait3A_216 : memref<128x16xf32, #tpu.memory_space<vmem_shared>>) dst(%dma_wait3A_214 : memref<128x16xf32, #tpu.memory_space<hbm>>)
      tpu.yield
    }) : () -> ()
    "tpu.region"() ({
      %run_scoped3A_207 = tpu.sem_alloc : memref<!tpu.dma_semaphore, #tpu.memory_space<semaphore_mem>>
      %dma_start3A_208 = arith.constant 0 : i32
      %dma_start3A_209 = tpu.memref_slice %arg7[%arg0, %add3A_206, %dma_start3A_208] : memref<2x10240x128xf32, #tpu.memory_space<hbm>> -> memref<1x128x128xf32, #tpu.memory_space<hbm>>
      %dma_start3A_210 = tpu.memref_squeeze %dma_start3A_209 : memref<1x128x128xf32, #tpu.memory_space<hbm>> -> memref<128x128xf32, #tpu.memory_space<hbm>>
      %dma_start3A_211 = arith.constant 0 : i32
      %dma_start3A_212 = tpu.memref_slice %arg16[%add3A_206, %dma_start3A_211] : memref<10240x128xf32, #tpu.memory_space<vmem_shared>> -> memref<128x128xf32, #tpu.memory_space<vmem_shared>>
      tpu.enqueue_dma source(%dma_start3A_212 : memref<128x128xf32, #tpu.memory_space<vmem_shared>>) target(%dma_start3A_210 : memref<128x128xf32, #tpu.memory_space<hbm>>) target_semaphore(%run_scoped3A_207 : memref<!tpu.dma_semaphore, #tpu.memory_space<semaphore_mem>>)
      %dma_wait3A = arith.constant 0 : i32
      %dma_wait3A_213 = tpu.memref_slice %arg7[%arg0, %add3A_206, %dma_wait3A] : memref<2x10240x128xf32, #tpu.memory_space<hbm>> -> memref<1x128x128xf32, #tpu.memory_space<hbm>>
      %dma_wait3A_214 = tpu.memref_squeeze %dma_wait3A_213 : memref<1x128x128xf32, #tpu.memory_space<hbm>> -> memref<128x128xf32, #tpu.memory_space<hbm>>
      %dma_wait3A_215 = arith.constant 0 : i32
      %dma_wait3A_216 = tpu.memref_slice %arg16[%add3A_206, %dma_wait3A_215] : memref<10240x128xf32, #tpu.memory_space<vmem_shared>> -> memref<128x128xf32, #tpu.memory_space<vmem_shared>>
      tpu.wait_dma2 semaphore(%run_scoped3A_207 : memref<!tpu.dma_semaphore, #tpu.memory_space<semaphore_mem>>) src(%dma_wait3A_216 : memref<128x128xf32, #tpu.memory_space<vmem_shared>>) dst(%dma_wait3A_214 : memref<128x128xf32, #tpu.memory_space<hbm>>)
      tpu.yield
    }) : () -> ()
    return
  }
}

module attributes {stable_mosaic.version = 14 : i64} {
  func.func @_k1_body(%arg0: memref<10240x128xf32, #tpu.memory_space<vmem>>, %arg1: memref<128x128xf32, #tpu.memory_space<vmem>>, %arg2: memref<128x16xf32, #tpu.memory_space<vmem>>, %arg3: memref<128x16xf32, #tpu.memory_space<vmem>>, %arg4: memref<10240x128xf32, #tpu.memory_space<vmem>>, %arg5: memref<10240x16xf32, #tpu.memory_space<vmem>>, %arg6: memref<10240x16xf32, #tpu.memory_space<vmem>>) attributes {dimension_semantics = [], scalar_prefetch = 0 : i64, scratch_operands = 0 : i64, tpu.core_type = #tpu.core_type<tc>} {
    %get3A = arith.constant 0 : index
    %get3A_0 = arith.constant 0 : index
    %get3A_1 = vector.load %arg0[%get3A, %get3A_0] : memref<10240x128xf32, #tpu.memory_space<vmem>>, vector<10240x128xf32>
    %get3A_2 = arith.constant 0 : index
    %get3A_3 = arith.constant 0 : index
    %get3A_4 = vector.load %arg1[%get3A_2, %get3A_3] : memref<128x128xf32, #tpu.memory_space<vmem>>, vector<128x128xf32>
    %dot_general3A = arith.constant dense<0.000000e+00> : vector<10240x128xf32>
    %dot_general3A_5 = tpu.matmul %get3A_1, %get3A_4, %dot_general3A {dimension_numbers = #tpu.dot_dimension_numbers<[1], [0], [0], [1], [0, 0, 1, 1], [], []>, transpose_lhs_hint = false} : vector<10240x128xf32>, vector<128x128xf32>, vector<10240x128xf32> -> vector<10240x128xf32>
    %swap3A = arith.constant 0 : index
    %swap3A_6 = arith.constant 0 : index
    %swap3A_7 = vector.load %arg4[%swap3A, %swap3A_6] : memref<10240x128xf32, #tpu.memory_space<vmem>>, vector<10240x128xf32>
    tpu.vector_store %arg4[%swap3A, %swap3A_6], %dot_general3A_5 {strides = array<i32>} : memref<10240x128xf32, #tpu.memory_space<vmem>>, vector<10240x128xf32>,
    %get3A_8 = arith.constant 0 : index
    %get3A_9 = arith.constant 0 : index
    %get3A_10 = vector.load %arg2[%get3A_8, %get3A_9] : memref<128x16xf32, #tpu.memory_space<vmem>>, vector<128x16xf32>
    %dot_general3A_11 = arith.constant dense<0.000000e+00> : vector<10240x16xf32>
    %dot_general3A_12 = tpu.matmul %dot_general3A_5, %get3A_10, %dot_general3A_11 {dimension_numbers = #tpu.dot_dimension_numbers<[1], [0], [0], [1], [0, 0, 1, 1], [], []>, transpose_lhs_hint = false} : vector<10240x128xf32>, vector<128x16xf32>, vector<10240x16xf32> -> vector<10240x16xf32>
    %swap3A_13 = arith.constant 0 : index
    %swap3A_14 = arith.constant 0 : index
    %swap3A_15 = vector.load %arg5[%swap3A_13, %swap3A_14] : memref<10240x16xf32, #tpu.memory_space<vmem>>, vector<10240x16xf32>
    tpu.vector_store %arg5[%swap3A_13, %swap3A_14], %dot_general3A_12 {strides = array<i32>} : memref<10240x16xf32, #tpu.memory_space<vmem>>, vector<10240x16xf32>,
    %get3A_16 = arith.constant 0 : index
    %get3A_17 = arith.constant 0 : index
    %get3A_18 = vector.load %arg3[%get3A_16, %get3A_17] : memref<128x16xf32, #tpu.memory_space<vmem>>, vector<128x16xf32>
    %dot_general3A_19 = arith.constant dense<0.000000e+00> : vector<10240x16xf32>
    %dot_general3A_20 = tpu.matmul %dot_general3A_5, %get3A_18, %dot_general3A_19 {dimension_numbers = #tpu.dot_dimension_numbers<[1], [0], [0], [1], [0, 0, 1, 1], [], []>, transpose_lhs_hint = false} : vector<10240x128xf32>, vector<128x16xf32>, vector<10240x16xf32> -> vector<10240x16xf32>
    %swap3A_21 = arith.constant 0 : index
    %swap3A_22 = arith.constant 0 : index
    %swap3A_23 = vector.load %arg6[%swap3A_21, %swap3A_22] : memref<10240x16xf32, #tpu.memory_space<vmem>>, vector<10240x16xf32>
    tpu.vector_store %arg6[%swap3A_21, %swap3A_22], %dot_general3A_20 {strides = array<i32>} : memref<10240x16xf32, #tpu.memory_space<vmem>>, vector<10240x16xf32>,
    return
  }
}

module attributes {stable_mosaic.version = 14 : i64} {
  func.func @_k3_body(%arg0: memref<2x10240x128xf32, #tpu.memory_space<vmem>>, %arg1: memref<2x10240x16xf32, #tpu.memory_space<vmem>>, %arg2: memref<16x128xf32, #tpu.memory_space<vmem>>, %arg3: memref<10240x128xf32, #tpu.memory_space<vmem>>, %arg4: memref<128xf32, #tpu.memory_space<vmem>>, %arg5: memref<128xf32, #tpu.memory_space<vmem>>, %arg6: memref<10240x128xf32, #tpu.memory_space<vmem>>) attributes {dimension_semantics = [], scalar_prefetch = 0 : i64, scratch_operands = 0 : i64, tpu.core_type = #tpu.core_type<tc>} {
    %get3A = arith.constant 0 : index
    %get3A_0 = arith.constant 0 : index
    %get3A_1 = arith.constant 0 : index
    %get3A_2 = vector.load %arg1[%get3A, %get3A_0, %get3A_1] : memref<2x10240x16xf32, #tpu.memory_space<vmem>>, vector<1x10240x16xf32>
    %get3A_3 = vector.shape_cast %get3A_2 : vector<1x10240x16xf32> to vector<10240x16xf32>
    %get3A_4 = arith.constant 1 : index
    %get3A_5 = arith.constant 0 : index
    %get3A_6 = arith.constant 0 : index
    %get3A_7 = vector.load %arg1[%get3A_4, %get3A_5, %get3A_6] : memref<2x10240x16xf32, #tpu.memory_space<vmem>>, vector<1x10240x16xf32>
    %get3A_8 = vector.shape_cast %get3A_7 : vector<1x10240x16xf32> to vector<10240x16xf32>
    %add3A = arith.addf %get3A_3, %get3A_8 : vector<10240x16xf32>
    %add3A_9 = arith.constant 1.000000e-16 : f32
    %add3A_10 = vector.broadcast %add3A_9 : f32 to vector<10240x16xf32>
    %add3A_11 = arith.addf %add3A, %add3A_10 : vector<10240x16xf32>
    %get3A_12 = arith.constant 0 : index
    %get3A_13 = arith.constant 0 : index
    %get3A_14 = vector.load %arg2[%get3A_12, %get3A_13] : memref<16x128xf32, #tpu.memory_space<vmem>>, vector<16x128xf32>
    %dot_general3A = arith.constant dense<0.000000e+00> : vector<10240x128xf32>
    %dot_general3A_15 = tpu.matmul %add3A_11, %get3A_14, %dot_general3A {dimension_numbers = #tpu.dot_dimension_numbers<[1], [0], [0], [1], [0, 0, 1, 1], [], []>, transpose_lhs_hint = false} : vector<10240x16xf32>, vector<16x128xf32>, vector<10240x128xf32> -> vector<10240x128xf32>
    %get3A_16 = arith.constant 0 : index
    %get3A_17 = arith.constant 0 : index
    %get3A_18 = arith.constant 0 : index
    %get3A_19 = vector.load %arg0[%get3A_16, %get3A_17, %get3A_18] : memref<2x10240x128xf32, #tpu.memory_space<vmem>>, vector<1x10240x128xf32>
    %get3A_20 = vector.shape_cast %get3A_19 : vector<1x10240x128xf32> to vector<10240x128xf32>
    %get3A_21 = arith.constant 1 : index
    %get3A_22 = arith.constant 0 : index
    %get3A_23 = arith.constant 0 : index
    %get3A_24 = vector.load %arg0[%get3A_21, %get3A_22, %get3A_23] : memref<2x10240x128xf32, #tpu.memory_space<vmem>>, vector<1x10240x128xf32>
    %get3A_25 = vector.shape_cast %get3A_24 : vector<1x10240x128xf32> to vector<10240x128xf32>
    %add3A_26 = arith.addf %get3A_20, %get3A_25 : vector<10240x128xf32>
    %div3A = arith.divf %add3A_26, %dot_general3A_15 : vector<10240x128xf32>
    %reduce_sum3A = arith.constant dense<0.000000e+00> : vector<10240xf32>
    %reduce_sum3A_27 = vector.multi_reduction <add>, %div3A, %reduce_sum3A [1] : vector<10240x128xf32> to vector<10240xf32>
    %broadcast_in_dim3A = vector.shape_cast %reduce_sum3A_27 : vector<10240xf32> to vector<10240x1xf32>
    %div3A_28 = arith.constant 1.280000e+02 : f32
    %div3A_29 = vector.broadcast %div3A_28 : f32 to vector<10240x1xf32>
    %div3A_30 = arith.divf %broadcast_in_dim3A, %div3A_29 : vector<10240x1xf32>
    %sub3A = vector.broadcast %div3A_30 : vector<10240x1xf32> to vector<10240x128xf32>
    %sub3A_31 = arith.subf %div3A, %sub3A : vector<10240x128xf32>
    %mul3A = arith.mulf %sub3A_31, %sub3A_31 : vector<10240x128xf32>
    %reduce_sum3A_32 = arith.constant dense<0.000000e+00> : vector<10240xf32>
    %reduce_sum3A_33 = vector.multi_reduction <add>, %mul3A, %reduce_sum3A_32 [1] : vector<10240x128xf32> to vector<10240xf32>
    %broadcast_in_dim3A_34 = vector.shape_cast %reduce_sum3A_33 : vector<10240xf32> to vector<10240x1xf32>
    %div3A_35 = arith.constant 1.280000e+02 : f32
    %div3A_36 = vector.broadcast %div3A_35 : f32 to vector<10240x1xf32>
    %div3A_37 = arith.divf %broadcast_in_dim3A_34, %div3A_36 : vector<10240x1xf32>
    %add3A_38 = arith.constant 9.99999974E-6 : f32
    %add3A_39 = vector.broadcast %add3A_38 : f32 to vector<10240x1xf32>
    %add3A_40 = arith.addf %div3A_37, %add3A_39 : vector<10240x1xf32>
    %rsqrt3A = math.rsqrt %add3A_40 : vector<10240x1xf32>
    %mul3A_41 = vector.broadcast %rsqrt3A : vector<10240x1xf32> to vector<10240x128xf32>
    %mul3A_42 = arith.mulf %sub3A_31, %mul3A_41 : vector<10240x128xf32>
    %get3A_43 = arith.constant 0 : index
    %get3A_44 = vector.load %arg4[%get3A_43] : memref<128xf32, #tpu.memory_space<vmem>>, vector<128xf32>
    %broadcast_in_dim3A_45 = vector.shape_cast %get3A_44 : vector<128xf32> to vector<1x128xf32>
    %mul3A_46 = vector.broadcast %broadcast_in_dim3A_45 : vector<1x128xf32> to vector<10240x128xf32>
    %mul3A_47 = arith.mulf %mul3A_42, %mul3A_46 : vector<10240x128xf32>
    %get3A_48 = arith.constant 0 : index
    %get3A_49 = vector.load %arg5[%get3A_48] : memref<128xf32, #tpu.memory_space<vmem>>, vector<128xf32>
    %broadcast_in_dim3A_50 = vector.shape_cast %get3A_49 : vector<128xf32> to vector<1x128xf32>
    %add3A_51 = vector.broadcast %broadcast_in_dim3A_50 : vector<1x128xf32> to vector<10240x128xf32>
    %add3A_52 = arith.addf %mul3A_47, %add3A_51 : vector<10240x128xf32>
    %gt3A = arith.constant 0.000000e+00 : f32
    %gt3A_53 = vector.broadcast %gt3A : f32 to vector<10240x128xf32>
    %gt3A_54 = arith.cmpf ogt, %add3A_52, %gt3A_53 : vector<10240x128xf32>
    %min3A = arith.constant 0.000000e+00 : f32
    %min3A_55 = vector.broadcast %min3A : f32 to vector<10240x128xf32>
    %min3A_56 = arith.minimumf %add3A_52, %min3A_55 : vector<10240x128xf32>
    %exp3A = math.exp %min3A_56 : vector<10240x128xf32>
    %sub3A_57 = arith.constant 1.000000e+00 : f32
    %sub3A_58 = vector.broadcast %sub3A_57 : f32 to vector<10240x128xf32>
    %sub3A_59 = arith.subf %exp3A, %sub3A_58 : vector<10240x128xf32>
    %select_n3A = arith.select %gt3A_54, %add3A_52, %sub3A_59 : vector<10240x128xi1>, vector<10240x128xf32>
    %get3A_60 = arith.constant 0 : index
    %get3A_61 = arith.constant 0 : index
    %get3A_62 = vector.load %arg3[%get3A_60, %get3A_61] : memref<10240x128xf32, #tpu.memory_space<vmem>>, vector<10240x128xf32>
    %add3A_63 = arith.addf %select_n3A, %get3A_62 : vector<10240x128xf32>
    %swap3A = arith.constant 0 : index
    %swap3A_64 = arith.constant 0 : index
    %swap3A_65 = vector.load %arg6[%swap3A, %swap3A_64] : memref<10240x128xf32, #tpu.memory_space<vmem>>, vector<10240x128xf32>
    tpu.vector_store %arg6[%swap3A, %swap3A_64], %add3A_63 {strides = array<i32>} : memref<10240x128xf32, #tpu.memory_space<vmem>>, vector<10240x128xf32>,
    return
  }
}

</mosaic_0001>

<sc_bundles>
// kernel: kernel.5.cloned.1.call-start
scs
__scs_entry_jumppad:
0x0: {  	(pc) =	sbr.rel $0x88, $3  }
0x1: {  	(tag) =	ssettag $0x0;
	lr =	simm.s32 $0x1  }
0x2: {  	[smem:$0x3F9B] =	sst lr;
	_ =	strace $0xD0000000  }
0x3: {  	_ = 	snop  }
0x4: {  	_ = 	snop  }
0x5: {  	_ = 	snop  }
0x6: {  	_ = 	snop  }
0x7: {  	_ = 	snop  }
__scs_overlays_trampoline_lowered:
0x8: {  	[smem:$0x3FAA] =	sst s0  }
0x9: {  	[smem:$0x3FAB] =	sst s1  }
0xa: {  	[smem:$0x3FAC] =	sst s2  }
0xb: {  	[smem:$0x3FAD] =	sst s3  }
0xc: {  	[smem:$0x3FAE] =	sst s4  }
0xd: {  	[smem:$0x3FAF] =	sst s5  }
0xe: {  	[smem:$0x3FB0] =	sst s6  }
0xf: {  	[smem:$0x3FB1] =	sst s7  }
0x10: {  	[smem:$0x3FB2] =	sst s8  }
0x11: {  	[smem:$0x3FB3] =	sst s9;
	s0 =	simm.s32 @!p0 $0x0  }
0x12: {  	s1 =	sld [smem:$0x3F99];
	s0 =	simm.s32 @p0 $0x1  }
0x13: {  	[smem:$0x3FB4] =	sst s0;
	s0 =	simm.s32 @!p1 $0x0  }
0x14: {  	s2 =	sld [smem:$0x3F98];
	s0 =	simm.s32 @p1 $0x1  }
0x15: {  	[smem:$0x3FB5] =	sst s0;
	s0 =	simm.s32 @!p2 $0x0  }
0x16: {  	s3 =	sld [smem:$0x3FDB];
	s0 =	simm.s32 @p2 $0x1  }
0x17: {  	s4 =	simm.s32 $0x1BF5;
	[smem:$0x3FB7] =	sst s0  }
0x18: {  	s0 =	sld [smem:$0x3F9A];
	_ =	swait.ge [sflag:s4], $0x0  }
0x19: {  	s7 =	sld [smem:$0x3F9B]  }
0x1a: {  	s8 =	sadd.s32 $0xFFFFE003, lr  }
0x1b: {  	s9 =	sadd.s32 $0xFFFFFEF7, lr;
	s5 =	simm.s32 $0xFFFFFFFF;
	p2 =	slt.u32 s8, $0xFFFFF086  }
0x1c: {  	p1 =	slt.u32 s9, $0xF7A;
	s5 =	simm.s32 @!p2 $0x0  }
0x1d: {  	s5 =	simm.s32 @p1 $0x1;
	p0 =	seq.s32 s7, s2  }
0x1e: {  	s7 =	smul.u32 @!p0 $0xF7A, s2;
	p2 =	seq.s32 @!p0 s5, $0x0  }
0x1f: {  	s9 =	smul.u32 $0xF7A, s1;
	s8 =	simm.s32 @!p0 $0x1BF5;
	p2 =	por !p2, p0  }
0x20: {  	[sflag:s8] =	ssyncset.s32 @!p0 $0xFFFFF086;
	s6 =	sadd.s32 @!p0 s3, s7;
	s7 =	simm.s32 @!p0 $0x108  }
0x21: {  	s3 =	sadd.s32 s3, s9;
	s6 =	sadd.s32 @!p0 $0x88, s6;
	s7 =	simm.s32 @p2 $0x1082  }
0x22: {  	[simem:s7], [sflag:s8] =	dma.local @!p0 [hbm:s6], $0xF7A  }
0x23: {  	s9 =	sor.u32 $0xD0000000, s2;
	s6 =	simm.s32 $0x108;
	_ =	swait.ge @!p0 [sflag:s8], $0x0  }
0x24: {  	s3 =	sadd.s32 $0x88, s3;
	s6 =	simm.s32 @!p1 $0x1082;
	[sflag:s4] =	ssyncset.s32 $0xFFFFF086  }
0x25: {  	[simem:s6], [sflag:s4] =	dma.local [hbm:s3], $0xF7A  }
0x26: {  	[smem:$0x3F9B] =	sst s1;
	(tag) =	ssettag s2;
	_ =	strace s9  }
0x27: {  	s1 =	sld [smem:$0x3FAB]  }
0x28: {  	s2 =	sld [smem:$0x3FAC]  }
0x29: {  	s4 =	sld [smem:$0x3FAE]  }
0x2a: {  	p0 =	seq.s32 s5, $0x0;
	s5 =	sld [smem:$0x3FAF]  }
0x2b: {  	s6 =	sld [smem:$0x3FB0]  }
0x2c: {  	s7 =	sld [smem:$0x3FB1]  }
0x2d: {  	s3 =	simm.s32 $0x108;
	s8 =	sld [smem:$0x3FB2]  }
0x2e: {  	s3 =	simm.s32 @!p0 $0x1082;
	s9 =	sld [smem:$0x3FB3]  }
0x2f: {  	lr =	sadd.s32 s0, s3;
	s0 =	sld [smem:$0x3FAA]  }
0x30: {  	s3 =	sld [smem:$0x3FAD]  }
0x31: {  	[smem:$0x3FB6] =	sst s10  }
0x32: {  	s10 =	sld [smem:$0x3FB4];
	_ =	sdelay $0x3  }
0x33: {  	p0 =	seq.s32 s10, $0x1;
	s10 =	sld [smem:$0x3FB6];
	_ =	sdelay $0x3  }
0x34: {  	[smem:$0x3FB6] =	sst s10  }
0x35: {  	s10 =	sld [smem:$0x3FB5];
	_ =	sdelay $0x3  }
0x36: {  	p1 =	seq.s32 s10, $0x1;
	s10 =	sld [smem:$0x3FB6];
	_ =	sdelay $0x3  }
0x37: {  	[smem:$0x3FB6] =	sst s10  }
0x38: {  	s10 =	sld [smem:$0x3FB7]  }
0x39: {  	_ = 	snop;
	(pc) =	sbr.ind lr, $3  }
0x3a: {  	_ = 	snop  }
0x3b: {  	_ = 	snop  }
0x3c: {  	p2 =	seq.s32 s10, $0x1;
	s10 =	sld [smem:$0x3FB6]  }
0x3d: {  	_ =	shalt  }
0x3e: {  	_ =	shalt  }
0x3f: {  	_ =	shalt  }
0x40: {  	_ =	shalt  }
0x41: {  	_ =	shalt  }
0x42: {  	_ =	shalt  }
0x43: {  	_ =	shalt  }
0x44: {  	_ =	shalt  }
0x45: {  	_ =	shalt  }
0x46: {  	_ =	shalt  }
0x47: {  	_ =	shalt  }
0x48: {  	_ =	shalt  }
0x49: {  	_ =	shalt  }
0x4a: {  	_ =	shalt  }
0x4b: {  	_ =	shalt  }
0x4c: {  	_ =	shalt  }
0x4d: {  	_ =	shalt  }
0x4e: {  	_ =	shalt  }
0x4f: {  	_ =	shalt  }
0x50: {  	_ =	shalt  }
0x51: {  	_ =	shalt  }
0x52: {  	_ =	shalt  }
0x53: {  	_ =	shalt  }
0x54: {  	_ =	shalt  }
0x55: {  	_ =	shalt  }
0x56: {  	_ =	shalt  }
0x57: {  	_ =	shalt  }
0x58: {  	_ =	shalt  }
0x59: {  	_ =	shalt  }
0x5a: {  	_ =	shalt  }
0x5b: {  	_ =	shalt  }
0x5c: {  	_ =	shalt  }
0x5d: {  	_ =	shalt  }
0x5e: {  	_ =	shalt  }
0x5f: {  	_ =	shalt  }
0x60: {  	_ =	shalt  }
0x61: {  	_ =	shalt  }
0x62: {  	_ =	shalt  }
0x63: {  	_ =	shalt  }
0x64: {  	_ =	shalt  }
0x65: {  	_ =	shalt  }
0x66: {  	_ =	shalt  }
0x67: {  	_ =	shalt  }
0x68: {  	_ =	shalt  }
0x69: {  	_ =	shalt  }
0x6a: {  	_ =	shalt  }
0x6b: {  	_ =	shalt  }
0x6c: {  	_ =	shalt  }
0x6d: {  	_ =	shalt  }
0x6e: {  	_ =	shalt  }
0x6f: {  	_ =	shalt  }
0x70: {  	_ =	shalt  }
0x71: {  	_ =	shalt  }
0x72: {  	_ =	shalt  }
0x73: {  	_ =	shalt  }
0x74: {  	_ =	shalt  }
0x75: {  	_ =	shalt  }
0x76: {  	_ =	shalt  }
0x77: {  	_ =	shalt  }
0x78: {  	_ =	shalt  }
0x79: {  	_ =	shalt  }
0x7a: {  	_ =	shalt  }
0x7b: {  	_ =	shalt  }
0x7c: {  	_ =	shalt  }
0x7d: {  	_ =	shalt  }
0x7e: {  	_ =	shalt  }
0x7f: {  	_ =	shalt  }
0x80: {  	_ =	shalt  }
0x81: {  	_ =	shalt  }
0x82: {  	_ =	shalt  }
0x83: {  	_ =	shalt  }
0x84: {  	_ =	shalt  }
0x85: {  	_ =	shalt  }
0x86: {  	_ =	shalt  }
0x87: {  	_ =	shalt  }
.Lfunc_end0:
.L_simem_size_0:
called_computation_lowered:
.L_overlay_start_0:
0x88: {  	s2 =	sld [smem:$0x3FD9]  }
0x89: {  	s3 =	sld [smem:$0x3FFE];
	_ =	sdelay $0x1  }
0x8a: {  	s1 =	srdreg.scid  }
0x8b: {  	s0 =	sand.u32 $0x1, s1  }
0x8c: {  	s17 =	sshll.u32 s0, $0xA;
	s2 =	sadd.s32 s3, s2  }
0x8d: {  	s2 =	sadd.s32 s2, s17  }
0x8e: {  	[smem:$0x3FC2] =	sst s2  }
0x8f: {  	_ = 	snop  }
0x90: {  	s2 =	sld [smem:$0x3FD0];
	(tm) =	ssettm $0x1  }
0x91: {  	s18 =	sld [smem:$0x3FFB];
	_ =	sdelay $0x3  }
0x92: {  	_ =	strace s18  }
0x93: {  	s3 =	sld [smem:$0x3FFC];
	_ =	sdelay $0x3  }
0x94: {  	_ =	strace s3  }
0x95: {  	s3 =	sld [smem:$0x3FFD];
	_ =	sdelay $0x3  }
0x96: {  	_ =	strace s3  }
0x97: {  	_ =	strace $0x8FFFFFFF  }
0x98: {  	s19 =	sld [smem:$0x3FDB];
	_ =	sdelay $0x1  }
0x99: {  	s4 =	simm.s32 $_scs_section_size  }
0x9a: {  	s5 =	simm.s32 $_size__tile_overlayer_lowered;
	s6 =	simm.s32 $_tile_overlayer_lowered  }
0x9b: {  	s22 =	simm.s32 $0x1BFF;
	s21 =	sshll.u32 s6, $0x1;
	s3 =	sadd.s32 s4, s19  }
0x9c: {  	s7 =	simm.s32 $0x0;
	s20 =	sshll.u32 s5, $0x1;
	s5 =	sadd.s32 s21, s3  }
0x9d: {  	[timem:s7], [sflag:s22] =	dma.local [hbm:s5], s20  }
0x9e: {  	_ =	swait.ge [sflag:s22], s20  }
0x9f: {  	s4 =	ssub.s32 $0x0, s20;
	[sflag:s22] =	ssyncset.done $0x0  }
0xa0: {  	[sflag:s22] =	ssyncadd.s32 s4;
	_ =	sdelay $0x1  }
0xa1: {  	s23 =	simm.s32 $0x1B8B  }
0xa2: {  	_ =	swait.ge [sflag:s23], $0x1  }
0xa3: {  	[sflag:s23] =	ssyncset.done $0x0  }
0xa4: {  	s25 =	simm.s32 $0x1B8E;
	s24 =	sld [smem:$0x3FFE];
	[sflag:s23] =	ssyncadd.s32 $0xFFFFFFFF  }
0xa5: {  	s26 =	simm.s32 $execute0_lowered;
	[smem:$0x3FD2] =	sst s25  }
0xa6: {  	s5 =	sshll.u32 s26, $0x1;
	_ =	strace $0x80000046;
	[dreg:$0x1] =	wrdreg $0xFFFFFFFF  }
0xa7: {  	s28 =	simm.s32 $_size_execute0_lowered;
	s3 =	sadd.s32 s3, s5;
	[dreg:$0x0] =	wrdreg $0x0  }
0xa8: {  	s5 =	sshll.u32 s28, $0x1;
	[dreg:$0x2] =	wrdreg s3  }
0xa9: {  	[dreg:$0x3] =	wrdreg s5  }
0xaa: {  	[dreg:$0x4] =	wrdreg $0xC0  }
0xab: {  	_ =	task [dreg:s7], $0x5FFFF  }
0xac: {  	[dreg:$0x1] =	wrdreg $0xFFFFFFFF  }
0xad: {  	[dreg:$0x0] =	wrdreg $0x60  }
0xae: {  	[dreg:$0x2] =	wrdreg s24  }
0xaf: {  	[dreg:$0x3] =	wrdreg s2  }
0xb0: {  	[dreg:$0x4] =	wrdreg $0x7A000  }
0xb1: {  	[dreg:$0x5] =	wrdreg $0x52000  }
0xb2: {  	[dreg:$0x6] =	wrdreg $0x9  }
0xb3: {  	_ =	task.clear_ibuf [dreg:s7], $0x7FFFF;
	_ =	strace $0x90000046  }
0xb4: {  	s29 =	simm.s32 $0x9;
	_ =	strace $0x80000048  }
0xb5: {  	_ =	swait.ge [sflag:s29], $0x1  }
0xb6: {  	[sflag:s29] =	ssyncadd.s32 $0xFFFFFFFF  }
0xb7: {  	_ =	strace $0x90000048  }
0xb8: {  	_ =	sfence  }
0xb9: {  	s30 =	sld [smem:$0x0];
	_ =	sdelay $0x2  }
0xba: {  	s31 =	sshll.u32 s1, $0xD;
	s1 =	sshrl.u32 s1, $0x2  }
0xbb: {  	s3 =	sand.u32 $0x4000, s31;
	s1 =	sadd.s32 s1, s30  }
0xbc: {  	s0 =	sor.u32 s3, s0;
	s1 =	sshll.u32 s1, $0x11  }
0xbd: {  	s0 =	sor.u32 s1, s0  }
0xbe: {  	s0 =	sadd.s32 $0x8F2B, s0  }
0xbf: {  	[sflag:s0] =	ssyncadd.remote.s32 $0x1  }
0xc0: {  	_ =	sfence.sel $0xFFFF  }
0xc1: {  	[dreg:$0x0] =	wrdreg $0xFFFFFFFF;
	(pc) =	sbr.abs _section_cstart, $3  }
0xc2: {  	[dreg:$0x1] =	wrdreg $0xFFFFFFFF  }
0xc3: {  	_ =	task.clear_ibuf [dreg:s7], $0x2FFFF;
	_ =	strace $0x9FFFFFFF  }
0xc4: {  	(tm) =	ssettm $0x7FFFFFFF  }
0xc5: {  	_ =	shalt  }
tec
execute0_lowered:
.L_overlay_start_1:
0x0: {  	(tag) =	ssettag $0x1  }
0x1: {  	s23 =	stileid.u32  }
0x2: {  	s7 =	rddreg [dreg:$0x0];
	s2 =	smul.u32 $0x280, s23  }
0x3: {  	s0 =	srdreg.scid;
	s1 =	simm.s32 $0x0;
	s15 =	smul.u32 $0x14000, s23  }
0x4: {  	s31 =	simm.s32 $0x1200;
	s11 =	sand.u32 $0x1, s0;
	s19 =	smul.u32 $0x2800, s23  }
0x5: {  	[smem:$0x7FF] =	sst s1;
	s10 =	sadd.s32 $0x33800, s7;
	s12 =	smul.u32 $0x28000, s11  }
0x6: {  	s14 =	sadd.s32 $0x3D800, s7;
	s0 =	ssub.s32 $0x2, s11;
	s13 =	smul.u32 $0x140000, s11  }
0x7: {  	s3 =	sshrl.u32 s0, $0x1;
	s16 =	sadd.s32 $0x80, s2;
	s4 =	sadd.s32 $0x100, s2  }
0x8: {  	s17 =	sadd.s32 $0x180, s2;
	s18 =	sadd.s32 $0x200, s2;
	s0 =	ssub.s32 s0, s3  }
0x9: {  	s20 =	sshll.u32 s16, $0x7;
	s21 =	sshll.u32 s16, $0x4;
	s8 =	sshll.u32 s4, $0x7  }
0xa: {  	s9 =	sshll.u32 s4, $0x4;
	s5 =	sshll.u32 s17, $0x7;
	s6 =	sshll.u32 s17, $0x4  }
0xb: {  	s4 =	sshll.u32 s18, $0x7;
	s3 =	sshll.u32 s18, $0x4;
	s16 =	sadd.s32 s19, s12  }
0xc: {  	s17 =	sadd.s32 s15, s13;
	s16 =	sshrl.u32 s16, $0x3;
	s18 =	sadd.s32 s12, s21  }
0xd: {  	s24 =	sadd.s32 s12, s9;
	s16 =	sadd.s32 s10, s16;
	s22 =	sshrl.u32 s18, $0x3  }
0xe: {  	s18 =	sshrl.u32 s24, $0x3;
	[dreg:$0x5] =	wrdreg s16;
	s16 =	sshrl.u32 s17, $0x3  }
0xf: {  	s17 =	sadd.s32 s10, s22;
	s22 =	sadd.s32 s12, s6;
	s12 =	sadd.s32 s12, s3  }
0x10: {  	s18 =	sadd.s32 s10, s18;
	[dreg:$0x6] =	wrdreg s17;
	s17 =	sadd.s32 s13, s20  }
0x11: {  	[dreg:$0x7] =	wrdreg s18;
	s25 =	sshrl.u32 s22, $0x3;
	s16 =	sadd.s32 s14, s16  }
0x12: {  	s12 =	sshrl.u32 s12, $0x3;
	s18 =	sadd.s32 s10, s25;
	[dreg:$0xa] =	wrdreg s16  }
0x13: {  	s10 =	sadd.s32 s10, s12;
	s17 =	sshrl.u32 s17, $0x3;
	[dreg:$0x8] =	wrdreg s18  }
0x14: {  	s26 =	sadd.s32 s13, s8;
	[dreg:$0x9] =	wrdreg s10;
	s12 =	sadd.s32 s14, s17  }
0x15: {  	s24 =	sshll.u32 s11, $0x4;
	s10 =	sshrl.u32 s26, $0x3;
	[dreg:$0xb] =	wrdreg s12  }
0x16: {  	s18 =	sadd.s32 s13, s5;
	s13 =	sadd.s32 s13, s4;
	s12 =	rddreg [dreg:$0x2]  }
0x17: {  	s10 =	sadd.s32 s14, s10;
	s22 =	sshrl.u32 s13, $0x3;
	s13 =	rddreg [dreg:$0x3]  }
0x18: {  	s25 =	sor.u32 $0x40, s2;
	s16 =	sshrl.u32 s18, $0x3;
	[dreg:$0xc] =	wrdreg s10  }
0x19: {  	s17 =	sadd.s32 $0x2E800, s7;
	s10 =	rddreg [dreg:$0x1];
	s16 =	sadd.s32 s14, s16  }
0x1a: {  	s26 =	sshll.u32 s25, $0x7;
	s14 =	sadd.s32 s14, s22;
	[dreg:$0xd] =	wrdreg s16  }
0x1b: {  	s11 =	sshll.u32 s25, $0x4;
	s18 =	sadd.s32 $0x1800, s7;
	[dreg:$0xe] =	wrdreg s14  }
0x1c: {  	s16 =	sadd.s32 $0x29800, s7;
	s7 =	sor.u32 s23, s24;
	s23 =	sadd.s32 s19, s13  }
0x1d: {  	s14 =	sadd.s32 s26, s12;
	_ =	strace $0x80000047;
	[dreg:$0x10] =	wrdreg s23  }
0x1e: {  	s30 =	simm.s32 $0xE00;
	s11 =	sadd.s32 s11, s13;
	[dreg:$0x11] =	wrdreg s14  }
0x1f: {  	s28 =	simm.s32 $0x140;
	s24 =	sadd.s32 s20, s12;
	[dreg:$0x12] =	wrdreg s11  }
0x20: {  	s29 =	simm.s32 $0x2;
	s8 =	sadd.s32 s8, s12;
	[dreg:$0x13] =	wrdreg s24  }
0x21: {  	s22 =	sadd.s32 s15, s12;
	s15 =	sadd.s32 s9, s13;
	[dreg:$0x17] =	wrdreg s8  }
0x22: {  	s0 =	smax.u32 s0, $0x1;
	s5 =	sadd.s32 s5, s12;
	[dreg:$0x18] =	wrdreg s15  }
0x23: {  	s25 =	sadd.s32 $0xC0, s2;
	s6 =	sadd.s32 s6, s13;
	[dreg:$0x1b] =	wrdreg s5  }
0x24: {  	s21 =	sadd.s32 s21, s13;
	s4 =	sadd.s32 s4, s12;
	[dreg:$0x1c] =	wrdreg s6  }
0x25: {  	s3 =	sadd.s32 s3, s13;
	s26 =	sshll.u32 s25, $0x7;
	[dreg:$0x1f] =	wrdreg s4  }
0x26: {  	s11 =	sshll.u32 s25, $0x4;
	s14 =	sadd.s32 s26, s12;
	[smem:$0x7F3] =	sst s3  }
0x27: {  	s23 =	sadd.s32 $0x1C0, s2;
	s26 =	smul.u32 $0xA0, s7;
	[smem:$0x7F9] =	sst s0  }
0x28: {  	s3 =	simm.s32 $0x200;
	s6 =	simm.s32 $0x80;
	[dreg:$0xf] =	wrdreg s22  }
0x29: {  	s0 =	simm.s32 $0x1C0;
	s4 =	simm.s32 $0x4;
	[dreg:$0x14] =	wrdreg s21  }
0x2a: {  	[dreg:$0x15] =	wrdreg s14;
	s11 =	sadd.s32 s11, s13;
	s14 =	sadd.s32 $0x140, s2  }
0x2b: {  	s24 =	sshll.u32 s23, $0x7;
	s25 =	sshll.u32 s23, $0x4;
	s2 =	sadd.s32 $0x240, s2  }
0x2c: {  	[dreg:$0x16] =	wrdreg s11;
	s19 =	sshll.u32 s14, $0x7;
	s5 =	sadd.s32 s24, s12  }
0x2d: {  	s20 =	sshll.u32 s14, $0x4;
	s23 =	sor.u32 $0x7, s26;
	[dreg:$0x1d] =	wrdreg s5  }
0x2e: {  	s9 =	sshll.u32 s2, $0x7;
	s8 =	sadd.s32 s19, s12;
	[smem:$0x7F8] =	sst s23  }
0x2f: {  	s2 =	sshll.u32 s2, $0x4;
	s5 =	sadd.s32 s25, s13;
	[dreg:$0x19] =	wrdreg s8  }
0x30: {  	s15 =	sor.u32 $0x6, s26;
	s11 =	sadd.s32 s9, s12;
	[dreg:$0x1e] =	wrdreg s5  }
0x31: {  	s2 =	sadd.s32 s2, s13;
	s19 =	sor.u32 $0x4, s26;
	[smem:$0x7F4] =	sst s11  }
0x32: {  	s23 =	simm.s32 $0x1;
	s8 =	sadd.s32 s20, s13;
	[smem:$0x7F5] =	sst s2  }
0x33: {  	s9 =	simm.s32 $0x0;
	[dreg:$0x1a] =	wrdreg s8;
	s8 =	smul.u32 $0xA00, s7  }
0x34: {  	[smem:$0x7F6] =	sst s19;
	s20 =	sor.u32 $0x5, s26;
	s2 =	simm.s32 $0x7  }
0x35: {  	s19 =	simm.s32 $0x100;
	[smem:$0x7F7] =	sst s20;
	s14 =	sadd.s32 s10, s8  }
.Ltmp0:
0x36: {  	s24 =	sadd.s32 $0x10, s14;
	[smem:$0x7FC] =	sst s14;
	(pc) =	sbr.rel .LBB2_1-.Ltmp0, $4  }
0x37: {  	s11 =	simm.s32 $0x6;
	s25 =	sadd.s32 $0x20, s14;
	[smem:$0x7FA] =	sst s24  }
0x38: {  	s7 =	simm.s32 $0x40;
	s26 =	sadd.s32 $0x30, s14;
	[smem:$0x7FB] =	sst s25  }
0x39: {  	s20 =	simm.s32 $0x180;
	s8 =	simm.s32 $0x3200;
	[smem:$0x7FD] =	sst s26  }
0x3a: {  	v0 =	vimm.f32 $0.0e+00;
	s25 =	simm.s32 $0x600;
	s26 =	simm.s32 $0xC0;
	s24 =	simm.s32 $0x5  }
.LBB2_14:
0x3b: {  	s5 =	stileid.u32;
	[bflag:$0x0] =	sbarrier.arrive $0xFFFF  }
0x3c: {  	s5 =	sshll.u32 s5, $0x6;
	s9 =	rddreg [dreg:$0x10]  }
0x3d: {  	s14 =	rddreg [dreg:$0x5];
	s5 =	sor.u32 $0x1C07, s5;
	s9 =	sshrl.u32 s9, $0x3  }
0x3e: {  	[hbm:s14], [sflag:s5] =	dma.local [spmem:s9], $0x100  }
0x3f: {  	_ =	swait.ge [sflag:s2], $0x100  }
0x40: {  	[sflag:s2] =	ssyncset.done $0x0;
	s22 =	rddreg [dreg:$0xf]  }
0x41: {  	s21 =	rddreg [dreg:$0xa];
	[sflag:s2] =	ssyncadd.s32 $0xFFFFFF00;
	s14 =	sshrl.u32 s22, $0x3  }
0x42: {  	[hbm:s21], [sflag:s5] =	dma.local [spmem:s14], $0x800  }
0x43: {  	_ =	swait.ge [sflag:s2], $0x800  }
0x44: {  	[sflag:s2] =	ssyncset.done $0x0;
	s21 =	rddreg [dreg:$0x14]  }
0x45: {  	s14 =	rddreg [dreg:$0x6];
	[sflag:s2] =	ssyncadd.s32 $0xFFFFF800;
	s9 =	sshrl.u32 s21, $0x3  }
0x46: {  	[hbm:s14], [sflag:s5] =	dma.local [spmem:s9], $0x100  }
0x47: {  	_ =	swait.ge [sflag:s2], $0x100  }
0x48: {  	[sflag:s2] =	ssyncset.done $0x0;
	s14 =	rddreg [dreg:$0x13]  }
0x49: {  	[sflag:s2] =	ssyncadd.s32 $0xFFFFFF00;
	s9 =	sshrl.u32 s14, $0x3;
	s14 =	rddreg [dreg:$0xb]  }
0x4a: {  	[hbm:s14], [sflag:s5] =	dma.local [spmem:s9], $0x800  }
0x4b: {  	_ =	swait.ge [sflag:s2], $0x800  }
0x4c: {  	[sflag:s2] =	ssyncset.done $0x0;
	s14 =	rddreg [dreg:$0x18]  }
0x4d: {  	[sflag:s2] =	ssyncadd.s32 $0xFFFFF800;
	s9 =	sshrl.u32 s14, $0x3;
	s14 =	rddreg [dreg:$0x7]  }
0x4e: {  	[hbm:s14], [sflag:s5] =	dma.local [spmem:s9], $0x100  }
0x4f: {  	_ =	swait.ge [sflag:s2], $0x100  }
0x50: {  	[sflag:s2] =	ssyncset.done $0x0;
	s14 =	rddreg [dreg:$0x17]  }
0x51: {  	[sflag:s2] =	ssyncadd.s32 $0xFFFFFF00;
	s9 =	sshrl.u32 s14, $0x3;
	s14 =	rddreg [dreg:$0xc]  }
0x52: {  	[hbm:s14], [sflag:s5] =	dma.local [spmem:s9], $0x800  }
0x53: {  	_ =	swait.ge [sflag:s2], $0x800  }
0x54: {  	[sflag:s2] =	ssyncset.done $0x0;
	s14 =	rddreg [dreg:$0x1c]  }
0x55: {  	[sflag:s2] =	ssyncadd.s32 $0xFFFFF800;
	s9 =	sshrl.u32 s14, $0x3;
	s14 =	rddreg [dreg:$0x8]  }
0x56: {  	[hbm:s14], [sflag:s5] =	dma.local [spmem:s9], $0x100  }
0x57: {  	_ =	swait.ge [sflag:s2], $0x100  }
0x58: {  	[sflag:s2] =	ssyncset.done $0x0;
	s14 =	rddreg [dreg:$0x1b]  }
0x59: {  	[sflag:s2] =	ssyncadd.s32 $0xFFFFFF00;
	s9 =	sshrl.u32 s14, $0x3;
	s14 =	rddreg [dreg:$0xd]  }
0x5a: {  	[hbm:s14], [sflag:s5] =	dma.local [spmem:s9], $0x800  }
0x5b: {  	_ =	swait.ge [sflag:s2], $0x800  }
0x5c: {  	s14 =	sld [smem:$0x7F3];
	_ =	sdelay $0x1  }
0x5d: {  	[sflag:s2] =	ssyncset.done $0x0  }
0x5e: {  	[sflag:s2] =	ssyncadd.s32 $0xFFFFF800;
	s9 =	sshrl.u32 s14, $0x3;
	s14 =	rddreg [dreg:$0x9]  }
0x5f: {  	[hbm:s14], [sflag:s5] =	dma.local [spmem:s9], $0x100  }
0x60: {  	_ =	swait.ge [sflag:s2], $0x100  }
0x61: {  	[sflag:s2] =	ssyncset.done $0x0;
	s14 =	rddreg [dreg:$0x1f]  }
0x62: {  	[sflag:s2] =	ssyncadd.s32 $0xFFFFFF00;
	s9 =	sshrl.u32 s14, $0x3;
	s14 =	rddreg [dreg:$0xe]  }
0x63: {  	[hbm:s14], [sflag:s5] =	dma.local [spmem:s9], $0x800  }
0x64: {  	_ =	swait.ge [sflag:s2], $0x800  }
0x65: {  	s5 =	sld [smem:$0x7F2]  }
0x66: {  	s14 =	sld [smem:$0x7F9];
	_ =	sdelay $0x1  }
0x67: {  	s9 =	sadd.s32 $0x1, s5  }
0x68: {  	p0 =	sne.s32 s9, s14  }
.Ltmp1:
0x69: {  	_ = 	snop;
	(pc) =	sbr.rel @!p0 .LBB2_15-.Ltmp1, $3  }
0x6a: {  	_ =	sdelay $0x1  }
0x6b: {  	[sflag:s2] =	ssyncset.done $0x0  }
0x6c: {  	[sflag:s2] =	ssyncadd.s32 $0xFFFFF800  }
.LBB2_1:
0x6d: {  	s5 =	simm.s32 $0x1240  }
0x6e: {  	[tilespmem:s5+$0xFFFFFFD0] =	vst v0  }
0x6f: {  	[tilespmem:s5+$0xFFFFFFE0] =	vst v0  }
0x70: {  	[tilespmem:s5+$0xFFFFFFF0] =	vst v0  }
0x71: {  	[tilespmem:s5+$0x0] =	vst v0  }
0x72: {  	[tilespmem:s5+$0x10] =	vst v0  }
0x73: {  	[tilespmem:s5+$0x20] =	vst v0  }
0x74: {  	[tilespmem:s5+$0x30] =	vst v0  }
0x75: {  	[smem:$0x7F2] =	sst s9;
	s14 =	simm.s32 $0x0;
	s9 =	simm.s32 $0x40;
	[tilespmem:s5+$0xFFFFFFC0] =	vst v0  }
.LBB2_2:
0x76: {  	p0 =	sne.s32 s9, $0xFC0;
	[tilespmem:s14+$0x200] =	vst v0;
	s5 =	sadd.s32 $0x80, s5  }
0x77: {  	[tilespmem:s5+$0xFFFFFFD0] =	vst v0  }
0x78: {  	[tilespmem:s5+$0xFFFFFFE0] =	vst v0  }
0x79: {  	[tilespmem:s5+$0xFFFFFFF0] =	vst v0  }
.Ltmp2:
0x7a: {  	[tilespmem:s5+$0x0] =	vst v0;
	(pc) =	sbr.rel @p0 .LBB2_2-.Ltmp2, $4  }
0x7b: {  	[tilespmem:s5+$0x10] =	vst v0  }
0x7c: {  	[tilespmem:s5+$0x20] =	vst v0  }
0x7d: {  	[tilespmem:s5+$0x30] =	vst v0  }
0x7e: {  	s14 =	sshra.s32 s9, $0x2;
	s9 =	sadd.s32 $0x40, s9;
	[tilespmem:s5+$0xFFFFFFC0] =	vst v0  }
0x7f: {  	[tilespmem:s14+$0x200] =	vst v0  }
0x80: {  	[spmem:s22] =	stream.linear.scatter [tilespmem:s31], [sflag:$0x7], $0x2000, $0x38;
	[tilespmem:$0x1BA00] =	vst v63  }
0x81: {  	_ =	swait.ge [sflag:s2], $0x2000  }
0x82: {  	[sflag:s2] =	ssyncset.done $0x0  }
0x83: {  	s5 =	rddreg [dreg:$0x10];
	[sflag:s2] =	ssyncadd.s32 $0xFFFFE000  }
0x84: {  	[spmem:s5] =	stream.linear.scatter [tilespmem:s3], [sflag:$0x7], $0x400, $0x38;
	[tilespmem:$0x1BA00] =	vst v63  }
0x85: {  	_ =	swait.ge [sflag:s2], $0x400  }
0x86: {  	[sflag:s2] =	ssyncset.done $0x0  }
0x87: {  	s14 =	rddreg [dreg:$0x11];
	[sflag:s2] =	ssyncadd.s32 $0xFFFFFC00  }
0x88: {  	[spmem:s14] =	stream.linear.scatter [tilespmem:s31], [sflag:$0x7], $0x2000, $0x38;
	[tilespmem:$0x1BA00] =	vst v63  }
0x89: {  	_ =	swait.ge [sflag:s2], $0x2000  }
0x8a: {  	[sflag:s2] =	ssyncset.done $0x0  }
0x8b: {  	s22 =	rddreg [dreg:$0x12];
	[sflag:s2] =	ssyncadd.s32 $0xFFFFE000  }
0x8c: {  	[spmem:s22] =	stream.linear.scatter [tilespmem:s3], [sflag:$0x7], $0x400, $0x38;
	[tilespmem:$0x1BA00] =	vst v63  }
0x8d: {  	_ =	swait.ge [sflag:s2], $0x400  }
0x8e: {  	[sflag:s2] =	ssyncset.done $0x0  }
0x8f: {  	s9 =	rddreg [dreg:$0x13];
	[sflag:s2] =	ssyncadd.s32 $0xFFFFFC00  }
0x90: {  	[spmem:s9] =	stream.linear.scatter [tilespmem:s31], [sflag:$0x7], $0x2000, $0x38;
	[tilespmem:$0x1BA00] =	vst v63  }
0x91: {  	_ =	swait.ge [sflag:s2], $0x2000  }
0x92: {  	[sflag:s2] =	ssyncset.done $0x0  }
0x93: {  	[sflag:s2] =	ssyncadd.s32 $0xFFFFE000  }
0x94: {  	[spmem:s21] =	stream.linear.scatter [tilespmem:s3], [sflag:$0x7], $0x400, $0x38;
	[tilespmem:$0x1BA00] =	vst v63  }
0x95: {  	_ =	swait.ge [sflag:s2], $0x400  }
0x96: {  	[sflag:s2] =	ssyncset.done $0x0  }
0x97: {  	s14 =	rddreg [dreg:$0x15];
	[sflag:s2] =	ssyncadd.s32 $0xFFFFFC00  }
0x98: {  	[spmem:s14] =	stream.linear.scatter [tilespmem:s31], [sflag:$0x7], $0x2000, $0x38;
	[tilespmem:$0x1BA00] =	vst v63  }
0x99: {  	_ =	swait.ge [sflag:s2], $0x2000  }
0x9a: {  	[sflag:s2] =	ssyncset.done $0x0  }
0x9b: {  	s21 =	rddreg [dreg:$0x16];
	[sflag:s2] =	ssyncadd.s32 $0xFFFFE000  }
0x9c: {  	[spmem:s21] =	stream.linear.scatter [tilespmem:s3], [sflag:$0x7], $0x400, $0x38;
	[tilespmem:$0x1BA00] =	vst v63  }
0x9d: {  	_ =	swait.ge [sflag:s2], $0x400  }
0x9e: {  	[sflag:s2] =	ssyncset.done $0x0  }
0x9f: {  	s22 =	rddreg [dreg:$0x17];
	[sflag:s2] =	ssyncadd.s32 $0xFFFFFC00  }
0xa0: {  	[spmem:s22] =	stream.linear.scatter [tilespmem:s31], [sflag:$0x7], $0x2000, $0x38;
	[tilespmem:$0x1BA00] =	vst v63  }
0xa1: {  	_ =	swait.ge [sflag:s2], $0x2000  }
0xa2: {  	[sflag:s2] =	ssyncset.done $0x0  }
0xa3: {  	s9 =	rddreg [dreg:$0x18];
	[sflag:s2] =	ssyncadd.s32 $0xFFFFE000  }
0xa4: {  	[spmem:s9] =	stream.linear.scatter [tilespmem:s3], [sflag:$0x7], $0x400, $0x38;
	[tilespmem:$0x1BA00] =	vst v63  }
0xa5: {  	_ =	swait.ge [sflag:s2], $0x400  }
0xa6: {  	[sflag:s2] =	ssyncset.done $0x0  }
0xa7: {  	s14 =	rddreg [dreg:$0x19];
	[sflag:s2] =	ssyncadd.s32 $0xFFFFFC00  }
0xa8: {  	[spmem:s14] =	stream.linear.scatter [tilespmem:s31], [sflag:$0x7], $0x2000, $0x38;
	[tilespmem:$0x1BA00] =	vst v63  }
0xa9: {  	_ =	swait.ge [sflag:s2], $0x2000  }
0xaa: {  	[sflag:s2] =	ssyncset.done $0x0  }
0xab: {  	s21 =	rddreg [dreg:$0x1a];
	[sflag:s2] =	ssyncadd.s32 $0xFFFFE000  }
0xac: {  	[spmem:s21] =	stream.linear.scatter [tilespmem:s3], [sflag:$0x7], $0x400, $0x38;
	[tilespmem:$0x1BA00] =	vst v63  }
0xad: {  	_ =	swait.ge [sflag:s2], $0x400  }
0xae: {  	[sflag:s2] =	ssyncset.done $0x0  }
0xaf: {  	s22 =	rddreg [dreg:$0x1b];
	[sflag:s2] =	ssyncadd.s32 $0xFFFFFC00  }
0xb0: {  	[spmem:s22] =	stream.linear.scatter [tilespmem:s31], [sflag:$0x7], $0x2000, $0x38;
	[tilespmem:$0x1BA00] =	vst v63  }
0xb1: {  	_ =	swait.ge [sflag:s2], $0x2000  }
0xb2: {  	[sflag:s2] =	ssyncset.done $0x0  }
0xb3: {  	s9 =	rddreg [dreg:$0x1c];
	[sflag:s2] =	ssyncadd.s32 $0xFFFFE000  }
0xb4: {  	[spmem:s9] =	stream.linear.scatter [tilespmem:s3], [sflag:$0x7], $0x400, $0x38;
	[tilespmem:$0x1BA00] =	vst v63  }
0xb5: {  	_ =	swait.ge [sflag:s2], $0x400  }
0xb6: {  	[sflag:s2] =	ssyncset.done $0x0  }
0xb7: {  	s14 =	rddreg [dreg:$0x1d];
	[sflag:s2] =	ssyncadd.s32 $0xFFFFFC00  }
0xb8: {  	[spmem:s14] =	stream.linear.scatter [tilespmem:s31], [sflag:$0x7], $0x2000, $0x38;
	[tilespmem:$0x1BA00] =	vst v63  }
0xb9: {  	_ =	swait.ge [sflag:s2], $0x2000  }
0xba: {  	[sflag:s2] =	ssyncset.done $0x0  }
0xbb: {  	s21 =	rddreg [dreg:$0x1e];
	[sflag:s2] =	ssyncadd.s32 $0xFFFFE000  }
0xbc: {  	[spmem:s21] =	stream.linear.scatter [tilespmem:s3], [sflag:$0x7], $0x400, $0x38;
	[tilespmem:$0x1BA00] =	vst v63  }
0xbd: {  	_ =	swait.ge [sflag:s2], $0x400  }
0xbe: {  	[sflag:s2] =	ssyncset.done $0x0  }
0xbf: {  	s22 =	rddreg [dreg:$0x1f];
	[sflag:s2] =	ssyncadd.s32 $0xFFFFFC00  }
0xc0: {  	[spmem:s22] =	stream.linear.scatter [tilespmem:s31], [sflag:$0x7], $0x2000, $0x38;
	[tilespmem:$0x1BA00] =	vst v63  }
0xc1: {  	_ =	swait.ge [sflag:s2], $0x2000  }
0xc2: {  	s9 =	sld [smem:$0x7F3]  }
0xc3: {  	[sflag:s2] =	ssyncset.done $0x0  }
0xc4: {  	[sflag:s2] =	ssyncadd.s32 $0xFFFFE000  }
0xc5: {  	[spmem:s9] =	stream.linear.scatter [tilespmem:s3], [sflag:$0x7], $0x400, $0x38;
	[tilespmem:$0x1BA00] =	vst v63  }
0xc6: {  	_ =	swait.ge [sflag:s2], $0x400  }
0xc7: {  	s14 =	sld [smem:$0x7F4]  }
0xc8: {  	[sflag:s2] =	ssyncset.done $0x0  }
0xc9: {  	[sflag:s2] =	ssyncadd.s32 $0xFFFFFC00  }
0xca: {  	[spmem:s14] =	stream.linear.scatter [tilespmem:s31], [sflag:$0x7], $0x2000, $0x38;
	[tilespmem:$0x1BA00] =	vst v63  }
0xcb: {  	_ =	swait.ge [sflag:s2], $0x2000  }
0xcc: {  	s21 =	sld [smem:$0x7F5]  }
0xcd: {  	[sflag:s2] =	ssyncset.done $0x0  }
0xce: {  	[sflag:s2] =	ssyncadd.s32 $0xFFFFE000  }
0xcf: {  	[spmem:s21] =	stream.linear.scatter [tilespmem:s3], [sflag:$0x7], $0x400, $0x38;
	[tilespmem:$0x1BA00] =	vst v63  }
0xd0: {  	_ =	swait.ge [sflag:s2], $0x400  }
0xd1: {  	[sflag:s2] =	ssyncset.done $0x0  }
0xd2: {  	[sflag:s2] =	ssyncadd.s32 $0xFFFFFC00  }
0xd3: {  	[bflag:$0x0] =	sbarrier.arrive $0xFFFF  }
0xd4: {  	s9 =	sld [smem:$0x7FC];
	_ =	sdelay $0x1  }
0xd5: {  	s5 =	simm.s32 $0x0  }
0xd6: {  	[tilespmem:s5], [sflag:$0x7] =	stream.linear.gather [hbm4b:s9+s5], $0x80, $0x38;
	[tilespmem:$0x1BA00] =	vst v63  }
0xd7: {  	_ =	swait.ge [sflag:s2], $0x80  }
0xd8: {  	s22 =	sld [smem:$0x7FA]  }
0xd9: {  	[sflag:s2] =	ssyncset.done $0x0  }
0xda: {  	[sflag:s2] =	ssyncadd.s32 $0xFFFFFF80  }
0xdb: {  	[tilespmem:s6], [sflag:$0x7] =	stream.linear.gather [hbm4b:s22+s5], $0x80, $0x38;
	[tilespmem:$0x1BA00] =	vst v63  }
0xdc: {  	_ =	swait.ge [sflag:s2], $0x80  }
0xdd: {  	[sflag:s2] =	ssyncset.done $0x0  }
0xde: {  	[sflag:s2] =	ssyncadd.s32 $0xFFFFFF80  }
0xdf: {  	[tilespmem:s3], [sflag:$0x1] =	stream.indirect.gather [hbm4b:s16+s7], $0x10, s5, s7, $0xb8;
	[tilespmem:$0x1BA00] =	vst v63  }
0xe0: {  	s14 =	simm.s32 $0xA00  }
0xe1: {  	[tilespmem:s14], [sflag:$0x1] =	stream.indirect.gather [hbm4b:s17+s7], $0x10, s7, s7, $0xb8;
	[tilespmem:$0x1BA00] =	vst v63  }
0xe2: {  	_ = 	snop  }
0xe3: {  	[tilespmem:s31], [sflag:$0x1] =	stream.indirect.gather [hbm4b:s18+s7], $0x80, s7, s7, $0xb8;
	[tilespmem:$0x1BA00] =	vst v63  }
0xe4: {  	_ = 	snop  }
0xe5: {  	[tilespmem:s25], [sflag:$0x2] =	stream.indirect.gather [hbm4b:s16+s7], $0x10, s6, s7, $0xb8;
	[tilespmem:$0x1BA00] =	vst v63  }
0xe6: {  	_ = 	snop  }
0xe7: {  	[tilespmem:s30], [sflag:$0x2] =	stream.indirect.gather [hbm4b:s17+s7], $0x10, s26, s7, $0xb8;
	[tilespmem:$0x1BA00] =	vst v63  }
0xe8: {  	s21 =	sld [smem:$0x7FB]  }
0xe9: {  	[tilespmem:s8], [sflag:$0x2] =	stream.indirect.gather [hbm4b:s18+s7], $0x80, s26, s7, $0xb8;
	[tilespmem:$0x1BA00] =	vst v63  }
0xea: {  	s22 =	sld [smem:$0x7FD]  }
0xeb: {  	[tilespmem:s19], [sflag:$0x5] =	stream.linear.gather [hbm4b:s21+s5], $0x80, $0x38;
	[tilespmem:$0x1BA00] =	vst v63  }
0xec: {  	_ = 	snop  }
0xed: {  	[tilespmem:s20], [sflag:$0x6] =	stream.linear.gather [hbm4b:s22+s5], $0x80, $0x38;
	[tilespmem:$0x1BA00] =	vst v63  }
.LBB2_4:
0xee: {  	_ =	swait.ge [sflag:s23], $0x400  }
0xef: {  	[sflag:s23] =	ssyncset.done $0x0  }
0xf0: {  	[sflag:s23] =	ssyncadd.s32 $0xFFFFFC00  }
0xf1: {  	_ =	swait.ge [sflag:s23], $0x400  }
0xf2: {  	[sflag:s23] =	ssyncset.done $0x0  }
0xf3: {  	[sflag:s23] =	ssyncadd.s32 $0xFFFFFC00  }
0xf4: {  	_ =	swait.ge [sflag:s23], $0x2000  }
0xf5: {  	[sflag:s23] =	ssyncset.done $0x0  }
0xf6: {  	s9 =	simm.s32 $0x0;
	[sflag:s23] =	ssyncadd.s32 $0xFFFFE000  }
0xf7: {  	v1 =	vld [tilespmem:s9+$0xA00]  }
0xf8: {  	v2 =	vld [tilespmem:s9+$0x200];
	_ =	sdelay $0x4  }
0xf9: {  	v1 =	vadd.f32 v1, v2;
	_ =	sdelay $0x1  }
0xfa: {  	v2 =	vmul.f32 $2.000000030e-01, v1  }
0xfb: {  	vm0 =	vge.f32 v1, $0.0e+00  }
0xfc: {  	v1 =	vsel vm0, v1, v2  }
0xfd: {  	v1 =	vmul.f32 $1.442695020e+00, v1;
	_ =	sdelay $0x1  }
0xfe: {  	(erf) = vpow2.f32 v1;
	_ =	sdelay $0x8  }
0xff: {  	v1 =	vpop (erf)  }
0x100: {  	s22 =	simm.s32 $0x1240;
	[tilespmem:s9+$0x200] =	vst v1  }
0x101: {  	v2 =	vld [tilespmem:s22+$0x30]  }
0x102: {  	v3 =	vld [tilespmem:s22+$0x20]  }
0x103: {  	v4 =	vld [tilespmem:s22+$0x10]  }
0x104: {  	v5 =	vbroadcast v1, $0x7;
	v6 =	vld [tilespmem:s22+$0x0]  }
0x105: {  	v7 =	vbroadcast v1, $0x6;
	v8 =	vld [tilespmem:s22+$0xFFFFFFF0]  }
0x106: {  	v9 =	vbroadcast v1, $0x5;
	v10 =	vld [tilespmem:s22+$0xFFFFFFE0];
	v2 =	vmul.f32 v2, v5  }
0x107: {  	v61 =	vbroadcast v1, $0x4;
	v11 =	vld [tilespmem:s22+$0xFFFFFFD0];
	v3 =	vmul.f32 v3, v7  }
0x108: {  	v62 =	vbroadcast v1, $0x3;
	v12 =	vld [tilespmem:s22+$0xFFFFFFC0];
	v4 =	vmul.f32 v4, v9;
	[tilespmem:s22+$0x30] =	vst v2  }
0x109: {  	v5 =	vmul.f32 v6, v61;
	v2 =	vbroadcast v1, $0x2;
	[tilespmem:s22+$0x20] =	vst v3  }
0x10a: {  	v63 =	vmul.f32 v8, v62;
	v3 =	vbroadcast v1, $0x1;
	[tilespmem:s22+$0x10] =	vst v4  }
0x10b: {  	v1 =	vbroadcast v1, $0x0;
	[tilespmem:s22+$0x0] =	vst v5;
	v2 =	vmul.f32 v2, v10  }
0x10c: {  	[tilespmem:s22+$0xFFFFFFF0] =	vst v63;
	v3 =	vmul.f32 v3, v11  }
0x10d: {  	v1 =	vmul.f32 v1, v12;
	[tilespmem:s22+$0xFFFFFFE0] =	vst v2  }
0x10e: {  	[tilespmem:s22+$0xFFFFFFD0] =	vst v3  }
0x10f: {  	s9 =	simm.s32 $0x10;
	[tilespmem:s22+$0xFFFFFFC0] =	vst v1  }
0x110: {  	s21 =	simm.s32 $0x80;
	v1 =	vld [tilespmem:s9+$0xA00]  }
.LBB2_5:
0x111: {  	p0 =	sne.s32 s21, $0xFC0;
	v2 =	vld [tilespmem:s9+$0x200];
	_ =	sdelay $0x4  }
0x112: {  	v1 =	vadd.f32 v1, v2;
	_ =	sdelay $0x1  }
0x113: {  	v2 =	vmul.f32 $2.000000030e-01, v1  }
0x114: {  	vm0 =	vge.f32 v1, $0.0e+00  }
0x115: {  	v1 =	vsel vm0, v1, v2  }
0x116: {  	v1 =	vmul.f32 $1.442695020e+00, v1;
	_ =	sdelay $0x1  }
0x117: {  	(erf) = vpow2.f32 v1;
	_ =	sdelay $0x8  }
0x118: {  	v1 =	vpop (erf)  }
0x119: {  	s22 =	sadd.s32 $0x80, s22;
	[tilespmem:s9+$0x200] =	vst v1;
	v2 =	vbroadcast v1, $0x6;
	v3 =	vbroadcast v1, $0x7  }
0x11a: {  	v4 =	vbroadcast v1, $0x4;
	v5 =	vbroadcast v1, $0x5;
	v6 =	vld [tilespmem:s22+$0x30]  }
0x11b: {  	v7 =	vbroadcast v1, $0x2;
	v8 =	vbroadcast v1, $0x3;
	v9 =	vld [tilespmem:s22+$0x20]  }
0x11c: {  	v10 =	vbroadcast v1, $0x0;
	v1 =	vbroadcast v1, $0x1;
	v11 =	vld [tilespmem:s22+$0x10]  }
0x11d: {  	v12 =	vld [tilespmem:s22+$0x0]  }
0x11e: {  	v13 =	vld [tilespmem:s22+$0xFFFFFFF0]  }
0x11f: {  	v14 =	vld [tilespmem:s22+$0xFFFFFFE0];
	v3 =	vmul.f32 v6, v3  }
0x120: {  	v6 =	vld [tilespmem:s22+$0xFFFFFFD0];
	v2 =	vmul.f32 v9, v2  }
0x121: {  	v9 =	vld [tilespmem:s22+$0xFFFFFFC0];
	v5 =	vmul.f32 v11, v5;
	[tilespmem:s22+$0x30] =	vst v3  }
0x122: {  	v3 =	vmul.f32 v12, v4;
	[tilespmem:s22+$0x20] =	vst v2  }
0x123: {  	v2 =	vmul.f32 v13, v8;
	[tilespmem:s22+$0x10] =	vst v5  }
0x124: {  	v4 =	vmul.f32 v7, v14;
	[tilespmem:s22+$0x0] =	vst v3  }
.Ltmp3:
0x125: {  	v1 =	vmul.f32 v1, v6;
	[tilespmem:s22+$0xFFFFFFF0] =	vst v2;
	(pc) =	sbr.rel @p0 .LBB2_5-.Ltmp3, $4  }
0x126: {  	v2 =	vmul.f32 v10, v9;
	[tilespmem:s22+$0xFFFFFFE0] =	vst v4  }
0x127: {  	[tilespmem:s22+$0xFFFFFFD0] =	vst v1  }
0x128: {  	s9 =	sshra.s32 s21, $0x2;
	[tilespmem:s22+$0xFFFFFFC0] =	vst v2  }
0x129: {  	s21 =	sadd.s32 $0x40, s21;
	v1 =	vld [tilespmem:s9+$0xA00]  }
0x12a: {  	v2 =	vld [tilespmem:s9+$0x200];
	_ =	sdelay $0x4  }
0x12b: {  	v1 =	vadd.f32 v1, v2;
	_ =	sdelay $0x1  }
0x12c: {  	v2 =	vmul.f32 $2.000000030e-01, v1  }
0x12d: {  	vm0 =	vge.f32 v1, $0.0e+00  }
0x12e: {  	v1 =	vsel vm0, v1, v2  }
0x12f: {  	v1 =	vmul.f32 $1.442695020e+00, v1;
	_ =	sdelay $0x1  }
0x130: {  	(erf) = vpow2.f32 v1;
	_ =	sdelay $0x8  }
0x131: {  	v1 =	vpop (erf)  }
0x132: {  	s14 =	sadd.s32 $0x80, s22;
	[tilespmem:s9+$0x200] =	vst v1  }
0x133: {  	v2 =	vld [tilespmem:s14+$0x30]  }
0x134: {  	v3 =	vld [tilespmem:s14+$0x20]  }
0x135: {  	v4 =	vld [tilespmem:s14+$0x10]  }
0x136: {  	v5 =	vbroadcast v1, $0x7;
	v6 =	vld [tilespmem:s14+$0x0]  }
0x137: {  	v7 =	vbroadcast v1, $0x6;
	v8 =	vld [tilespmem:s14+$0xFFFFFFF0]  }
0x138: {  	v9 =	vbroadcast v1, $0x5;
	v10 =	vld [tilespmem:s14+$0xFFFFFFE0];
	v2 =	vmul.f32 v2, v5  }
0x139: {  	v49 =	vbroadcast v1, $0x4;
	v11 =	vld [tilespmem:s14+$0xFFFFFFD0];
	v3 =	vmul.f32 v3, v7  }
0x13a: {  	v50 =	vbroadcast v1, $0x3;
	v12 =	vld [tilespmem:s14+$0xFFFFFFC0];
	v4 =	vmul.f32 v4, v9;
	[tilespmem:s14+$0x30] =	vst v2  }
0x13b: {  	v5 =	vmul.f32 v6, v49;
	v2 =	vbroadcast v1, $0x2;
	[tilespmem:s14+$0x20] =	vst v3  }
0x13c: {  	v51 =	vmul.f32 v8, v50;
	v3 =	vbroadcast v1, $0x1;
	[tilespmem:s14+$0x10] =	vst v4  }
0x13d: {  	v1 =	vbroadcast v1, $0x0;
	[tilespmem:s14+$0x0] =	vst v5;
	v2 =	vmul.f32 v2, v10  }
0x13e: {  	[tilespmem:s14+$0xFFFFFFF0] =	vst v51;
	v3 =	vmul.f32 v3, v11  }
0x13f: {  	v1 =	vmul.f32 v1, v12;
	[tilespmem:s14+$0xFFFFFFE0] =	vst v2  }
0x140: {  	[tilespmem:s14+$0xFFFFFFD0] =	vst v3  }
0x141: {  	[tilespmem:s14+$0xFFFFFFC0] =	vst v1  }
0x142: {  	[spmem:s13] =	stream.indirect.scatter.add.f32 [tilespmem:s3], [sflag:$0x7], $0x10, s1, s7, $0xb8;
	[tilespmem:$0x1BA00] =	vst v63  }
0x143: {  	_ =	swait.ge [sflag:s2], $0x400  }
0x144: {  	[sflag:s2] =	ssyncset.done $0x0;
	s9 =	sld [smem:$0x7F6]  }
0x145: {  	s22 =	sshll.u32 s5, $0x2;
	p0 =	seq.s32 s5, $0x27;
	[sflag:s2] =	ssyncadd.s32 $0xFFFFFC00  }
0x146: {  	[spmem:s12] =	stream.indirect.scatter.add.f32 [tilespmem:s31], [sflag:$0x7], $0x80, s1, s7, $0xb8;
	[tilespmem:$0x1BA00] =	vst v63  }
0x147: {  	s9 =	sadd.s32 @!p0 s22, s9  }
0x148: {  	_ =	swait.ge [sflag:s2], $0x2000;
	s9 =	sshll.u32 @!p0 s9, $0x4  }
0x149: {  	[sflag:s2] =	ssyncset.done $0x0;
	s9 =	sand.u32 @!p0 $0x1FFFFFC0, s9  }
0x14a: {  	s14 =	simm.s32 @!p0 $0x0;
	[sflag:s2] =	ssyncadd.s32 $0xFFFFE000;
	s9 =	sadd.s32 @!p0 s10, s9  }
0x14b: {  	[tilespmem:s14], [sflag:$0x3] =	stream.linear.gather @!p0 [hbm4b:s9+s14], $0x80, $0x38;
	[tilespmem:$0x1BA00] =	vst v63  }
0x14c: {  	_ =	swait.ge [sflag:s24], $0x80  }
0x14d: {  	[sflag:s24] =	ssyncset.done $0x0  }
0x14e: {  	[sflag:s24] =	ssyncadd.s32 $0xFFFFFF80  }
0x14f: {  	[tilespmem:s3], [sflag:$0x1] =	stream.indirect.gather [hbm4b:s16+s7], $0x10, s19, s7, $0xb8;
	[tilespmem:$0x1BA00] =	vst v63  }
0x150: {  	s21 =	simm.s32 $0xA00  }
0x151: {  	[tilespmem:s21], [sflag:$0x1] =	stream.indirect.gather [hbm4b:s17+s7], $0x10, s28, s7, $0xb8;
	[tilespmem:$0x1BA00] =	vst v63  }
0x152: {  	_ = 	snop  }
0x153: {  	[tilespmem:s31], [sflag:$0x1] =	stream.indirect.gather [hbm4b:s18+s7], $0x80, s28, s7, $0xb8;
	[tilespmem:$0x1BA00] =	vst v63  }
0x154: {  	_ =	swait.ge [sflag:s29], $0x400  }
0x155: {  	[sflag:s29] =	ssyncset.done $0x0  }
0x156: {  	[sflag:s29] =	ssyncadd.s32 $0xFFFFFC00  }
0x157: {  	_ =	swait.ge [sflag:s29], $0x400  }
0x158: {  	[sflag:s29] =	ssyncset.done $0x0  }
0x159: {  	[sflag:s29] =	ssyncadd.s32 $0xFFFFFC00  }
0x15a: {  	_ =	swait.ge [sflag:s29], $0x2000  }
0x15b: {  	[sflag:s29] =	ssyncset.done $0x0  }
0x15c: {  	s14 =	simm.s32 $0x0;
	[sflag:s29] =	ssyncadd.s32 $0xFFFFE000  }
0x15d: {  	v1 =	vld [tilespmem:s14+$0xE00]  }
0x15e: {  	v2 =	vld [tilespmem:s14+$0x600];
	_ =	sdelay $0x4  }
0x15f: {  	v1 =	vadd.f32 v1, v2;
	_ =	sdelay $0x1  }
0x160: {  	v2 =	vmul.f32 $2.000000030e-01, v1  }
0x161: {  	vm15 =	vge.f32 v1, $0.0e+00  }
0x162: {  	v1 =	vsel vm15, v1, v2  }
0x163: {  	v1 =	vmul.f32 $1.442695020e+00, v1;
	_ =	sdelay $0x1  }
0x164: {  	(erf) = vpow2.f32 v1;
	_ =	sdelay $0x8  }
0x165: {  	v1 =	vpop (erf)  }
0x166: {  	s21 =	simm.s32 $0x3240;
	[tilespmem:s14+$0x600] =	vst v1  }
0x167: {  	v2 =	vld [tilespmem:s21+$0x30]  }
0x168: {  	v3 =	vld [tilespmem:s21+$0x20]  }
0x169: {  	v52 =	vld [tilespmem:s21+$0x10]  }
0x16a: {  	v53 =	vbroadcast v1, $0x7;
	v54 =	vld [tilespmem:s21+$0x0]  }
0x16b: {  	v55 =	vbroadcast v1, $0x6;
	v56 =	vld [tilespmem:s21+$0xFFFFFFF0]  }
0x16c: {  	v57 =	vbroadcast v1, $0x5;
	v58 =	vld [tilespmem:s21+$0xFFFFFFE0];
	v2 =	vmul.f32 v2, v53  }
0x16d: {  	v59 =	vbroadcast v1, $0x4;
	v60 =	vld [tilespmem:s21+$0xFFFFFFD0];
	v3 =	vmul.f32 v3, v55  }
0x16e: {  	v61 =	vbroadcast v1, $0x3;
	v62 =	vld [tilespmem:s21+$0xFFFFFFC0];
	v4 =	vmul.f32 v52, v57;
	[tilespmem:s21+$0x30] =	vst v2  }
0x16f: {  	v5 =	vmul.f32 v54, v59;
	v2 =	vbroadcast v1, $0x2;
	[tilespmem:s21+$0x20] =	vst v3  }
0x170: {  	v63 =	vmul.f32 v56, v61;
	v3 =	vbroadcast v1, $0x1;
	[tilespmem:s21+$0x10] =	vst v4  }
0x171: {  	v1 =	vbroadcast v1, $0x0;
	[tilespmem:s21+$0x0] =	vst v5;
	v2 =	vmul.f32 v2, v58  }
0x172: {  	[tilespmem:s21+$0xFFFFFFF0] =	vst v63;
	v3 =	vmul.f32 v3, v60  }
0x173: {  	v1 =	vmul.f32 v1, v62;
	[tilespmem:s21+$0xFFFFFFE0] =	vst v2  }
0x174: {  	[tilespmem:s21+$0xFFFFFFD0] =	vst v3  }
0x175: {  	s14 =	simm.s32 $0x10;
	[tilespmem:s21+$0xFFFFFFC0] =	vst v1  }
0x176: {  	s9 =	simm.s32 $0x80;
	v1 =	vld [tilespmem:s14+$0xE00]  }
.LBB2_7:
0x177: {  	p1 =	sne.s32 s9, $0xFC0;
	v2 =	vld [tilespmem:s14+$0x600];
	_ =	sdelay $0x4  }
0x178: {  	v1 =	vadd.f32 v1, v2;
	_ =	sdelay $0x1  }
0x179: {  	v2 =	vmul.f32 $2.000000030e-01, v1  }
0x17a: {  	vm0 =	vge.f32 v1, $0.0e+00  }
0x17b: {  	v1 =	vsel vm0, v1, v2  }
0x17c: {  	v1 =	vmul.f32 $1.442695020e+00, v1;
	_ =	sdelay $0x1  }
0x17d: {  	(erf) = vpow2.f32 v1;
	_ =	sdelay $0x8  }
0x17e: {  	v1 =	vpop (erf)  }
0x17f: {  	s21 =	sadd.s32 $0x80, s21;
	[tilespmem:s14+$0x600] =	vst v1;
	v2 =	vbroadcast v1, $0x6;
	v3 =	vbroadcast v1, $0x7  }
0x180: {  	v4 =	vbroadcast v1, $0x4;
	v5 =	vbroadcast v1, $0x5;
	v6 =	vld [tilespmem:s21+$0x30]  }
0x181: {  	v7 =	vbroadcast v1, $0x2;
	v8 =	vbroadcast v1, $0x3;
	v9 =	vld [tilespmem:s21+$0x20]  }
0x182: {  	v10 =	vbroadcast v1, $0x0;
	v1 =	vbroadcast v1, $0x1;
	v11 =	vld [tilespmem:s21+$0x10]  }
0x183: {  	v12 =	vld [tilespmem:s21+$0x0]  }
0x184: {  	v13 =	vld [tilespmem:s21+$0xFFFFFFF0]  }
0x185: {  	v14 =	vld [tilespmem:s21+$0xFFFFFFE0];
	v3 =	vmul.f32 v6, v3  }
0x186: {  	v6 =	vld [tilespmem:s21+$0xFFFFFFD0];
	v2 =	vmul.f32 v9, v2  }
0x187: {  	v9 =	vld [tilespmem:s21+$0xFFFFFFC0];
	v5 =	vmul.f32 v11, v5;
	[tilespmem:s21+$0x30] =	vst v3  }
0x188: {  	v3 =	vmul.f32 v12, v4;
	[tilespmem:s21+$0x20] =	vst v2  }
0x189: {  	v2 =	vmul.f32 v13, v8;
	[tilespmem:s21+$0x10] =	vst v5  }
0x18a: {  	v4 =	vmul.f32 v7, v14;
	[tilespmem:s21+$0x0] =	vst v3  }
.Ltmp4:
0x18b: {  	v1 =	vmul.f32 v1, v6;
	[tilespmem:s21+$0xFFFFFFF0] =	vst v2;
	(pc) =	sbr.rel @p1 .LBB2_7-.Ltmp4, $4  }
0x18c: {  	v2 =	vmul.f32 v10, v9;
	[tilespmem:s21+$0xFFFFFFE0] =	vst v4  }
0x18d: {  	[tilespmem:s21+$0xFFFFFFD0] =	vst v1  }
0x18e: {  	s14 =	sshra.s32 s9, $0x2;
	[tilespmem:s21+$0xFFFFFFC0] =	vst v2  }
0x18f: {  	s9 =	sadd.s32 $0x40, s9;
	v1 =	vld [tilespmem:s14+$0xE00]  }
0x190: {  	v2 =	vld [tilespmem:s14+$0x600];
	_ =	sdelay $0x4  }
0x191: {  	v1 =	vadd.f32 v1, v2;
	_ =	sdelay $0x1  }
0x192: {  	v2 =	vmul.f32 $2.000000030e-01, v1  }
0x193: {  	vm0 =	vge.f32 v1, $0.0e+00  }
0x194: {  	v1 =	vsel vm0, v1, v2  }
0x195: {  	v1 =	vmul.f32 $1.442695020e+00, v1;
	_ =	sdelay $0x1  }
0x196: {  	(erf) = vpow2.f32 v1;
	_ =	sdelay $0x8  }
0x197: {  	v1 =	vpop (erf)  }
0x198: {  	s9 =	sadd.s32 $0x80, s21;
	[tilespmem:s14+$0x600] =	vst v1  }
0x199: {  	v2 =	vld [tilespmem:s9+$0x30]  }
0x19a: {  	v3 =	vld [tilespmem:s9+$0x20]  }
0x19b: {  	v4 =	vld [tilespmem:s9+$0x10]  }
0x19c: {  	v5 =	vbroadcast v1, $0x7;
	v6 =	vld [tilespmem:s9+$0x0]  }
0x19d: {  	v7 =	vbroadcast v1, $0x6;
	v8 =	vld [tilespmem:s9+$0xFFFFFFF0]  }
0x19e: {  	v9 =	vbroadcast v1, $0x5;
	v10 =	vld [tilespmem:s9+$0xFFFFFFE0];
	v2 =	vmul.f32 v2, v5  }
0x19f: {  	v49 =	vbroadcast v1, $0x4;
	v11 =	vld [tilespmem:s9+$0xFFFFFFD0];
	v3 =	vmul.f32 v3, v7  }
0x1a0: {  	v50 =	vbroadcast v1, $0x3;
	v12 =	vld [tilespmem:s9+$0xFFFFFFC0];
	v4 =	vmul.f32 v4, v9;
	[tilespmem:s9+$0x30] =	vst v2  }
0x1a1: {  	v5 =	vmul.f32 v6, v49;
	v2 =	vbroadcast v1, $0x2;
	[tilespmem:s9+$0x20] =	vst v3  }
0x1a2: {  	v51 =	vmul.f32 v8, v50;
	v3 =	vbroadcast v1, $0x1;
	[tilespmem:s9+$0x10] =	vst v4  }
0x1a3: {  	v1 =	vbroadcast v1, $0x0;
	[tilespmem:s9+$0x0] =	vst v5;
	v2 =	vmul.f32 v2, v10  }
0x1a4: {  	[tilespmem:s9+$0xFFFFFFF0] =	vst v51;
	v3 =	vmul.f32 v3, v11  }
0x1a5: {  	v1 =	vmul.f32 v1, v12;
	[tilespmem:s9+$0xFFFFFFE0] =	vst v2  }
0x1a6: {  	[tilespmem:s9+$0xFFFFFFD0] =	vst v3  }
0x1a7: {  	[tilespmem:s9+$0xFFFFFFC0] =	vst v1  }
0x1a8: {  	[spmem:s13] =	stream.indirect.scatter.add.f32 [tilespmem:s25], [sflag:$0x7], $0x10, s6, s7, $0xb8;
	[tilespmem:$0x1BA00] =	vst v63  }
0x1a9: {  	_ =	swait.ge [sflag:s2], $0x400  }
0x1aa: {  	[sflag:s2] =	ssyncset.done $0x0  }
0x1ab: {  	[sflag:s2] =	ssyncadd.s32 $0xFFFFFC00  }
0x1ac: {  	[spmem:s12] =	stream.indirect.scatter.add.f32 [tilespmem:s8], [sflag:$0x7], $0x80, s6, s7, $0xb8;
	[tilespmem:$0x1BA00] =	vst v63  }
0x1ad: {  	_ =	swait.ge [sflag:s2], $0x2000  }
0x1ae: {  	s9 =	sld [smem:$0x7F7];
	_ =	sdelay $0x2  }
0x1af: {  	s9 =	sadd.s32 @!p0 s22, s9  }
0x1b0: {  	s9 =	sshll.u32 @!p0 s9, $0x4  }
0x1b1: {  	s21 =	simm.s32 @!p0 $0x80;
	[sflag:s2] =	ssyncset.done $0x0;
	s9 =	sand.u32 @!p0 $0x1FFFFFD0, s9  }
0x1b2: {  	s14 =	simm.s32 @!p0 $0x0;
	[sflag:s2] =	ssyncadd.s32 $0xFFFFE000;
	s9 =	sadd.s32 @!p0 s10, s9  }
0x1b3: {  	[tilespmem:s21], [sflag:$0x4] =	stream.linear.gather @!p0 [hbm4b:s9+s14], $0x80, $0x38;
	[tilespmem:$0x1BA00] =	vst v63  }
0x1b4: {  	_ =	swait.ge [sflag:s11], $0x80  }
0x1b5: {  	[sflag:s11] =	ssyncset.done $0x0  }
0x1b6: {  	[sflag:s11] =	ssyncadd.s32 $0xFFFFFF80  }
0x1b7: {  	[tilespmem:s25], [sflag:$0x2] =	stream.indirect.gather [hbm4b:s16+s7], $0x10, s20, s7, $0xb8;
	[tilespmem:$0x1BA00] =	vst v63  }
0x1b8: {  	_ = 	snop  }
0x1b9: {  	[tilespmem:s30], [sflag:$0x2] =	stream.indirect.gather [hbm4b:s17+s7], $0x10, s0, s7, $0xb8;
	[tilespmem:$0x1BA00] =	vst v63  }
0x1ba: {  	_ = 	snop  }
0x1bb: {  	[tilespmem:s8], [sflag:$0x2] =	stream.indirect.gather [hbm4b:s18+s7], $0x80, s0, s7, $0xb8;
	[tilespmem:$0x1BA00] =	vst v63  }
0x1bc: {  	_ =	swait.ge [sflag:s23], $0x400  }
0x1bd: {  	[sflag:s23] =	ssyncset.done $0x0  }
0x1be: {  	[sflag:s23] =	ssyncadd.s32 $0xFFFFFC00  }
0x1bf: {  	_ =	swait.ge [sflag:s23], $0x400  }
0x1c0: {  	[sflag:s23] =	ssyncset.done $0x0  }
0x1c1: {  	[sflag:s23] =	ssyncadd.s32 $0xFFFFFC00  }
0x1c2: {  	_ =	swait.ge [sflag:s23], $0x2000  }
0x1c3: {  	[sflag:s23] =	ssyncset.done $0x0  }
0x1c4: {  	s14 =	simm.s32 $0x0;
	[sflag:s23] =	ssyncadd.s32 $0xFFFFE000  }
0x1c5: {  	v1 =	vld [tilespmem:s14+$0xA00]  }
0x1c6: {  	v2 =	vld [tilespmem:s14+$0x200];
	_ =	sdelay $0x4  }
0x1c7: {  	v1 =	vadd.f32 v1, v2;
	_ =	sdelay $0x1  }
0x1c8: {  	v2 =	vmul.f32 $2.000000030e-01, v1  }
0x1c9: {  	vm15 =	vge.f32 v1, $0.0e+00  }
0x1ca: {  	v1 =	vsel vm15, v1, v2  }
0x1cb: {  	v1 =	vmul.f32 $1.442695020e+00, v1;
	_ =	sdelay $0x1  }
0x1cc: {  	(erf) = vpow2.f32 v1;
	_ =	sdelay $0x8  }
0x1cd: {  	v1 =	vpop (erf)  }
0x1ce: {  	s21 =	simm.s32 $0x1240;
	[tilespmem:s14+$0x200] =	vst v1  }
0x1cf: {  	v2 =	vld [tilespmem:s21+$0x30]  }
0x1d0: {  	v3 =	vld [tilespmem:s21+$0x20]  }
0x1d1: {  	v52 =	vld [tilespmem:s21+$0x10]  }
0x1d2: {  	v53 =	vbroadcast v1, $0x7;
	v54 =	vld [tilespmem:s21+$0x0]  }
0x1d3: {  	v55 =	vbroadcast v1, $0x6;
	v56 =	vld [tilespmem:s21+$0xFFFFFFF0]  }
0x1d4: {  	v57 =	vbroadcast v1, $0x5;
	v58 =	vld [tilespmem:s21+$0xFFFFFFE0];
	v2 =	vmul.f32 v2, v53  }
0x1d5: {  	v59 =	vbroadcast v1, $0x4;
	v60 =	vld [tilespmem:s21+$0xFFFFFFD0];
	v3 =	vmul.f32 v3, v55  }
0x1d6: {  	v61 =	vbroadcast v1, $0x3;
	v62 =	vld [tilespmem:s21+$0xFFFFFFC0];
	v4 =	vmul.f32 v52, v57;
	[tilespmem:s21+$0x30] =	vst v2  }
0x1d7: {  	v5 =	vmul.f32 v54, v59;
	v2 =	vbroadcast v1, $0x2;
	[tilespmem:s21+$0x20] =	vst v3  }
0x1d8: {  	v63 =	vmul.f32 v56, v61;
	v3 =	vbroadcast v1, $0x1;
	[tilespmem:s21+$0x10] =	vst v4  }
0x1d9: {  	v1 =	vbroadcast v1, $0x0;
	[tilespmem:s21+$0x0] =	vst v5;
	v2 =	vmul.f32 v2, v58  }
0x1da: {  	[tilespmem:s21+$0xFFFFFFF0] =	vst v63;
	v3 =	vmul.f32 v3, v60  }
0x1db: {  	v1 =	vmul.f32 v1, v62;
	[tilespmem:s21+$0xFFFFFFE0] =	vst v2  }
0x1dc: {  	[tilespmem:s21+$0xFFFFFFD0] =	vst v3  }
0x1dd: {  	s14 =	simm.s32 $0x10;
	[tilespmem:s21+$0xFFFFFFC0] =	vst v1  }
0x1de: {  	s9 =	simm.s32 $0x80;
	v1 =	vld [tilespmem:s14+$0xA00]  }
.LBB2_9:
0x1df: {  	p1 =	sne.s32 s9, $0xFC0;
	v2 =	vld [tilespmem:s14+$0x200];
	_ =	sdelay $0x4  }
0x1e0: {  	v1 =	vadd.f32 v1, v2;
	_ =	sdelay $0x1  }
0x1e1: {  	v2 =	vmul.f32 $2.000000030e-01, v1  }
0x1e2: {  	vm0 =	vge.f32 v1, $0.0e+00  }
0x1e3: {  	v1 =	vsel vm0, v1, v2  }
0x1e4: {  	v1 =	vmul.f32 $1.442695020e+00, v1;
	_ =	sdelay $0x1  }
0x1e5: {  	(erf) = vpow2.f32 v1;
	_ =	sdelay $0x8  }
0x1e6: {  	v1 =	vpop (erf)  }
0x1e7: {  	s21 =	sadd.s32 $0x80, s21;
	[tilespmem:s14+$0x200] =	vst v1;
	v2 =	vbroadcast v1, $0x6;
	v3 =	vbroadcast v1, $0x7  }
0x1e8: {  	v4 =	vbroadcast v1, $0x4;
	v5 =	vbroadcast v1, $0x5;
	v6 =	vld [tilespmem:s21+$0x30]  }
0x1e9: {  	v7 =	vbroadcast v1, $0x2;
	v8 =	vbroadcast v1, $0x3;
	v9 =	vld [tilespmem:s21+$0x20]  }
0x1ea: {  	v10 =	vbroadcast v1, $0x0;
	v1 =	vbroadcast v1, $0x1;
	v11 =	vld [tilespmem:s21+$0x10]  }
0x1eb: {  	v12 =	vld [tilespmem:s21+$0x0]  }
0x1ec: {  	v13 =	vld [tilespmem:s21+$0xFFFFFFF0]  }
0x1ed: {  	v14 =	vld [tilespmem:s21+$0xFFFFFFE0];
	v3 =	vmul.f32 v6, v3  }
0x1ee: {  	v6 =	vld [tilespmem:s21+$0xFFFFFFD0];
	v2 =	vmul.f32 v9, v2  }
0x1ef: {  	v9 =	vld [tilespmem:s21+$0xFFFFFFC0];
	v5 =	vmul.f32 v11, v5;
	[tilespmem:s21+$0x30] =	vst v3  }
0x1f0: {  	v3 =	vmul.f32 v12, v4;
	[tilespmem:s21+$0x20] =	vst v2  }
0x1f1: {  	v2 =	vmul.f32 v13, v8;
	[tilespmem:s21+$0x10] =	vst v5  }
0x1f2: {  	v4 =	vmul.f32 v7, v14;
	[tilespmem:s21+$0x0] =	vst v3  }
.Ltmp5:
0x1f3: {  	v1 =	vmul.f32 v1, v6;
	[tilespmem:s21+$0xFFFFFFF0] =	vst v2;
	(pc) =	sbr.rel @p1 .LBB2_9-.Ltmp5, $4  }
0x1f4: {  	v2 =	vmul.f32 v10, v9;
	[tilespmem:s21+$0xFFFFFFE0] =	vst v4  }
0x1f5: {  	[tilespmem:s21+$0xFFFFFFD0] =	vst v1  }
0x1f6: {  	s14 =	sshra.s32 s9, $0x2;
	[tilespmem:s21+$0xFFFFFFC0] =	vst v2  }
0x1f7: {  	s9 =	sadd.s32 $0x40, s9;
	v1 =	vld [tilespmem:s14+$0xA00]  }
0x1f8: {  	v2 =	vld [tilespmem:s14+$0x200];
	_ =	sdelay $0x4  }
0x1f9: {  	v1 =	vadd.f32 v1, v2;
	_ =	sdelay $0x1  }
0x1fa: {  	v2 =	vmul.f32 $2.000000030e-01, v1  }
0x1fb: {  	vm0 =	vge.f32 v1, $0.0e+00  }
0x1fc: {  	v1 =	vsel vm0, v1, v2  }
0x1fd: {  	v1 =	vmul.f32 $1.442695020e+00, v1;
	_ =	sdelay $0x1  }
0x1fe: {  	(erf) = vpow2.f32 v1;
	_ =	sdelay $0x8  }
0x1ff: {  	v1 =	vpop (erf)  }
0x200: {  	s9 =	sadd.s32 $0x80, s21;
	[tilespmem:s14+$0x200] =	vst v1  }
0x201: {  	v2 =	vld [tilespmem:s9+$0x30]  }
0x202: {  	v3 =	vld [tilespmem:s9+$0x20]  }
0x203: {  	v4 =	vld [tilespmem:s9+$0x10]  }
0x204: {  	v5 =	vbroadcast v1, $0x7;
	v6 =	vld [tilespmem:s9+$0x0]  }
0x205: {  	v7 =	vbroadcast v1, $0x6;
	v8 =	vld [tilespmem:s9+$0xFFFFFFF0]  }
0x206: {  	v9 =	vbroadcast v1, $0x5;
	v10 =	vld [tilespmem:s9+$0xFFFFFFE0];
	v2 =	vmul.f32 v2, v5  }
0x207: {  	v49 =	vbroadcast v1, $0x4;
	v11 =	vld [tilespmem:s9+$0xFFFFFFD0];
	v3 =	vmul.f32 v3, v7  }
0x208: {  	v50 =	vbroadcast v1, $0x3;
	v12 =	vld [tilespmem:s9+$0xFFFFFFC0];
	v4 =	vmul.f32 v4, v9;
	[tilespmem:s9+$0x30] =	vst v2  }
0x209: {  	v5 =	vmul.f32 v6, v49;
	v2 =	vbroadcast v1, $0x2;
	[tilespmem:s9+$0x20] =	vst v3  }
0x20a: {  	v51 =	vmul.f32 v8, v50;
	v3 =	vbroadcast v1, $0x1;
	[tilespmem:s9+$0x10] =	vst v4  }
0x20b: {  	v1 =	vbroadcast v1, $0x0;
	[tilespmem:s9+$0x0] =	vst v5;
	v2 =	vmul.f32 v2, v10  }
0x20c: {  	[tilespmem:s9+$0xFFFFFFF0] =	vst v51;
	v3 =	vmul.f32 v3, v11  }
0x20d: {  	v1 =	vmul.f32 v1, v12;
	[tilespmem:s9+$0xFFFFFFE0] =	vst v2  }
0x20e: {  	[tilespmem:s9+$0xFFFFFFD0] =	vst v3  }
0x20f: {  	[tilespmem:s9+$0xFFFFFFC0] =	vst v1  }
0x210: {  	[spmem:s13] =	stream.indirect.scatter.add.f32 [tilespmem:s3], [sflag:$0x7], $0x10, s19, s7, $0xb8;
	[tilespmem:$0x1BA00] =	vst v63  }
0x211: {  	_ =	swait.ge [sflag:s2], $0x400  }
0x212: {  	[sflag:s2] =	ssyncset.done $0x0  }
0x213: {  	s9 =	sadd.s32 @!p0 s22, s15;
	[sflag:s2] =	ssyncadd.s32 $0xFFFFFC00  }
0x214: {  	[spmem:s12] =	stream.indirect.scatter.add.f32 [tilespmem:s31], [sflag:$0x7], $0x80, s19, s7, $0xb8;
	[tilespmem:$0x1BA00] =	vst v63  }
0x215: {  	s9 =	sshll.u32 @!p0 s9, $0x4;
	_ =	swait.ge [sflag:s2], $0x2000  }
0x216: {  	s21 =	simm.s32 @!p0 $0x100;
	s9 =	sand.u32 @!p0 $0x1FFFFFE0, s9;
	[sflag:s2] =	ssyncset.done $0x0  }
0x217: {  	s14 =	simm.s32 @!p0 $0x0;
	s9 =	sadd.s32 @!p0 s10, s9;
	[sflag:s2] =	ssyncadd.s32 $0xFFFFE000  }
0x218: {  	[tilespmem:s21], [sflag:$0x5] =	stream.linear.gather @!p0 [hbm4b:s9+s14], $0x80, $0x38;
	[tilespmem:$0x1BA00] =	vst v63  }
0x219: {  	s9 =	simm.s32 @!p0 $0x3  }
0x21a: {  	_ =	swait.ge @!p0 [sflag:s9], $0x80  }
0x21b: {  	[sflag:s9] =	ssyncset.done @!p0 $0x0  }
0x21c: {  	s21 =	simm.s32 @!p0 $0x200;
	[sflag:s9] =	ssyncadd.s32 @!p0 $0xFFFFFF80;
	s9 =	simm.s32 @!p0 $0x40  }
0x21d: {  	[tilespmem:s21], [sflag:$0x1] =	stream.indirect.gather @!p0 [hbm4b:s16+s9], $0x10, s14, s9, $0xb8;
	[tilespmem:$0x1BA00] =	vst v63  }
0x21e: {  	s14 =	simm.s32 @!p0 $0xA00  }
0x21f: {  	[tilespmem:s14], [sflag:$0x1] =	stream.indirect.gather @!p0 [hbm4b:s17+s9], $0x10, s9, s9, $0xb8;
	[tilespmem:$0x1BA00] =	vst v63  }
0x220: {  	s14 =	simm.s32 @!p0 $0x1200  }
0x221: {  	[tilespmem:s14], [sflag:$0x1] =	stream.indirect.gather @!p0 [hbm4b:s18+s9], $0x80, s9, s9, $0xb8;
	[tilespmem:$0x1BA00] =	vst v63  }
0x222: {  	_ =	swait.ge [sflag:s29], $0x400  }
0x223: {  	[sflag:s29] =	ssyncset.done $0x0  }
0x224: {  	[sflag:s29] =	ssyncadd.s32 $0xFFFFFC00  }
0x225: {  	_ =	swait.ge [sflag:s29], $0x400  }
0x226: {  	[sflag:s29] =	ssyncset.done $0x0  }
0x227: {  	[sflag:s29] =	ssyncadd.s32 $0xFFFFFC00  }
0x228: {  	_ =	swait.ge [sflag:s29], $0x2000  }
0x229: {  	[sflag:s29] =	ssyncset.done $0x0  }
0x22a: {  	s14 =	simm.s32 $0x0;
	[sflag:s29] =	ssyncadd.s32 $0xFFFFE000  }
0x22b: {  	v1 =	vld [tilespmem:s14+$0xE00]  }
0x22c: {  	v2 =	vld [tilespmem:s14+$0x600];
	_ =	sdelay $0x4  }
0x22d: {  	v1 =	vadd.f32 v1, v2;
	_ =	sdelay $0x1  }
0x22e: {  	v2 =	vmul.f32 $2.000000030e-01, v1  }
0x22f: {  	vm15 =	vge.f32 v1, $0.0e+00  }
0x230: {  	v1 =	vsel vm15, v1, v2  }
0x231: {  	v1 =	vmul.f32 $1.442695020e+00, v1;
	_ =	sdelay $0x1  }
0x232: {  	(erf) = vpow2.f32 v1;
	_ =	sdelay $0x8  }
0x233: {  	v1 =	vpop (erf)  }
0x234: {  	s21 =	simm.s32 $0x3240;
	[tilespmem:s14+$0x600] =	vst v1  }
0x235: {  	v2 =	vld [tilespmem:s21+$0x30]  }
0x236: {  	v3 =	vld [tilespmem:s21+$0x20]  }
0x237: {  	v52 =	vld [tilespmem:s21+$0x10]  }
0x238: {  	v53 =	vbroadcast v1, $0x7;
	v54 =	vld [tilespmem:s21+$0x0]  }
0x239: {  	v55 =	vbroadcast v1, $0x6;
	v56 =	vld [tilespmem:s21+$0xFFFFFFF0]  }
0x23a: {  	v57 =	vbroadcast v1, $0x5;
	v58 =	vld [tilespmem:s21+$0xFFFFFFE0];
	v2 =	vmul.f32 v2, v53  }
0x23b: {  	v59 =	vbroadcast v1, $0x4;
	v60 =	vld [tilespmem:s21+$0xFFFFFFD0];
	v3 =	vmul.f32 v3, v55  }
0x23c: {  	v61 =	vbroadcast v1, $0x3;
	v62 =	vld [tilespmem:s21+$0xFFFFFFC0];
	v4 =	vmul.f32 v52, v57;
	[tilespmem:s21+$0x30] =	vst v2  }
0x23d: {  	v5 =	vmul.f32 v54, v59;
	v2 =	vbroadcast v1, $0x2;
	[tilespmem:s21+$0x20] =	vst v3  }
0x23e: {  	v63 =	vmul.f32 v56, v61;
	v3 =	vbroadcast v1, $0x1;
	[tilespmem:s21+$0x10] =	vst v4  }
0x23f: {  	v1 =	vbroadcast v1, $0x0;
	[tilespmem:s21+$0x0] =	vst v5;
	v2 =	vmul.f32 v2, v58  }
0x240: {  	[tilespmem:s21+$0xFFFFFFF0] =	vst v63;
	v3 =	vmul.f32 v3, v60  }
0x241: {  	v1 =	vmul.f32 v1, v62;
	[tilespmem:s21+$0xFFFFFFE0] =	vst v2  }
0x242: {  	[tilespmem:s21+$0xFFFFFFD0] =	vst v3  }
0x243: {  	s14 =	simm.s32 $0x10;
	[tilespmem:s21+$0xFFFFFFC0] =	vst v1  }
0x244: {  	s9 =	simm.s32 $0x80;
	v1 =	vld [tilespmem:s14+$0xE00]  }
.LBB2_11:
0x245: {  	p1 =	sne.s32 s9, $0xFC0;
	v2 =	vld [tilespmem:s14+$0x600];
	_ =	sdelay $0x4  }
0x246: {  	v1 =	vadd.f32 v1, v2;
	_ =	sdelay $0x1  }
0x247: {  	v2 =	vmul.f32 $2.000000030e-01, v1  }
0x248: {  	vm0 =	vge.f32 v1, $0.0e+00  }
0x249: {  	v1 =	vsel vm0, v1, v2  }
0x24a: {  	v1 =	vmul.f32 $1.442695020e+00, v1;
	_ =	sdelay $0x1  }
0x24b: {  	(erf) = vpow2.f32 v1;
	_ =	sdelay $0x8  }
0x24c: {  	v1 =	vpop (erf)  }
0x24d: {  	s21 =	sadd.s32 $0x80, s21;
	[tilespmem:s14+$0x600] =	vst v1;
	v2 =	vbroadcast v1, $0x6;
	v3 =	vbroadcast v1, $0x7  }
0x24e: {  	v4 =	vbroadcast v1, $0x4;
	v5 =	vbroadcast v1, $0x5;
	v6 =	vld [tilespmem:s21+$0x30]  }
0x24f: {  	v7 =	vbroadcast v1, $0x2;
	v8 =	vbroadcast v1, $0x3;
	v9 =	vld [tilespmem:s21+$0x20]  }
0x250: {  	v10 =	vbroadcast v1, $0x0;
	v1 =	vbroadcast v1, $0x1;
	v11 =	vld [tilespmem:s21+$0x10]  }
0x251: {  	v12 =	vld [tilespmem:s21+$0x0]  }
0x252: {  	v13 =	vld [tilespmem:s21+$0xFFFFFFF0]  }
0x253: {  	v14 =	vld [tilespmem:s21+$0xFFFFFFE0];
	v3 =	vmul.f32 v6, v3  }
0x254: {  	v6 =	vld [tilespmem:s21+$0xFFFFFFD0];
	v2 =	vmul.f32 v9, v2  }
0x255: {  	v9 =	vld [tilespmem:s21+$0xFFFFFFC0];
	v5 =	vmul.f32 v11, v5;
	[tilespmem:s21+$0x30] =	vst v3  }
0x256: {  	v3 =	vmul.f32 v12, v4;
	[tilespmem:s21+$0x20] =	vst v2  }
0x257: {  	v2 =	vmul.f32 v13, v8;
	[tilespmem:s21+$0x10] =	vst v5  }
0x258: {  	v4 =	vmul.f32 v7, v14;
	[tilespmem:s21+$0x0] =	vst v3  }
.Ltmp6:
0x259: {  	v1 =	vmul.f32 v1, v6;
	[tilespmem:s21+$0xFFFFFFF0] =	vst v2;
	(pc) =	sbr.rel @p1 .LBB2_11-.Ltmp6, $4  }
0x25a: {  	v2 =	vmul.f32 v10, v9;
	[tilespmem:s21+$0xFFFFFFE0] =	vst v4  }
0x25b: {  	[tilespmem:s21+$0xFFFFFFD0] =	vst v1  }
0x25c: {  	s14 =	sshra.s32 s9, $0x2;
	[tilespmem:s21+$0xFFFFFFC0] =	vst v2  }
0x25d: {  	s9 =	sadd.s32 $0x40, s9;
	v1 =	vld [tilespmem:s14+$0xE00]  }
0x25e: {  	v2 =	vld [tilespmem:s14+$0x600];
	_ =	sdelay $0x4  }
0x25f: {  	v1 =	vadd.f32 v1, v2;
	_ =	sdelay $0x1  }
0x260: {  	v2 =	vmul.f32 $2.000000030e-01, v1  }
0x261: {  	vm0 =	vge.f32 v1, $0.0e+00  }
0x262: {  	v1 =	vsel vm0, v1, v2  }
0x263: {  	v1 =	vmul.f32 $1.442695020e+00, v1;
	_ =	sdelay $0x1  }
0x264: {  	(erf) = vpow2.f32 v1;
	_ =	sdelay $0x8  }
0x265: {  	v1 =	vpop (erf)  }
0x266: {  	s9 =	sadd.s32 $0x80, s21;
	[tilespmem:s14+$0x600] =	vst v1  }
0x267: {  	v2 =	vld [tilespmem:s9+$0x30]  }
0x268: {  	v3 =	vld [tilespmem:s9+$0x20]  }
0x269: {  	v4 =	vld [tilespmem:s9+$0x10]  }
0x26a: {  	v5 =	vbroadcast v1, $0x7;
	v6 =	vld [tilespmem:s9+$0x0]  }
0x26b: {  	v7 =	vbroadcast v1, $0x6;
	v8 =	vld [tilespmem:s9+$0xFFFFFFF0]  }
0x26c: {  	v9 =	vbroadcast v1, $0x5;
	v10 =	vld [tilespmem:s9+$0xFFFFFFE0];
	v2 =	vmul.f32 v2, v5  }
0x26d: {  	v61 =	vbroadcast v1, $0x4;
	v11 =	vld [tilespmem:s9+$0xFFFFFFD0];
	v3 =	vmul.f32 v3, v7  }
0x26e: {  	v62 =	vbroadcast v1, $0x3;
	v12 =	vld [tilespmem:s9+$0xFFFFFFC0];
	v4 =	vmul.f32 v4, v9;
	[tilespmem:s9+$0x30] =	vst v2  }
0x26f: {  	v5 =	vmul.f32 v6, v61;
	v2 =	vbroadcast v1, $0x2;
	[tilespmem:s9+$0x20] =	vst v3  }
0x270: {  	v63 =	vmul.f32 v8, v62;
	v3 =	vbroadcast v1, $0x1;
	[tilespmem:s9+$0x10] =	vst v4  }
0x271: {  	v1 =	vbroadcast v1, $0x0;
	[tilespmem:s9+$0x0] =	vst v5;
	v2 =	vmul.f32 v2, v10  }
0x272: {  	[tilespmem:s9+$0xFFFFFFF0] =	vst v63;
	v3 =	vmul.f32 v3, v11  }
0x273: {  	v1 =	vmul.f32 v1, v12;
	[tilespmem:s9+$0xFFFFFFE0] =	vst v2  }
0x274: {  	[tilespmem:s9+$0xFFFFFFD0] =	vst v3  }
0x275: {  	[tilespmem:s9+$0xFFFFFFC0] =	vst v1  }
0x276: {  	[spmem:s13] =	stream.indirect.scatter.add.f32 [tilespmem:s25], [sflag:$0x7], $0x10, s20, s7, $0xb8;
	[tilespmem:$0x1BA00] =	vst v63  }
0x277: {  	_ =	swait.ge [sflag:s2], $0x400  }
0x278: {  	[sflag:s2] =	ssyncset.done $0x0  }
.Ltmp7:
0x279: {  	[sflag:s2] =	ssyncadd.s32 $0xFFFFFC00;
	(pc) =	sbr.rel @p0 .LBB2_14-.Ltmp7, $4  }
0x27a: {  	[spmem:s12] =	stream.indirect.scatter.add.f32 [tilespmem:s8], [sflag:$0x7], $0x80, s20, s7, $0xb8;
	[tilespmem:$0x1BA00] =	vst v63  }
0x27b: {  	_ =	swait.ge [sflag:s2], $0x2000  }
0x27c: {  	[sflag:s2] =	ssyncset.done $0x0  }
0x27d: {  	[sflag:s2] =	ssyncadd.s32 $0xFFFFE000  }
0x27e: {  	s9 =	sld [smem:$0x7F8];
	_ =	sdelay $0x2  }
0x27f: {  	s9 =	sadd.s32 s22, s9  }
0x280: {  	s9 =	sshll.u32 s9, $0x4  }
0x281: {  	s9 =	sand.u32 $0x1FFFFFF0, s9  }
0x282: {  	s9 =	sadd.s32 s10, s9  }
0x283: {  	[tilespmem:s20], [sflag:$0x6] =	stream.linear.gather [hbm4b:s9+s1], $0x80, $0x38;
	[tilespmem:$0x1BA00] =	vst v63  }
0x284: {  	_ =	swait.ge [sflag:s4], $0x80  }
0x285: {  	[sflag:s4] =	ssyncset.done $0x0  }
0x286: {  	[sflag:s4] =	ssyncadd.s32 $0xFFFFFF80  }
0x287: {  	[tilespmem:s25], [sflag:$0x2] =	stream.indirect.gather [hbm4b:s16+s7], $0x10, s6, s7, $0xb8;
	[tilespmem:$0x1BA00] =	vst v63  }
.Ltmp8:
0x288: {  	_ = 	snop;
	(pc) =	sbr.rel .LBB2_4-.Ltmp8, $4  }
0x289: {  	_ = 	snop  }
0x28a: {  	[tilespmem:s30], [sflag:$0x2] =	stream.indirect.gather [hbm4b:s17+s7], $0x10, s26, s7, $0xb8;
	[tilespmem:$0x1BA00] =	vst v63  }
0x28b: {  	s5 =	sadd.s32 $0x1, s5  }
0x28c: {  	[tilespmem:s8], [sflag:$0x2] =	stream.indirect.gather [hbm4b:s18+s7], $0x80, s26, s7, $0xb8;
	[tilespmem:$0x1BA00] =	vst v63  }
.LBB2_15:
0x28d: {  	_ =	sfence.sel $0x180000  }
0x28e: {  	[bflag:$0x0] =	sbarrier.arrive $0xFFFF  }
0x28f: {  	_ =	strace $0x90000047  }
0x290: {  	s0 =	stileid.u32;
	[bflag:$0x2] =	sbarrier.arrive $0xFFFF  }
0x291: {  	p0 =	sne.s32 s0, $0x0;
	s0 =	rddreg [dreg:$0x4]  }
0x292: {  	s0 =	sadd.s32 @!p0 $0x100000, s0  }
0x293: {  	[sflag:s0] =	ssyncadd.tile.s32 @!p0 $0x1;
	_ =	shalt  }
.Lfunc_end2:
_tile_overlayer_lowered:
.L_overlay_start_2:
0x294: {  	(tag) =	ssettag $0x2  }
0x295: {  	s0 =	rddreg [dreg:$0x0];
	s2 =	stileid.u32  }
0x296: {  	s1 =	rddreg [dreg:$0x1];
	p0 =	sne.s32 s2, $0x0  }
0x297: {  	s3 =	rddreg [dreg:$0x2];
	[bflag:$0x3] =	sbarrier.arrive $0xFFFF;
	s2 =	simm.s32 @!p0 $0x1C07  }
0x298: {  	[timem:s3], [sflag:s2] =	dma.local @!p0 [hbm:s0], s1  }
0x299: {  	s0 =	simm.s32 @!p0 $0x7  }
0x29a: {  	_ =	swait.ge @!p0 [sflag:s0], s1  }
0x29b: {  	s1 =	ssub.s32 @!p0 $0x0, s1;
	[sflag:s0] =	ssyncset.done @!p0 $0x0  }
0x29c: {  	[sflag:s0] =	ssyncadd.s32 @!p0 s1  }
0x29d: {  	[bflag:$0x3] =	sbarrier.arrive $0xFFFF  }
0x29e: {  	_ =	shalt  }

</sc_bundles>
